<compile_context>
chip_gen: v7x
topology: tpu7x:2x2x1
jax: 0.10.2.dev20260603
libtpu: 0.0.44.dev20260713+nightly
codegen_flags: <defaults>
</compile_context>

<pallas_src>
import functools

import jax
import jax.numpy as jnp
from jax import lax
from jax.experimental import pallas as pl
from jax.experimental.pallas import tpu as pltpu
from jax.experimental.pallas import tpu_sc as plsc

T = 2048
D = 768
FFN = 3072
E = 8
BLK = 128
NBLK = 40
NPAD = NBLK * BLK
DW = D // 2

_INTERPRET = False

_NC = 2
_NS = 16
_NW = _NC * _NS
_CHUNK = T // _NW


def _sc_mesh():
    return plsc.VectorSubcoreMesh(core_axis_name="c", subcore_axis_name="s")


def _dispatch_body(sel_ref, pos0_ref, pos1_ref, be_ref):
    lane = lax.broadcasted_iota(jnp.int32, (T, E), 1)

    def _bc(v):
        return jnp.broadcast_to(v, (T, E))

    sel0 = sel_ref[:, 0:1]
    sel1 = sel_ref[:, 1:2]
    oh0 = (lane == _bc(sel0)).astype(jnp.bfloat16)
    oh1 = (lane == _bc(sel1)).astype(jnp.bfloat16)
    ri = lax.broadcasted_iota(jnp.int32, (T, T), 0)
    ci = lax.broadcasted_iota(jnp.int32, (T, T), 1)
    lt = (ci < ri).astype(jnp.bfloat16)
    rank0 = lax.dot_general(lt, oh0, (((1,), (0,)), ((), ())),
                            preferred_element_type=jnp.float32)
    rank1 = lax.dot_general(lt, oh1, (((1,), (0,)), ((), ())),
                            preferred_element_type=jnp.float32)
    tot0 = jnp.sum(oh0.astype(jnp.float32), axis=0, keepdims=True)
    tot1 = jnp.sum(oh1.astype(jnp.float32), axis=0, keepdims=True)
    rank1 = rank1 + _bc(tot0)
    cnt = tot0 + tot1
    nb = jnp.floor((cnt + (BLK - 1)) * (1.0 / BLK))
    lane8r = lax.broadcasted_iota(jnp.int32, (E, E), 0)
    lane8c = lax.broadcasted_iota(jnp.int32, (E, E), 1)
    lt8 = (lane8c < lane8r).astype(jnp.float32)
    bs = lax.dot_general(nb, lt8, (((1,), (1,)), ((), ())),
                         preferred_element_type=jnp.float32)
    off = bs * float(BLK)
    pos0 = jnp.sum((_bc(off) + rank0) * oh0.astype(jnp.float32),
                   axis=1, keepdims=True)
    pos1 = jnp.sum((_bc(off) + rank1) * oh1.astype(jnp.float32),
                   axis=1, keepdims=True)
    pos0_ref[...] = pos0.astype(jnp.int32)
    pos1_ref[...] = pos1.astype(jnp.int32)
    biota = lax.broadcasted_iota(jnp.int32, (128, E), 0)
    bsi = bs.astype(jnp.int32)
    ge = (biota >= jnp.broadcast_to(bsi, (128, E))).astype(jnp.float32)
    be = jnp.sum(ge, axis=1, keepdims=True) - 1.0
    be_ref[...] = be.astype(jnp.int32)


def _dispatch(sel):
    return pl.pallas_call(
        _dispatch_body,
        out_shape=(
            jax.ShapeDtypeStruct((T, 1), jnp.int32),
            jax.ShapeDtypeStruct((T, 1), jnp.int32),
            jax.ShapeDtypeStruct((128, 1), jnp.int32),
        ),
        interpret=_INTERPRET,
    )(sel)


@functools.lru_cache(maxsize=None)
def _make_sc_scatter():
    @functools.partial(
        pl.kernel,
        mesh=_sc_mesh(),
        out_type=jax.ShapeDtypeStruct((NPAD, DW), jnp.int32),
        scratch_types=[
            pltpu.VMEM((_CHUNK,), jnp.int32),
            pltpu.VMEM((_CHUNK,), jnp.int32),
            pltpu.VMEM((_CHUNK, DW), jnp.int32),
            pltpu.SemaphoreType.DMA,
        ],
    )
    def _sc_scatter(hs_hbm, pos0_hbm, pos1_hbm, out_hbm,
                    i0_v, i1_v, rows_v, sem):
        wid = lax.axis_index("s") * _NC + lax.axis_index("c")
        base = wid * _CHUNK
        pltpu.sync_copy(hs_hbm.at[pl.ds(base, _CHUNK)], rows_v)
        pltpu.sync_copy(pos0_hbm.at[pl.ds(base, _CHUNK)], i0_v)
        pltpu.sync_copy(pos1_hbm.at[pl.ds(base, _CHUNK)], i1_v)
        pltpu.async_copy(rows_v, out_hbm.at[i0_v], sem).wait()
        pltpu.async_copy(rows_v, out_hbm.at[i1_v], sem).wait()

    return _sc_scatter


def _gffn_body(be_ref, x_ref, wg_ref, wu_ref, wd_ref, y_ref):
    x = x_ref[...]
    a = lax.dot_general(x, wg_ref[0], (((1,), (1,)), ((), ())),
                        preferred_element_type=jnp.float32).astype(jnp.bfloat16)
    b = lax.dot_general(x, wu_ref[0], (((1,), (1,)), ((), ())),
                        preferred_element_type=jnp.float32).astype(jnp.bfloat16)
    h = (a * jax.nn.sigmoid(a)) * b
    y_ref[...] = lax.dot_general(h, wd_ref[0], (((1,), (1,)), ((), ())),
                                 preferred_element_type=jnp.float32
                                 ).astype(jnp.bfloat16)


def _grouped_ffn(be, x_sorted, w_gate, w_up, w_down):
    grid_spec = pltpu.PrefetchScalarGridSpec(
        num_scalar_prefetch=1,
        grid=(NBLK,),
        in_specs=[
            pl.BlockSpec((BLK, D), lambda b, be: (b, 0)),
            pl.BlockSpec((1, FFN, D), lambda b, be: (be[b], 0, 0)),
            pl.BlockSpec((1, FFN, D), lambda b, be: (be[b], 0, 0)),
            pl.BlockSpec((1, D, FFN), lambda b, be: (be[b], 0, 0)),
        ],
        out_specs=pl.BlockSpec((BLK, D), lambda b, be: (b, 0)),
    )
    return pl.pallas_call(
        _gffn_body,
        grid_spec=grid_spec,
        out_shape=jax.ShapeDtypeStruct((NPAD, D), jnp.bfloat16),
        interpret=_INTERPRET,
    )(be, x_sorted, w_gate, w_up, w_down)


@functools.lru_cache(maxsize=None)
def _make_sc_combine():
    @functools.partial(
        pl.kernel,
        mesh=_sc_mesh(),
        out_type=jax.ShapeDtypeStruct((T, DW), jnp.int32),
        scratch_types=[
            pltpu.VMEM((_CHUNK,), jnp.int32),
            pltpu.VMEM((_CHUNK,), jnp.int32),
            pltpu.VMEM((_CHUNK, 16), jnp.float32),
            pltpu.VMEM((_CHUNK, 16), jnp.float32),
            pltpu.VMEM((_CHUNK, DW), jnp.int32),
            pltpu.VMEM((_CHUNK, DW), jnp.int32),
            pltpu.VMEM((_CHUNK, DW), jnp.int32),
            pltpu.SemaphoreType.DMA,
        ],
    )
    def _sc_combine(y_hbm, pos0_hbm, pos1_hbm, w0_hbm, w1_hbm, out_hbm,
                    i0_v, i1_v, w0_v, w1_v, r0_v, r1_v, o_v, sem):
        wid = lax.axis_index("s") * _NC + lax.axis_index("c")
        base = wid * _CHUNK
        pltpu.sync_copy(pos0_hbm.at[pl.ds(base, _CHUNK)], i0_v)
        pltpu.sync_copy(pos1_hbm.at[pl.ds(base, _CHUNK)], i1_v)
        pltpu.sync_copy(w0_hbm.at[pl.ds(base, _CHUNK)], w0_v)
        pltpu.sync_copy(w1_hbm.at[pl.ds(base, _CHUNK)], w1_v)
        pltpu.async_copy(y_hbm.at[i0_v], r0_v, sem).wait()
        pltpu.async_copy(y_hbm.at[i1_v], r1_v, sem).wait()

        topmask = jnp.int32(-65536)

        def _lo_f32(word):
            return lax.bitcast_convert_type(lax.shift_left(word, 16), jnp.float32)

        def _hi_f32(word):
            return lax.bitcast_convert_type(word & topmask, jnp.float32)

        def _rne_bits(x):
            u = lax.bitcast_convert_type(x, jnp.int32)
            r = u + jnp.int32(0x7FFF) + (lax.shift_right_logical(u, 16)
                                         & jnp.int32(1))
            return r & topmask

        def row(i, carry):
            w0b = w0_v[i, :]
            w1b = w1_v[i, :]
            for j in range(DW // 16):
                y0 = r0_v[i, pl.ds(j * 16, 16)]
                y1 = r1_v[i, pl.ds(j * 16, 16)]
                s_lo = w0b * _lo_f32(y0) + w1b * _lo_f32(y1)
                s_hi = w0b * _hi_f32(y0) + w1b * _hi_f32(y1)
                word = (lax.shift_right_logical(_rne_bits(s_lo), 16)
                        | _rne_bits(s_hi))
                o_v[i, pl.ds(j * 16, 16)] = word
            return carry

        lax.fori_loop(0, _CHUNK, row, 0)
        pltpu.sync_copy(o_v, out_hbm.at[pl.ds(base, _CHUNK)])

    return _sc_combine


@functools.partial(jax.jit, static_argnames=())
def kernel(hidden_states, gate_w, w_gate, w_up, w_down):
    bsz, seq, d = hidden_states.shape
    hs = hidden_states.reshape(-1, d)
    logits = (hs @ gate_w.T).astype(jnp.bfloat16)
    p = jax.nn.softmax(logits, axis=1)
    rw_topk, sel = jax.lax.top_k(p, 2)
    rw32 = rw_topk.astype(jnp.float32)
    rw32 = rw32 / rw32.sum(axis=-1, keepdims=True)
    w = rw32.astype(jnp.bfloat16)

    pos0, pos1, be = _dispatch(sel)
    pos0 = pos0.reshape(T)
    pos1 = pos1.reshape(T)
    be = be.reshape(128)[:NBLK]

    hs_i32 = lax.bitcast_convert_type(hs.reshape(T, DW, 2), jnp.int32)
    x_sorted_i32 = _make_sc_scatter()(hs_i32, pos0, pos1)
    x_sorted = lax.bitcast_convert_type(
        x_sorted_i32, jnp.bfloat16).reshape(NPAD, D)

    y = _grouped_ffn(be, x_sorted, w_gate, w_up, w_down)

    y_i32 = lax.bitcast_convert_type(y.reshape(NPAD, DW, 2), jnp.int32)
    w0rep = jnp.broadcast_to(w[:, 0:1].astype(jnp.float32), (T, 16))
    w1rep = jnp.broadcast_to(w[:, 1:2].astype(jnp.float32), (T, 16))
    out_i32 = _make_sc_combine()(y_i32, pos0, pos1, w0rep, w1rep)
    out = lax.bitcast_convert_type(out_i32, jnp.bfloat16).reshape(T, D)
    return out.reshape(bsz, seq, d), logits

# --- scband reference (transcript-rebuilt; emitter-appended) ---
"""Pipeline reference for scband-tx8-mixtral-sparse-moe-block-31413390803057 (READ-ONLY COPY).

The authoritative reference and input builder live on the scoring server;
editing this copy changes nothing except your own understanding.
"""

import jax, jax.numpy as jnp
import numpy as np

B, S, D = 1, 2048, 768
FFN = 3072
E = 8
TOPK = 2


def setup_inputs(seed: int = 0) -> dict:
    key = jax.random.key(seed)
    ks = jax.random.split(key, 5)
    hidden_states = (jax.random.normal(ks[0], (B, S, D), dtype=jnp.float32)).astype(jnp.bfloat16)
    gate_w = (jax.random.normal(ks[1], (E, D), dtype=jnp.float32) * 0.02).astype(jnp.bfloat16)
    w_gate = (jax.random.normal(ks[2], (E, FFN, D), dtype=jnp.float32) * 0.02).astype(jnp.bfloat16)
    w_up = (jax.random.normal(ks[3], (E, FFN, D), dtype=jnp.float32) * 0.02).astype(jnp.bfloat16)
    w_down = (jax.random.normal(ks[4], (E, D, FFN), dtype=jnp.float32) * 0.02).astype(jnp.bfloat16)
    return {"hidden_states": hidden_states, "gate_w": gate_w, "w_gate": w_gate, "w_up": w_up, "w_down": w_down}


def reference(hidden_states, gate_w, w_gate, w_up, w_down):
    bsz, seq, d = hidden_states.shape
    hs = hidden_states.reshape(-1, d)  # [T, D]
    # router
    router_logits = (hs @ gate_w.T).astype(jnp.bfloat16)  # [T, E]
    routing_weights = jax.nn.softmax(router_logits, axis=1)  # bf16 softmax as in torch
    # top-k (no_grad in original)
    rw_topk, sel = jax.lax.top_k(routing_weights, TOPK)  # [T, topk]
    rw_topk = rw_topk.astype(jnp.float32)
    rw_topk = rw_topk / rw_topk.sum(axis=-1, keepdims=True)
    rw_topk = rw_topk.astype(hs.dtype)
    # expert one-hot mask (mirrors tx8_one_hot_opt) combined with routing weights
    one_hot = jax.nn.one_hot(sel, E, dtype=hs.dtype)  # [T, topk, E]
    combine = (one_hot * rw_topk[..., None]).sum(axis=1)  # [T, E]
    # expert MLPs with masked combine (equivalent math to gather/index_add dispatch)
    final = jnp.zeros_like(hs)
    for e in range(E):
        h = jax.nn.silu(hs @ w_gate[e].T) * (hs @ w_up[e].T)
        h = h @ w_down[e].T
        final = final + (h * combine[:, e:e + 1]).astype(hs.dtype)
    final = final.reshape(bsz, seq, d)
    return final, router_logits

if __name__ == "__main__":
    import jax
    _d = setup_inputs()
    print(jax.jit(kernel)(*tuple(_d.values())))

</pallas_src>

<mosaic_0001>
#map = affine_map<(d0, d1) -> (0, 0)>
#map1 = affine_map<(d0, d1) -> (0)>
module attributes {stable_mosaic.version = 14 : i64} {
  func.func @_sc_scatter(%arg0: i32, %arg1: i32, %arg2: memref<2048x384xi32, #tpu.memory_space<hbm>>, %arg3: memref<2048xi32, #tpu.memory_space<hbm>>, %arg4: memref<2048xi32, #tpu.memory_space<hbm>>, %arg5: memref<5120x384xi32, #tpu.memory_space<hbm>>, %arg6: memref<64xi32, #tpu.memory_space<vmem>>, %arg7: memref<64xi32, #tpu.memory_space<vmem>>, %arg8: memref<64x384xi32, #tpu.memory_space<vmem>>, %arg9: memref<!tpu.dma_semaphore, #tpu.memory_space<semaphore_mem>>) attributes {dimension_semantics = [#tpu.dimension_semantics<core_parallel>, #tpu.dimension_semantics<subcore_parallel>], iteration_bounds = array<i64: 2, 16>, scalar_prefetch = 0 : i64, scratch_operands = 4 : i64, tpu.core_type = #tpu.core_type<sc_vector_subcore>, window_params = [{transform_indices = #map}, {transform_indices = #map1}, {transform_indices = #map1}, {transform_indices = #map}]} {
    %mul3A = arith.constant 2 : i32
    %mul3A_0 = arith.muli %arg1, %mul3A : i32
    %add3A = arith.addi %mul3A_0, %arg0 : i32
    %mul3A_1 = arith.constant 64 : i32
    %mul3A_2 = arith.muli %add3A, %mul3A_1 : i32
    "tpu.region"() ({
      %run_scoped3A = tpu.sem_alloc : memref<!tpu.dma_semaphore, #tpu.memory_space<semaphore_mem>>
      %dma_start3A_13 = arith.constant 0 : i32
      %dma_start3A_14 = tpu.memref_slice %arg2[%mul3A_2, %dma_start3A_13] : memref<2048x384xi32, #tpu.memory_space<hbm>> -> memref<64x384xi32, #tpu.memory_space<hbm>>
      %dma_start3A_15 = arith.constant 0 : i32
      %dma_start3A_16 = tpu.memref_slice %arg2[%mul3A_2, %dma_start3A_15] : memref<2048x384xi32, #tpu.memory_space<hbm>> -> memref<64x384xi32, #tpu.memory_space<hbm>>
      tpu.enqueue_dma source(%dma_start3A_16 : memref<64x384xi32, #tpu.memory_space<hbm>>) target(%arg8 : memref<64x384xi32, #tpu.memory_space<vmem>>) target_semaphore(%run_scoped3A : memref<!tpu.dma_semaphore, #tpu.memory_space<semaphore_mem>>)
      %dma_wait3A_17 = arith.constant 0 : i32
      %dma_wait3A_18 = tpu.memref_slice %arg2[%mul3A_2, %dma_wait3A_17] : memref<2048x384xi32, #tpu.memory_space<hbm>> -> memref<64x384xi32, #tpu.memory_space<hbm>>
      %dma_wait3A_19 = arith.constant 0 : i32
      %dma_wait3A_20 = tpu.memref_slice %arg2[%mul3A_2, %dma_wait3A_19] : memref<2048x384xi32, #tpu.memory_space<hbm>> -> memref<64x384xi32, #tpu.memory_space<hbm>>
      tpu.wait_dma2 semaphore(%run_scoped3A : memref<!tpu.dma_semaphore, #tpu.memory_space<semaphore_mem>>) src(%dma_wait3A_20 : memref<64x384xi32, #tpu.memory_space<hbm>>) dst(%arg8 : memref<64x384xi32, #tpu.memory_space<vmem>>)
      tpu.yield
    }) : () -> ()
    "tpu.region"() ({
      %run_scoped3A = tpu.sem_alloc : memref<!tpu.dma_semaphore, #tpu.memory_space<semaphore_mem>>
      %dma_start3A_13 = tpu.memref_slice %arg3[%mul3A_2] : memref<2048xi32, #tpu.memory_space<hbm>> -> memref<64xi32, #tpu.memory_space<hbm>>
      %dma_start3A_14 = tpu.memref_slice %arg3[%mul3A_2] : memref<2048xi32, #tpu.memory_space<hbm>> -> memref<64xi32, #tpu.memory_space<hbm>>
      tpu.enqueue_dma source(%dma_start3A_14 : memref<64xi32, #tpu.memory_space<hbm>>) target(%arg6 : memref<64xi32, #tpu.memory_space<vmem>>) target_semaphore(%run_scoped3A : memref<!tpu.dma_semaphore, #tpu.memory_space<semaphore_mem>>)
      %dma_wait3A_15 = tpu.memref_slice %arg3[%mul3A_2] : memref<2048xi32, #tpu.memory_space<hbm>> -> memref<64xi32, #tpu.memory_space<hbm>>
      %dma_wait3A_16 = tpu.memref_slice %arg3[%mul3A_2] : memref<2048xi32, #tpu.memory_space<hbm>> -> memref<64xi32, #tpu.memory_space<hbm>>
      tpu.wait_dma2 semaphore(%run_scoped3A : memref<!tpu.dma_semaphore, #tpu.memory_space<semaphore_mem>>) src(%dma_wait3A_16 : memref<64xi32, #tpu.memory_space<hbm>>) dst(%arg6 : memref<64xi32, #tpu.memory_space<vmem>>)
      tpu.yield
    }) : () -> ()
    "tpu.region"() ({
      %run_scoped3A = tpu.sem_alloc : memref<!tpu.dma_semaphore, #tpu.memory_space<semaphore_mem>>
      %dma_start3A_13 = tpu.memref_slice %arg4[%mul3A_2] : memref<2048xi32, #tpu.memory_space<hbm>> -> memref<64xi32, #tpu.memory_space<hbm>>
      %dma_start3A_14 = tpu.memref_slice %arg4[%mul3A_2] : memref<2048xi32, #tpu.memory_space<hbm>> -> memref<64xi32, #tpu.memory_space<hbm>>
      tpu.enqueue_dma source(%dma_start3A_14 : memref<64xi32, #tpu.memory_space<hbm>>) target(%arg7 : memref<64xi32, #tpu.memory_space<vmem>>) target_semaphore(%run_scoped3A : memref<!tpu.dma_semaphore, #tpu.memory_space<semaphore_mem>>)
      %dma_wait3A_15 = tpu.memref_slice %arg4[%mul3A_2] : memref<2048xi32, #tpu.memory_space<hbm>> -> memref<64xi32, #tpu.memory_space<hbm>>
      %dma_wait3A_16 = tpu.memref_slice %arg4[%mul3A_2] : memref<2048xi32, #tpu.memory_space<hbm>> -> memref<64xi32, #tpu.memory_space<hbm>>
      tpu.wait_dma2 semaphore(%run_scoped3A : memref<!tpu.dma_semaphore, #tpu.memory_space<semaphore_mem>>) src(%dma_wait3A_16 : memref<64xi32, #tpu.memory_space<hbm>>) dst(%arg7 : memref<64xi32, #tpu.memory_space<vmem>>)
      tpu.yield
    }) : () -> ()
    %dma_start3A = arith.constant 0 : i32
    %dma_start3A_3 = arith.constant 0 : i32
    %dma_start3A_4 = tpu.memref_slice %arg5[%dma_start3A, %dma_start3A_3] : memref<5120x384xi32, #tpu.memory_space<hbm>> -> memref<5120x384xi32, #tpu.memory_space<hbm>>
    tpu.enqueue_indirect_dma source(%arg8 : memref<64x384xi32, #tpu.memory_space<vmem>>) target(%dma_start3A_4 : memref<5120x384xi32, #tpu.memory_space<hbm>>) offsets(%arg6 : memref<64xi32, #tpu.memory_space<vmem>>) semaphore(%arg9 : memref<!tpu.dma_semaphore, #tpu.memory_space<semaphore_mem>>)
    %dma_wait3A = arith.constant 0 : i32
    %dma_wait3A_5 = arith.constant 0 : i32
    %dma_wait3A_6 = tpu.memref_slice %arg5[%dma_wait3A, %dma_wait3A_5] : memref<5120x384xi32, #tpu.memory_space<hbm>> -> memref<5120x384xi32, #tpu.memory_space<hbm>>
    tpu.wait_indirect_dma semaphore(%arg9 : memref<!tpu.dma_semaphore, #tpu.memory_space<semaphore_mem>>) src(%arg8 : memref<64x384xi32, #tpu.memory_space<vmem>>) dst(%dma_wait3A_6 : memref<5120x384xi32, #tpu.memory_space<hbm>>)
    %dma_start3A_7 = arith.constant 0 : i32
    %dma_start3A_8 = arith.constant 0 : i32
    %dma_start3A_9 = tpu.memref_slice %arg5[%dma_start3A_7, %dma_start3A_8] : memref<5120x384xi32, #tpu.memory_space<hbm>> -> memref<5120x384xi32, #tpu.memory_space<hbm>>
    tpu.enqueue_indirect_dma source(%arg8 : memref<64x384xi32, #tpu.memory_space<vmem>>) target(%dma_start3A_9 : memref<5120x384xi32, #tpu.memory_space<hbm>>) offsets(%arg7 : memref<64xi32, #tpu.memory_space<vmem>>) semaphore(%arg9 : memref<!tpu.dma_semaphore, #tpu.memory_space<semaphore_mem>>)
    %dma_wait3A_10 = arith.constant 0 : i32
    %dma_wait3A_11 = arith.constant 0 : i32
    %dma_wait3A_12 = tpu.memref_slice %arg5[%dma_wait3A_10, %dma_wait3A_11] : memref<5120x384xi32, #tpu.memory_space<hbm>> -> memref<5120x384xi32, #tpu.memory_space<hbm>>
    tpu.wait_indirect_dma semaphore(%arg9 : memref<!tpu.dma_semaphore, #tpu.memory_space<semaphore_mem>>) src(%arg8 : memref<64x384xi32, #tpu.memory_space<vmem>>) dst(%dma_wait3A_12 : memref<5120x384xi32, #tpu.memory_space<hbm>>)
    return
  }
}

#map = affine_map<(d0, d1) -> (0, 0)>
#map1 = affine_map<(d0, d1) -> (0)>
module attributes {stable_mosaic.version = 14 : i64} {
  func.func @_sc_combine(%arg0: i32, %arg1: i32, %arg2: memref<5120x384xi32, #tpu.memory_space<hbm>>, %arg3: memref<2048xi32, #tpu.memory_space<hbm>>, %arg4: memref<2048xi32, #tpu.memory_space<hbm>>, %arg5: memref<2048x16xf32, #tpu.memory_space<hbm>>, %arg6: memref<2048x16xf32, #tpu.memory_space<hbm>>, %arg7: memref<2048x384xi32, #tpu.memory_space<hbm>>, %arg8: memref<64xi32, #tpu.memory_space<vmem>>, %arg9: memref<64xi32, #tpu.memory_space<vmem>>, %arg10: memref<64x16xf32, #tpu.memory_space<vmem>>, %arg11: memref<64x16xf32, #tpu.memory_space<vmem>>, %arg12: memref<64x384xi32, #tpu.memory_space<vmem>>, %arg13: memref<64x384xi32, #tpu.memory_space<vmem>>, %arg14: memref<64x384xi32, #tpu.memory_space<vmem>>, %arg15: memref<!tpu.dma_semaphore, #tpu.memory_space<semaphore_mem>>) attributes {dimension_semantics = [#tpu.dimension_semantics<core_parallel>, #tpu.dimension_semantics<subcore_parallel>], iteration_bounds = array<i64: 2, 16>, scalar_prefetch = 0 : i64, scratch_operands = 8 : i64, tpu.core_type = #tpu.core_type<sc_vector_subcore>, window_params = [{transform_indices = #map}, {transform_indices = #map1}, {transform_indices = #map1}, {transform_indices = #map}, {transform_indices = #map}, {transform_indices = #map}]} {
    %mul3A = arith.constant 2 : i32
    %mul3A_0 = arith.muli %arg1, %mul3A : i32
    %add3A = arith.addi %mul3A_0, %arg0 : i32
    %mul3A_1 = arith.constant 64 : i32
    %mul3A_2 = arith.muli %add3A, %mul3A_1 : i32
    "tpu.region"() ({
      %run_scoped3A = tpu.sem_alloc : memref<!tpu.dma_semaphore, #tpu.memory_space<semaphore_mem>>
      %dma_start3A_19 = tpu.memref_slice %arg3[%mul3A_2] : memref<2048xi32, #tpu.memory_space<hbm>> -> memref<64xi32, #tpu.memory_space<hbm>>
      %dma_start3A_20 = tpu.memref_slice %arg3[%mul3A_2] : memref<2048xi32, #tpu.memory_space<hbm>> -> memref<64xi32, #tpu.memory_space<hbm>>
      tpu.enqueue_dma source(%dma_start3A_20 : memref<64xi32, #tpu.memory_space<hbm>>) target(%arg8 : memref<64xi32, #tpu.memory_space<vmem>>) target_semaphore(%run_scoped3A : memref<!tpu.dma_semaphore, #tpu.memory_space<semaphore_mem>>)
      %dma_wait3A_21 = tpu.memref_slice %arg3[%mul3A_2] : memref<2048xi32, #tpu.memory_space<hbm>> -> memref<64xi32, #tpu.memory_space<hbm>>
      %dma_wait3A_22 = tpu.memref_slice %arg3[%mul3A_2] : memref<2048xi32, #tpu.memory_space<hbm>> -> memref<64xi32, #tpu.memory_space<hbm>>
      tpu.wait_dma2 semaphore(%run_scoped3A : memref<!tpu.dma_semaphore, #tpu.memory_space<semaphore_mem>>) src(%dma_wait3A_22 : memref<64xi32, #tpu.memory_space<hbm>>) dst(%arg8 : memref<64xi32, #tpu.memory_space<vmem>>)
      tpu.yield
    }) : () -> ()
    "tpu.region"() ({
      %run_scoped3A = tpu.sem_alloc : memref<!tpu.dma_semaphore, #tpu.memory_space<semaphore_mem>>
      %dma_start3A_19 = tpu.memref_slice %arg4[%mul3A_2] : memref<2048xi32, #tpu.memory_space<hbm>> -> memref<64xi32, #tpu.memory_space<hbm>>
      %dma_start3A_20 = tpu.memref_slice %arg4[%mul3A_2] : memref<2048xi32, #tpu.memory_space<hbm>> -> memref<64xi32, #tpu.memory_space<hbm>>
      tpu.enqueue_dma source(%dma_start3A_20 : memref<64xi32, #tpu.memory_space<hbm>>) target(%arg9 : memref<64xi32, #tpu.memory_space<vmem>>) target_semaphore(%run_scoped3A : memref<!tpu.dma_semaphore, #tpu.memory_space<semaphore_mem>>)
      %dma_wait3A_21 = tpu.memref_slice %arg4[%mul3A_2] : memref<2048xi32, #tpu.memory_space<hbm>> -> memref<64xi32, #tpu.memory_space<hbm>>
      %dma_wait3A_22 = tpu.memref_slice %arg4[%mul3A_2] : memref<2048xi32, #tpu.memory_space<hbm>> -> memref<64xi32, #tpu.memory_space<hbm>>
      tpu.wait_dma2 semaphore(%run_scoped3A : memref<!tpu.dma_semaphore, #tpu.memory_space<semaphore_mem>>) src(%dma_wait3A_22 : memref<64xi32, #tpu.memory_space<hbm>>) dst(%arg9 : memref<64xi32, #tpu.memory_space<vmem>>)
      tpu.yield
    }) : () -> ()
    "tpu.region"() ({
      %run_scoped3A = tpu.sem_alloc : memref<!tpu.dma_semaphore, #tpu.memory_space<semaphore_mem>>
      %dma_start3A_19 = arith.constant 0 : i32
      %dma_start3A_20 = tpu.memref_slice %arg5[%mul3A_2, %dma_start3A_19] : memref<2048x16xf32, #tpu.memory_space<hbm>> -> memref<64x16xf32, #tpu.memory_space<hbm>>
      %dma_start3A_21 = arith.constant 0 : i32
      %dma_start3A_22 = tpu.memref_slice %arg5[%mul3A_2, %dma_start3A_21] : memref<2048x16xf32, #tpu.memory_space<hbm>> -> memref<64x16xf32, #tpu.memory_space<hbm>>
      tpu.enqueue_dma source(%dma_start3A_22 : memref<64x16xf32, #tpu.memory_space<hbm>>) target(%arg10 : memref<64x16xf32, #tpu.memory_space<vmem>>) target_semaphore(%run_scoped3A : memref<!tpu.dma_semaphore, #tpu.memory_space<semaphore_mem>>)
      %dma_wait3A_23 = arith.constant 0 : i32
      %dma_wait3A_24 = tpu.memref_slice %arg5[%mul3A_2, %dma_wait3A_23] : memref<2048x16xf32, #tpu.memory_space<hbm>> -> memref<64x16xf32, #tpu.memory_space<hbm>>
      %dma_wait3A_25 = arith.constant 0 : i32
      %dma_wait3A_26 = tpu.memref_slice %arg5[%mul3A_2, %dma_wait3A_25] : memref<2048x16xf32, #tpu.memory_space<hbm>> -> memref<64x16xf32, #tpu.memory_space<hbm>>
      tpu.wait_dma2 semaphore(%run_scoped3A : memref<!tpu.dma_semaphore, #tpu.memory_space<semaphore_mem>>) src(%dma_wait3A_26 : memref<64x16xf32, #tpu.memory_space<hbm>>) dst(%arg10 : memref<64x16xf32, #tpu.memory_space<vmem>>)
      tpu.yield
    }) : () -> ()
    "tpu.region"() ({
      %run_scoped3A = tpu.sem_alloc : memref<!tpu.dma_semaphore, #tpu.memory_space<semaphore_mem>>
      %dma_start3A_19 = arith.constant 0 : i32
      %dma_start3A_20 = tpu.memref_slice %arg6[%mul3A_2, %dma_start3A_19] : memref<2048x16xf32, #tpu.memory_space<hbm>> -> memref<64x16xf32, #tpu.memory_space<hbm>>
      %dma_start3A_21 = arith.constant 0 : i32
      %dma_start3A_22 = tpu.memref_slice %arg6[%mul3A_2, %dma_start3A_21] : memref<2048x16xf32, #tpu.memory_space<hbm>> -> memref<64x16xf32, #tpu.memory_space<hbm>>
      tpu.enqueue_dma source(%dma_start3A_22 : memref<64x16xf32, #tpu.memory_space<hbm>>) target(%arg11 : memref<64x16xf32, #tpu.memory_space<vmem>>) target_semaphore(%run_scoped3A : memref<!tpu.dma_semaphore, #tpu.memory_space<semaphore_mem>>)
      %dma_wait3A_23 = arith.constant 0 : i32
      %dma_wait3A_24 = tpu.memref_slice %arg6[%mul3A_2, %dma_wait3A_23] : memref<2048x16xf32, #tpu.memory_space<hbm>> -> memref<64x16xf32, #tpu.memory_space<hbm>>
      %dma_wait3A_25 = arith.constant 0 : i32
      %dma_wait3A_26 = tpu.memref_slice %arg6[%mul3A_2, %dma_wait3A_25] : memref<2048x16xf32, #tpu.memory_space<hbm>> -> memref<64x16xf32, #tpu.memory_space<hbm>>
      tpu.wait_dma2 semaphore(%run_scoped3A : memref<!tpu.dma_semaphore, #tpu.memory_space<semaphore_mem>>) src(%dma_wait3A_26 : memref<64x16xf32, #tpu.memory_space<hbm>>) dst(%arg11 : memref<64x16xf32, #tpu.memory_space<vmem>>)
      tpu.yield
    }) : () -> ()
    %dma_start3A = arith.constant 0 : i32
    %dma_start3A_3 = arith.constant 0 : i32
    %dma_start3A_4 = tpu.memref_slice %arg2[%dma_start3A, %dma_start3A_3] : memref<5120x384xi32, #tpu.memory_space<hbm>> -> memref<5120x384xi32, #tpu.memory_space<hbm>>
    tpu.enqueue_indirect_dma source(%dma_start3A_4 : memref<5120x384xi32, #tpu.memory_space<hbm>>) target(%arg12 : memref<64x384xi32, #tpu.memory_space<vmem>>) offsets(%arg8 : memref<64xi32, #tpu.memory_space<vmem>>) semaphore(%arg15 : memref<!tpu.dma_semaphore, #tpu.memory_space<semaphore_mem>>)
    %dma_wait3A = arith.constant 0 : i32
    %dma_wait3A_5 = arith.constant 0 : i32
    %dma_wait3A_6 = tpu.memref_slice %arg2[%dma_wait3A, %dma_wait3A_5] : memref<5120x384xi32, #tpu.memory_space<hbm>> -> memref<5120x384xi32, #tpu.memory_space<hbm>>
    tpu.wait_indirect_dma semaphore(%arg15 : memref<!tpu.dma_semaphore, #tpu.memory_space<semaphore_mem>>) src(%dma_wait3A_6 : memref<5120x384xi32, #tpu.memory_space<hbm>>) dst(%arg12 : memref<64x384xi32, #tpu.memory_space<vmem>>)
    %dma_start3A_7 = arith.constant 0 : i32
    %dma_start3A_8 = arith.constant 0 : i32
    %dma_start3A_9 = tpu.memref_slice %arg2[%dma_start3A_7, %dma_start3A_8] : memref<5120x384xi32, #tpu.memory_space<hbm>> -> memref<5120x384xi32, #tpu.memory_space<hbm>>
    tpu.enqueue_indirect_dma source(%dma_start3A_9 : memref<5120x384xi32, #tpu.memory_space<hbm>>) target(%arg13 : memref<64x384xi32, #tpu.memory_space<vmem>>) offsets(%arg9 : memref<64xi32, #tpu.memory_space<vmem>>) semaphore(%arg15 : memref<!tpu.dma_semaphore, #tpu.memory_space<semaphore_mem>>)
    %dma_wait3A_10 = arith.constant 0 : i32
    %dma_wait3A_11 = arith.constant 0 : i32
    %dma_wait3A_12 = tpu.memref_slice %arg2[%dma_wait3A_10, %dma_wait3A_11] : memref<5120x384xi32, #tpu.memory_space<hbm>> -> memref<5120x384xi32, #tpu.memory_space<hbm>>
    tpu.wait_indirect_dma semaphore(%arg15 : memref<!tpu.dma_semaphore, #tpu.memory_space<semaphore_mem>>) src(%dma_wait3A_12 : memref<5120x384xi32, #tpu.memory_space<hbm>>) dst(%arg13 : memref<64x384xi32, #tpu.memory_space<vmem>>)
    %scan3A = arith.constant 0 : i32
    %scan3A_13 = arith.constant -65536 : i32
    %scan3A_14 = arith.constant 0 : i32
    %scan3A_15 = arith.constant 64 : i32
    %scan3A_16 = arith.addi %scan3A_14, %scan3A_15 : i32
    %scan3A_17 = arith.constant 1 : i32
    scf.for %scan3A_19 = %scan3A_14 to %scan3A_16 step %scan3A_17  : i32 {
      %get3A = arith.index_cast %scan3A_19 : i32 to index
      %get3A_20 = arith.constant 0 : index
      %get3A_21 = tpu.vector_load %arg10[%get3A, %get3A_20] {strides = array<i32>} : memref<64x16xf32, #tpu.memory_space<vmem>>, vector<1x16xf32>,
      %get3A_22 = vector.shape_cast %get3A_21 : vector<1x16xf32> to vector<16xf32>
      %get3A_23 = arith.index_cast %scan3A_19 : i32 to index
      %get3A_24 = arith.constant 0 : index
      %get3A_25 = tpu.vector_load %arg11[%get3A_23, %get3A_24] {strides = array<i32>} : memref<64x16xf32, #tpu.memory_space<vmem>>, vector<1x16xf32>,
      %get3A_26 = vector.shape_cast %get3A_25 : vector<1x16xf32> to vector<16xf32>
      %get3A_27 = arith.index_cast %scan3A_19 : i32 to index
      %get3A_28 = arith.constant 0 : index
      %get3A_29 = tpu.vector_load %arg12[%get3A_27, %get3A_28] {strides = array<i32>} : memref<64x384xi32, #tpu.memory_space<vmem>>, vector<1x16xi32>,
      %get3A_30 = vector.shape_cast %get3A_29 : vector<1x16xi32> to vector<16xi32>
      %get3A_31 = arith.index_cast %scan3A_19 : i32 to index
      %get3A_32 = arith.constant 0 : index
      %get3A_33 = tpu.vector_load %arg13[%get3A_31, %get3A_32] {strides = array<i32>} : memref<64x384xi32, #tpu.memory_space<vmem>>, vector<1x16xi32>,
      %get3A_34 = vector.shape_cast %get3A_33 : vector<1x16xi32> to vector<16xi32>
      %shift_left3A = arith.constant 16 : i32
      %shift_left3A_35 = vector.broadcast %shift_left3A : i32 to vector<16xi32>
      %shift_left3A_36 = arith.shli %get3A_30, %shift_left3A_35 : vector<16xi32>
      %bitcast_convert_type3A = tpu.bitcast %shift_left3A_36 : vector<16xi32> -> vector<16xf32>
      %mul3A_37 = arith.mulf %get3A_22, %bitcast_convert_type3A : vector<16xf32>
      %shift_left3A_38 = arith.constant 16 : i32
      %shift_left3A_39 = vector.broadcast %shift_left3A_38 : i32 to vector<16xi32>
      %shift_left3A_40 = arith.shli %get3A_34, %shift_left3A_39 : vector<16xi32>
      %bitcast_convert_type3A_41 = tpu.bitcast %shift_left3A_40 : vector<16xi32> -> vector<16xf32>
      %mul3A_42 = arith.mulf %get3A_26, %bitcast_convert_type3A_41 : vector<16xf32>
      %add3A_43 = arith.addf %mul3A_37, %mul3A_42 : vector<16xf32>
      %and3A = vector.broadcast %scan3A_13 : i32 to vector<16xi32>
      %and3A_44 = arith.andi %get3A_30, %and3A : vector<16xi32>
      %bitcast_convert_type3A_45 = tpu.bitcast %and3A_44 : vector<16xi32> -> vector<16xf32>
      %mul3A_46 = arith.mulf %get3A_22, %bitcast_convert_type3A_45 : vector<16xf32>
      %and3A_47 = vector.broadcast %scan3A_13 : i32 to vector<16xi32>
      %and3A_48 = arith.andi %get3A_34, %and3A_47 : vector<16xi32>
      %bitcast_convert_type3A_49 = tpu.bitcast %and3A_48 : vector<16xi32> -> vector<16xf32>
      %mul3A_50 = arith.mulf %get3A_26, %bitcast_convert_type3A_49 : vector<16xf32>
      %add3A_51 = arith.addf %mul3A_46, %mul3A_50 : vector<16xf32>
      %bitcast_convert_type3A_52 = tpu.bitcast %add3A_43 : vector<16xf32> -> vector<16xi32>
      %add3A_53 = arith.constant 32767 : i32
      %add3A_54 = vector.broadcast %add3A_53 : i32 to vector<16xi32>
      %add3A_55 = arith.addi %bitcast_convert_type3A_52, %add3A_54 : vector<16xi32>
      %shift_right_logical3A = arith.constant 16 : i32
      %shift_right_logical3A_56 = vector.broadcast %shift_right_logical3A : i32 to vector<16xi32>
      %shift_right_logical3A_57 = arith.shrui %bitcast_convert_type3A_52, %shift_right_logical3A_56 : vector<16xi32>
      %and3A_58 = arith.constant 1 : i32
      %and3A_59 = vector.broadcast %and3A_58 : i32 to vector<16xi32>
      %and3A_60 = arith.andi %shift_right_logical3A_57, %and3A_59 : vector<16xi32>
      %add3A_61 = arith.addi %add3A_55, %and3A_60 : vector<16xi32>
      %and3A_62 = vector.broadcast %scan3A_13 : i32 to vector<16xi32>
      %and3A_63 = arith.andi %add3A_61, %and3A_62 : vector<16xi32>
      %shift_right_logical3A_64 = arith.constant 16 : i32
      %shift_right_logical3A_65 = vector.broadcast %shift_right_logical3A_64 : i32 to vector<16xi32>
      %shift_right_logical3A_66 = arith.shrui %and3A_63, %shift_right_logical3A_65 : vector<16xi32>
      %bitcast_convert_type3A_67 = tpu.bitcast %add3A_51 : vector<16xf32> -> vector<16xi32>
      %add3A_68 = arith.constant 32767 : i32
      %add3A_69 = vector.broadcast %add3A_68 : i32 to vector<16xi32>
      %add3A_70 = arith.addi %bitcast_convert_type3A_67, %add3A_69 : vector<16xi32>
      %shift_right_logical3A_71 = arith.constant 16 : i32
      %shift_right_logical3A_72 = vector.broadcast %shift_right_logical3A_71 : i32 to vector<16xi32>
      %shift_right_logical3A_73 = arith.shrui %bitcast_convert_type3A_67, %shift_right_logical3A_72 : vector<16xi32>
      %and3A_74 = arith.constant 1 : i32
      %and3A_75 = vector.broadcast %and3A_74 : i32 to vector<16xi32>
      %and3A_76 = arith.andi %shift_right_logical3A_73, %and3A_75 : vector<16xi32>
      %add3A_77 = arith.addi %add3A_70, %and3A_76 : vector<16xi32>
      %and3A_78 = vector.broadcast %scan3A_13 : i32 to vector<16xi32>
      %and3A_79 = arith.andi %add3A_77, %and3A_78 : vector<16xi32>
      %or3A = arith.ori %shift_right_logical3A_66, %and3A_79 : vector<16xi32>
      %swap3A = arith.index_cast %scan3A_19 : i32 to index
      %swap3A_80 = arith.constant 0 : index
      %swap3A_81 = tpu.vector_load %arg14[%swap3A, %swap3A_80] {strides = array<i32>} : memref<64x384xi32, #tpu.memory_space<vmem>>, vector<1x16xi32>,
      %swap3A_82 = vector.shape_cast %swap3A_81 : vector<1x16xi32> to vector<16xi32>
      %swap3A_83 = vector.shape_cast %or3A : vector<16xi32> to vector<1x16xi32>
      tpu.vector_store %arg14[%swap3A, %swap3A_80], %swap3A_83 {strides = array<i32>} : memref<64x384xi32, #tpu.memory_space<vmem>>, vector<1x16xi32>,
      %get3A_84 = arith.index_cast %scan3A_19 : i32 to index
      %get3A_85 = arith.constant 16 : index
      %get3A_86 = tpu.vector_load %arg12[%get3A_84, %get3A_85] {strides = array<i32>} : memref<64x384xi32, #tpu.memory_space<vmem>>, vector<1x16xi32>,
      %get3A_87 = vector.shape_cast %get3A_86 : vector<1x16xi32> to vector<16xi32>
      %get3A_88 = arith.index_cast %scan3A_19 : i32 to index
      %get3A_89 = arith.constant 16 : index
      %get3A_90 = tpu.vector_load %arg13[%get3A_88, %get3A_89] {strides = array<i32>} : memref<64x384xi32, #tpu.memory_space<vmem>>, vector<1x16xi32>,
      %get3A_91 = vector.shape_cast %get3A_90 : vector<1x16xi32> to vector<16xi32>
      %shift_left3A_92 = arith.constant 16 : i32
      %shift_left3A_93 = vector.broadcast %shift_left3A_92 : i32 to vector<16xi32>
      %shift_left3A_94 = arith.shli %get3A_87, %shift_left3A_93 : vector<16xi32>
      %bitcast_convert_type3A_95 = tpu.bitcast %shift_left3A_94 : vector<16xi32> -> vector<16xf32>
      %mul3A_96 = arith.mulf %get3A_22, %bitcast_convert_type3A_95 : vector<16xf32>
      %shift_left3A_97 = arith.constant 16 : i32
      %shift_left3A_98 = vector.broadcast %shift_left3A_97 : i32 to vector<16xi32>
      %shift_left3A_99 = arith.shli %get3A_91, %shift_left3A_98 : vector<16xi32>
      %bitcast_convert_type3A_100 = tpu.bitcast %shift_left3A_99 : vector<16xi32> -> vector<16xf32>
      %mul3A_101 = arith.mulf %get3A_26, %bitcast_convert_type3A_100 : vector<16xf32>
      %add3A_102 = arith.addf %mul3A_96, %mul3A_101 : vector<16xf32>
      %and3A_103 = vector.broadcast %scan3A_13 : i32 to vector<16xi32>
      %and3A_104 = arith.andi %get3A_87, %and3A_103 : vector<16xi32>
      %bitcast_convert_type3A_105 = tpu.bitcast %and3A_104 : vector<16xi32> -> vector<16xf32>
      %mul3A_106 = arith.mulf %get3A_22, %bitcast_convert_type3A_105 : vector<16xf32>
      %and3A_107 = vector.broadcast %scan3A_13 : i32 to vector<16xi32>
      %and3A_108 = arith.andi %get3A_91, %and3A_107 : vector<16xi32>
      %bitcast_convert_type3A_109 = tpu.bitcast %and3A_108 : vector<16xi32> -> vector<16xf32>
      %mul3A_110 = arith.mulf %get3A_26, %bitcast_convert_type3A_109 : vector<16xf32>
      %add3A_111 = arith.addf %mul3A_106, %mul3A_110 : vector<16xf32>
      %bitcast_convert_type3A_112 = tpu.bitcast %add3A_102 : vector<16xf32> -> vector<16xi32>
      %add3A_113 = arith.constant 32767 : i32
      %add3A_114 = vector.broadcast %add3A_113 : i32 to vector<16xi32>
      %add3A_115 = arith.addi %bitcast_convert_type3A_112, %add3A_114 : vector<16xi32>
      %shift_right_logical3A_116 = arith.constant 16 : i32
      %shift_right_logical3A_117 = vector.broadcast %shift_right_logical3A_116 : i32 to vector<16xi32>
      %shift_right_logical3A_118 = arith.shrui %bitcast_convert_type3A_112, %shift_right_logical3A_117 : vector<16xi32>
      %and3A_119 = arith.constant 1 : i32
      %and3A_120 = vector.broadcast %and3A_119 : i32 to vector<16xi32>
      %and3A_121 = arith.andi %shift_right_logical3A_118, %and3A_120 : vector<16xi32>
      %add3A_122 = arith.addi %add3A_115, %and3A_121 : vector<16xi32>
      %and3A_123 = vector.broadcast %scan3A_13 : i32 to vector<16xi32>
      %and3A_124 = arith.andi %add3A_122, %and3A_123 : vector<16xi32>
      %shift_right_logical3A_125 = arith.constant 16 : i32
      %shift_right_logical3A_126 = vector.broadcast %shift_right_logical3A_125 : i32 to vector<16xi32>
      %shift_right_logical3A_127 = arith.shrui %and3A_124, %shift_right_logical3A_126 : vector<16xi32>
      %bitcast_convert_type3A_128 = tpu.bitcast %add3A_111 : vector<16xf32> -> vector<16xi32>
      %add3A_129 = arith.constant 32767 : i32
      %add3A_130 = vector.broadcast %add3A_129 : i32 to vector<16xi32>
      %add3A_131 = arith.addi %bitcast_convert_type3A_128, %add3A_130 : vector<16xi32>
      %shift_right_logical3A_132 = arith.constant 16 : i32
      %shift_right_logical3A_133 = vector.broadcast %shift_right_logical3A_132 : i32 to vector<16xi32>
      %shift_right_logical3A_134 = arith.shrui %bitcast_convert_type3A_128, %shift_right_logical3A_133 : vector<16xi32>
      %and3A_135 = arith.constant 1 : i32
      %and3A_136 = vector.broadcast %and3A_135 : i32 to vector<16xi32>
      %and3A_137 = arith.andi %shift_right_logical3A_134, %and3A_136 : vector<16xi32>
      %add3A_138 = arith.addi %add3A_131, %and3A_137 : vector<16xi32>
      %and3A_139 = vector.broadcast %scan3A_13 : i32 to vector<16xi32>
      %and3A_140 = arith.andi %add3A_138, %and3A_139 : vector<16xi32>
      %or3A_141 = arith.ori %shift_right_logical3A_127, %and3A_140 : vector<16xi32>
      %swap3A_142 = arith.index_cast %scan3A_19 : i32 to index
      %swap3A_143 = arith.constant 16 : index
      %swap3A_144 = tpu.vector_load %arg14[%swap3A_142, %swap3A_143] {strides = array<i32>} : memref<64x384xi32, #tpu.memory_space<vmem>>, vector<1x16xi32>,
      %swap3A_145 = vector.shape_cast %swap3A_144 : vector<1x16xi32> to vector<16xi32>
      %swap3A_146 = vector.shape_cast %or3A_141 : vector<16xi32> to vector<1x16xi32>
      tpu.vector_store %arg14[%swap3A_142, %swap3A_143], %swap3A_146 {strides = array<i32>} : memref<64x384xi32, #tpu.memory_space<vmem>>, vector<1x16xi32>,
      %get3A_147 = arith.index_cast %scan3A_19 : i32 to index
      %get3A_148 = arith.constant 32 : index
      %get3A_149 = tpu.vector_load %arg12[%get3A_147, %get3A_148] {strides = array<i32>} : memref<64x384xi32, #tpu.memory_space<vmem>>, vector<1x16xi32>,
      %get3A_150 = vector.shape_cast %get3A_149 : vector<1x16xi32> to vector<16xi32>
      %get3A_151 = arith.index_cast %scan3A_19 : i32 to index
      %get3A_152 = arith.constant 32 : index
      %get3A_153 = tpu.vector_load %arg13[%get3A_151, %get3A_152] {strides = array<i32>} : memref<64x384xi32, #tpu.memory_space<vmem>>, vector<1x16xi32>,
      %get3A_154 = vector.shape_cast %get3A_153 : vector<1x16xi32> to vector<16xi32>
      %shift_left3A_155 = arith.constant 16 : i32
      %shift_left3A_156 = vector.broadcast %shift_left3A_155 : i32 to vector<16xi32>
      %shift_left3A_157 = arith.shli %get3A_150, %shift_left3A_156 : vector<16xi32>
      %bitcast_convert_type3A_158 = tpu.bitcast %shift_left3A_157 : vector<16xi32> -> vector<16xf32>
      %mul3A_159 = arith.mulf %get3A_22, %bitcast_convert_type3A_158 : vector<16xf32>
      %shift_left3A_160 = arith.constant 16 : i32
      %shift_left3A_161 = vector.broadcast %shift_left3A_160 : i32 to vector<16xi32>
      %shift_left3A_162 = arith.shli %get3A_154, %shift_left3A_161 : vector<16xi32>
      %bitcast_convert_type3A_163 = tpu.bitcast %shift_left3A_162 : vector<16xi32> -> vector<16xf32>
      %mul3A_164 = arith.mulf %get3A_26, %bitcast_convert_type3A_163 : vector<16xf32>
      %add3A_165 = arith.addf %mul3A_159, %mul3A_164 : vector<16xf32>
      %and3A_166 = vector.broadcast %scan3A_13 : i32 to vector<16xi32>
      %and3A_167 = arith.andi %get3A_150, %and3A_166 : vector<16xi32>
      %bitcast_convert_type3A_168 = tpu.bitcast %and3A_167 : vector<16xi32> -> vector<16xf32>
      %mul3A_169 = arith.mulf %get3A_22, %bitcast_convert_type3A_168 : vector<16xf32>
      %and3A_170 = vector.broadcast %scan3A_13 : i32 to vector<16xi32>
      %and3A_171 = arith.andi %get3A_154, %and3A_170 : vector<16xi32>
      %bitcast_convert_type3A_172 = tpu.bitcast %and3A_171 : vector<16xi32> -> vector<16xf32>
      %mul3A_173 = arith.mulf %get3A_26, %bitcast_convert_type3A_172 : vector<16xf32>
      %add3A_174 = arith.addf %mul3A_169, %mul3A_173 : vector<16xf32>
      %bitcast_convert_type3A_175 = tpu.bitcast %add3A_165 : vector<16xf32> -> vector<16xi32>
      %add3A_176 = arith.constant 32767 : i32
      %add3A_177 = vector.broadcast %add3A_176 : i32 to vector<16xi32>
      %add3A_178 = arith.addi %bitcast_convert_type3A_175, %add3A_177 : vector<16xi32>
      %shift_right_logical3A_179 = arith.constant 16 : i32
      %shift_right_logical3A_180 = vector.broadcast %shift_right_logical3A_179 : i32 to vector<16xi32>
      %shift_right_logical3A_181 = arith.shrui %bitcast_convert_type3A_175, %shift_right_logical3A_180 : vector<16xi32>
      %and3A_182 = arith.constant 1 : i32
      %and3A_183 = vector.broadcast %and3A_182 : i32 to vector<16xi32>
      %and3A_184 = arith.andi %shift_right_logical3A_181, %and3A_183 : vector<16xi32>
      %add3A_185 = arith.addi %add3A_178, %and3A_184 : vector<16xi32>
      %and3A_186 = vector.broadcast %scan3A_13 : i32 to vector<16xi32>
      %and3A_187 = arith.andi %add3A_185, %and3A_186 : vector<16xi32>
      %shift_right_logical3A_188 = arith.constant 16 : i32
      %shift_right_logical3A_189 = vector.broadcast %shift_right_logical3A_188 : i32 to vector<16xi32>
      %shift_right_logical3A_190 = arith.shrui %and3A_187, %shift_right_logical3A_189 : vector<16xi32>
      %bitcast_convert_type3A_191 = tpu.bitcast %add3A_174 : vector<16xf32> -> vector<16xi32>
      %add3A_192 = arith.constant 32767 : i32
      %add3A_193 = vector.broadcast %add3A_192 : i32 to vector<16xi32>
      %add3A_194 = arith.addi %bitcast_convert_type3A_191, %add3A_193 : vector<16xi32>
      %shift_right_logical3A_195 = arith.constant 16 : i32
      %shift_right_logical3A_196 = vector.broadcast %shift_right_logical3A_195 : i32 to vector<16xi32>
      %shift_right_logical3A_197 = arith.shrui %bitcast_convert_type3A_191, %shift_right_logical3A_196 : vector<16xi32>
      %and3A_198 = arith.constant 1 : i32
      %and3A_199 = vector.broadcast %and3A_198 : i32 to vector<16xi32>
      %and3A_200 = arith.andi %shift_right_logical3A_197, %and3A_199 : vector<16xi32>
      %add3A_201 = arith.addi %add3A_194, %and3A_200 : vector<16xi32>
      %and3A_202 = vector.broadcast %scan3A_13 : i32 to vector<16xi32>
      %and3A_203 = arith.andi %add3A_201, %and3A_202 : vector<16xi32>
      %or3A_204 = arith.ori %shift_right_logical3A_190, %and3A_203 : vector<16xi32>
      %swap3A_205 = arith.index_cast %scan3A_19 : i32 to index
      %swap3A_206 = arith.constant 32 : index
      %swap3A_207 = tpu.vector_load %arg14[%swap3A_205, %swap3A_206] {strides = array<i32>} : memref<64x384xi32, #tpu.memory_space<vmem>>, vector<1x16xi32>,
      %swap3A_208 = vector.shape_cast %swap3A_207 : vector<1x16xi32> to vector<16xi32>
      %swap3A_209 = vector.shape_cast %or3A_204 : vector<16xi32> to vector<1x16xi32>
      tpu.vector_store %arg14[%swap3A_205, %swap3A_206], %swap3A_209 {strides = array<i32>} : memref<64x384xi32, #tpu.memory_space<vmem>>, vector<1x16xi32>,
      %get3A_210 = arith.index_cast %scan3A_19 : i32 to index
      %get3A_211 = arith.constant 48 : index
      %get3A_212 = tpu.vector_load %arg12[%get3A_210, %get3A_211] {strides = array<i32>} : memref<64x384xi32, #tpu.memory_space<vmem>>, vector<1x16xi32>,
      %get3A_213 = vector.shape_cast %get3A_212 : vector<1x16xi32> to vector<16xi32>
      %get3A_214 = arith.index_cast %scan3A_19 : i32 to index
      %get3A_215 = arith.constant 48 : index
      %get3A_216 = tpu.vector_load %arg13[%get3A_214, %get3A_215] {strides = array<i32>} : memref<64x384xi32, #tpu.memory_space<vmem>>, vector<1x16xi32>,
      %get3A_217 = vector.shape_cast %get3A_216 : vector<1x16xi32> to vector<16xi32>
      %shift_left3A_218 = arith.constant 16 : i32
      %shift_left3A_219 = vector.broadcast %shift_left3A_218 : i32 to vector<16xi32>
      %shift_left3A_220 = arith.shli %get3A_213, %shift_left3A_219 : vector<16xi32>
      %bitcast_convert_type3A_221 = tpu.bitcast %shift_left3A_220 : vector<16xi32> -> vector<16xf32>
      %mul3A_222 = arith.mulf %get3A_22, %bitcast_convert_type3A_221 : vector<16xf32>
      %shift_left3A_223 = arith.constant 16 : i32
      %shift_left3A_224 = vector.broadcast %shift_left3A_223 : i32 to vector<16xi32>
      %shift_left3A_225 = arith.shli %get3A_217, %shift_left3A_224 : vector<16xi32>
      %bitcast_convert_type3A_226 = tpu.bitcast %shift_left3A_225 : vector<16xi32> -> vector<16xf32>
      %mul3A_227 = arith.mulf %get3A_26, %bitcast_convert_type3A_226 : vector<16xf32>
      %add3A_228 = arith.addf %mul3A_222, %mul3A_227 : vector<16xf32>
      %and3A_229 = vector.broadcast %scan3A_13 : i32 to vector<16xi32>
      %and3A_230 = arith.andi %get3A_213, %and3A_229 : vector<16xi32>
      %bitcast_convert_type3A_231 = tpu.bitcast %and3A_230 : vector<16xi32> -> vector<16xf32>
      %mul3A_232 = arith.mulf %get3A_22, %bitcast_convert_type3A_231 : vector<16xf32>
      %and3A_233 = vector.broadcast %scan3A_13 : i32 to vector<16xi32>
      %and3A_234 = arith.andi %get3A_217, %and3A_233 : vector<16xi32>
      %bitcast_convert_type3A_235 = tpu.bitcast %and3A_234 : vector<16xi32> -> vector<16xf32>
      %mul3A_236 = arith.mulf %get3A_26, %bitcast_convert_type3A_235 : vector<16xf32>
      %add3A_237 = arith.addf %mul3A_232, %mul3A_236 : vector<16xf32>
      %bitcast_convert_type3A_238 = tpu.bitcast %add3A_228 : vector<16xf32> -> vector<16xi32>
      %add3A_239 = arith.constant 32767 : i32
      %add3A_240 = vector.broadcast %add3A_239 : i32 to vector<16xi32>
      %add3A_241 = arith.addi %bitcast_convert_type3A_238, %add3A_240 : vector<16xi32>
      %shift_right_logical3A_242 = arith.constant 16 : i32
      %shift_right_logical3A_243 = vector.broadcast %shift_right_logical3A_242 : i32 to vector<16xi32>
      %shift_right_logical3A_244 = arith.shrui %bitcast_convert_type3A_238, %shift_right_logical3A_243 : vector<16xi32>
      %and3A_245 = arith.constant 1 : i32
      %and3A_246 = vector.broadcast %and3A_245 : i32 to vector<16xi32>
      %and3A_247 = arith.andi %shift_right_logical3A_244, %and3A_246 : vector<16xi32>
      %add3A_248 = arith.addi %add3A_241, %and3A_247 : vector<16xi32>
      %and3A_249 = vector.broadcast %scan3A_13 : i32 to vector<16xi32>
      %and3A_250 = arith.andi %add3A_248, %and3A_249 : vector<16xi32>
      %shift_right_logical3A_251 = arith.constant 16 : i32
      %shift_right_logical3A_252 = vector.broadcast %shift_right_logical3A_251 : i32 to vector<16xi32>
      %shift_right_logical3A_253 = arith.shrui %and3A_250, %shift_right_logical3A_252 : vector<16xi32>
      %bitcast_convert_type3A_254 = tpu.bitcast %add3A_237 : vector<16xf32> -> vector<16xi32>
      %add3A_255 = arith.constant 32767 : i32
      %add3A_256 = vector.broadcast %add3A_255 : i32 to vector<16xi32>
      %add3A_257 = arith.addi %bitcast_convert_type3A_254, %add3A_256 : vector<16xi32>
      %shift_right_logical3A_258 = arith.constant 16 : i32
      %shift_right_logical3A_259 = vector.broadcast %shift_right_logical3A_258 : i32 to vector<16xi32>
      %shift_right_logical3A_260 = arith.shrui %bitcast_convert_type3A_254, %shift_right_logical3A_259 : vector<16xi32>
      %and3A_261 = arith.constant 1 : i32
      %and3A_262 = vector.broadcast %and3A_261 : i32 to vector<16xi32>
      %and3A_263 = arith.andi %shift_right_logical3A_260, %and3A_262 : vector<16xi32>
      %add3A_264 = arith.addi %add3A_257, %and3A_263 : vector<16xi32>
      %and3A_265 = vector.broadcast %scan3A_13 : i32 to vector<16xi32>
      %and3A_266 = arith.andi %add3A_264, %and3A_265 : vector<16xi32>
      %or3A_267 = arith.ori %shift_right_logical3A_253, %and3A_266 : vector<16xi32>
      %swap3A_268 = arith.index_cast %scan3A_19 : i32 to index
      %swap3A_269 = arith.constant 48 : index
      %swap3A_270 = tpu.vector_load %arg14[%swap3A_268, %swap3A_269] {strides = array<i32>} : memref<64x384xi32, #tpu.memory_space<vmem>>, vector<1x16xi32>,
      %swap3A_271 = vector.shape_cast %swap3A_270 : vector<1x16xi32> to vector<16xi32>
      %swap3A_272 = vector.shape_cast %or3A_267 : vector<16xi32> to vector<1x16xi32>
      tpu.vector_store %arg14[%swap3A_268, %swap3A_269], %swap3A_272 {strides = array<i32>} : memref<64x384xi32, #tpu.memory_space<vmem>>, vector<1x16xi32>,
      %get3A_273 = arith.index_cast %scan3A_19 : i32 to index
      %get3A_274 = arith.constant 64 : index
      %get3A_275 = tpu.vector_load %arg12[%get3A_273, %get3A_274] {strides = array<i32>} : memref<64x384xi32, #tpu.memory_space<vmem>>, vector<1x16xi32>,
      %get3A_276 = vector.shape_cast %get3A_275 : vector<1x16xi32> to vector<16xi32>
      %get3A_277 = arith.index_cast %scan3A_19 : i32 to index
      %get3A_278 = arith.constant 64 : index
      %get3A_279 = tpu.vector_load %arg13[%get3A_277, %get3A_278] {strides = array<i32>} : memref<64x384xi32, #tpu.memory_space<vmem>>, vector<1x16xi32>,
      %get3A_280 = vector.shape_cast %get3A_279 : vector<1x16xi32> to vector<16xi32>
      %shift_left3A_281 = arith.constant 16 : i32
      %shift_left3A_282 = vector.broadcast %shift_left3A_281 : i32 to vector<16xi32>
      %shift_left3A_283 = arith.shli %get3A_276, %shift_left3A_282 : vector<16xi32>
      %bitcast_convert_type3A_284 = tpu.bitcast %shift_left3A_283 : vector<16xi32> -> vector<16xf32>
      %mul3A_285 = arith.mulf %get3A_22, %bitcast_convert_type3A_284 : vector<16xf32>
      %shift_left3A_286 = arith.constant 16 : i32
      %shift_left3A_287 = vector.broadcast %shift_left3A_286 : i32 to vector<16xi32>
      %shift_left3A_288 = arith.shli %get3A_280, %shift_left3A_287 : vector<16xi32>
      %bitcast_convert_type3A_289 = tpu.bitcast %shift_left3A_288 : vector<16xi32> -> vector<16xf32>
      %mul3A_290 = arith.mulf %get3A_26, %bitcast_convert_type3A_289 : vector<16xf32>
      %add3A_291 = arith.addf %mul3A_285, %mul3A_290 : vector<16xf32>
      %and3A_292 = vector.broadcast %scan3A_13 : i32 to vector<16xi32>
      %and3A_293 = arith.andi %get3A_276, %and3A_292 : vector<16xi32>
      %bitcast_convert_type3A_294 = tpu.bitcast %and3A_293 : vector<16xi32> -> vector<16xf32>
      %mul3A_295 = arith.mulf %get3A_22, %bitcast_convert_type3A_294 : vector<16xf32>
      %and3A_296 = vector.broadcast %scan3A_13 : i32 to vector<16xi32>
      %and3A_297 = arith.andi %get3A_280, %and3A_296 : vector<16xi32>
      %bitcast_convert_type3A_298 = tpu.bitcast %and3A_297 : vector<16xi32> -> vector<16xf32>
      %mul3A_299 = arith.mulf %get3A_26, %bitcast_convert_type3A_298 : vector<16xf32>
      %add3A_300 = arith.addf %mul3A_295, %mul3A_299 : vector<16xf32>
      %bitcast_convert_type3A_301 = tpu.bitcast %add3A_291 : vector<16xf32> -> vector<16xi32>
      %add3A_302 = arith.constant 32767 : i32
      %add3A_303 = vector.broadcast %add3A_302 : i32 to vector<16xi32>
      %add3A_304 = arith.addi %bitcast_convert_type3A_301, %add3A_303 : vector<16xi32>
      %shift_right_logical3A_305 = arith.constant 16 : i32
      %shift_right_logical3A_306 = vector.broadcast %shift_right_logical3A_305 : i32 to vector<16xi32>
      %shift_right_logical3A_307 = arith.shrui %bitcast_convert_type3A_301, %shift_right_logical3A_306 : vector<16xi32>
      %and3A_308 = arith.constant 1 : i32
      %and3A_309 = vector.broadcast %and3A_308 : i32 to vector<16xi32>
      %and3A_310 = arith.andi %shift_right_logical3A_307, %and3A_309 : vector<16xi32>
      %add3A_311 = arith.addi %add3A_304, %and3A_310 : vector<16xi32>
      %and3A_312 = vector.broadcast %scan3A_13 : i32 to vector<16xi32>
      %and3A_313 = arith.andi %add3A_311, %and3A_312 : vector<16xi32>
      %shift_right_logical3A_314 = arith.constant 16 : i32
      %shift_right_logical3A_315 = vector.broadcast %shift_right_logical3A_314 : i32 to vector<16xi32>
      %shift_right_logical3A_316 = arith.shrui %and3A_313, %shift_right_logical3A_315 : vector<16xi32>
      %bitcast_convert_type3A_317 = tpu.bitcast %add3A_300 : vector<16xf32> -> vector<16xi32>
      %add3A_318 = arith.constant 32767 : i32
      %add3A_319 = vector.broadcast %add3A_318 : i32 to vector<16xi32>
      %add3A_320 = arith.addi %bitcast_convert_type3A_317, %add3A_319 : vector<16xi32>
      %shift_right_logical3A_321 = arith.constant 16 : i32
      %shift_right_logical3A_322 = vector.broadcast %shift_right_logical3A_321 : i32 to vector<16xi32>
      %shift_right_logical3A_323 = arith.shrui %bitcast_convert_type3A_317, %shift_right_logical3A_322 : vector<16xi32>
      %and3A_324 = arith.constant 1 : i32
      %and3A_325 = vector.broadcast %and3A_324 : i32 to vector<16xi32>
      %and3A_326 = arith.andi %shift_right_logical3A_323, %and3A_325 : vector<16xi32>
      %add3A_327 = arith.addi %add3A_320, %and3A_326 : vector<16xi32>
      %and3A_328 = vector.broadcast %scan3A_13 : i32 to vector<16xi32>
      %and3A_329 = arith.andi %add3A_327, %and3A_328 : vector<16xi32>
      %or3A_330 = arith.ori %shift_right_logical3A_316, %and3A_329 : vector<16xi32>
      %swap3A_331 = arith.index_cast %scan3A_19 : i32 to index
      %swap3A_332 = arith.constant 64 : index
      %swap3A_333 = tpu.vector_load %arg14[%swap3A_331, %swap3A_332] {strides = array<i32>} : memref<64x384xi32, #tpu.memory_space<vmem>>, vector<1x16xi32>,
      %swap3A_334 = vector.shape_cast %swap3A_333 : vector<1x16xi32> to vector<16xi32>
      %swap3A_335 = vector.shape_cast %or3A_330 : vector<16xi32> to vector<1x16xi32>
      tpu.vector_store %arg14[%swap3A_331, %swap3A_332], %swap3A_335 {strides = array<i32>} : memref<64x384xi32, #tpu.memory_space<vmem>>, vector<1x16xi32>,
      %get3A_336 = arith.index_cast %scan3A_19 : i32 to index
      %get3A_337 = arith.constant 80 : index
      %get3A_338 = tpu.vector_load %arg12[%get3A_336, %get3A_337] {strides = array<i32>} : memref<64x384xi32, #tpu.memory_space<vmem>>, vector<1x16xi32>,
      %get3A_339 = vector.shape_cast %get3A_338 : vector<1x16xi32> to vector<16xi32>
      %get3A_340 = arith.index_cast %scan3A_19 : i32 to index
      %get3A_341 = arith.constant 80 : index
      %get3A_342 = tpu.vector_load %arg13[%get3A_340, %get3A_341] {strides = array<i32>} : memref<64x384xi32, #tpu.memory_space<vmem>>, vector<1x16xi32>,
      %get3A_343 = vector.shape_cast %get3A_342 : vector<1x16xi32> to vector<16xi32>
      %shift_left3A_344 = arith.constant 16 : i32
      %shift_left3A_345 = vector.broadcast %shift_left3A_344 : i32 to vector<16xi32>
      %shift_left3A_346 = arith.shli %get3A_339, %shift_left3A_345 : vector<16xi32>
      %bitcast_convert_type3A_347 = tpu.bitcast %shift_left3A_346 : vector<16xi32> -> vector<16xf32>
      %mul3A_348 = arith.mulf %get3A_22, %bitcast_convert_type3A_347 : vector<16xf32>
      %shift_left3A_349 = arith.constant 16 : i32
      %shift_left3A_350 = vector.broadcast %shift_left3A_349 : i32 to vector<16xi32>
      %shift_left3A_351 = arith.shli %get3A_343, %shift_left3A_350 : vector<16xi32>
      %bitcast_convert_type3A_352 = tpu.bitcast %shift_left3A_351 : vector<16xi32> -> vector<16xf32>
      %mul3A_353 = arith.mulf %get3A_26, %bitcast_convert_type3A_352 : vector<16xf32>
      %add3A_354 = arith.addf %mul3A_348, %mul3A_353 : vector<16xf32>
      %and3A_355 = vector.broadcast %scan3A_13 : i32 to vector<16xi32>
      %and3A_356 = arith.andi %get3A_339, %and3A_355 : vector<16xi32>
      %bitcast_convert_type3A_357 = tpu.bitcast %and3A_356 : vector<16xi32> -> vector<16xf32>
      %mul3A_358 = arith.mulf %get3A_22, %bitcast_convert_type3A_357 : vector<16xf32>
      %and3A_359 = vector.broadcast %scan3A_13 : i32 to vector<16xi32>
      %and3A_360 = arith.andi %get3A_343, %and3A_359 : vector<16xi32>
      %bitcast_convert_type3A_361 = tpu.bitcast %and3A_360 : vector<16xi32> -> vector<16xf32>
      %mul3A_362 = arith.mulf %get3A_26, %bitcast_convert_type3A_361 : vector<16xf32>
      %add3A_363 = arith.addf %mul3A_358, %mul3A_362 : vector<16xf32>
      %bitcast_convert_type3A_364 = tpu.bitcast %add3A_354 : vector<16xf32> -> vector<16xi32>
      %add3A_365 = arith.constant 32767 : i32
      %add3A_366 = vector.broadcast %add3A_365 : i32 to vector<16xi32>
      %add3A_367 = arith.addi %bitcast_convert_type3A_364, %add3A_366 : vector<16xi32>
      %shift_right_logical3A_368 = arith.constant 16 : i32
      %shift_right_logical3A_369 = vector.broadcast %shift_right_logical3A_368 : i32 to vector<16xi32>
      %shift_right_logical3A_370 = arith.shrui %bitcast_convert_type3A_364, %shift_right_logical3A_369 : vector<16xi32>
      %and3A_371 = arith.constant 1 : i32
      %and3A_372 = vector.broadcast %and3A_371 : i32 to vector<16xi32>
      %and3A_373 = arith.andi %shift_right_logical3A_370, %and3A_372 : vector<16xi32>
      %add3A_374 = arith.addi %add3A_367, %and3A_373 : vector<16xi32>
      %and3A_375 = vector.broadcast %scan3A_13 : i32 to vector<16xi32>
      %and3A_376 = arith.andi %add3A_374, %and3A_375 : vector<16xi32>
      %shift_right_logical3A_377 = arith.constant 16 : i32
      %shift_right_logical3A_378 = vector.broadcast %shift_right_logical3A_377 : i32 to vector<16xi32>
      %shift_right_logical3A_379 = arith.shrui %and3A_376, %shift_right_logical3A_378 : vector<16xi32>
      %bitcast_convert_type3A_380 = tpu.bitcast %add3A_363 : vector<16xf32> -> vector<16xi32>
      %add3A_381 = arith.constant 32767 : i32
      %add3A_382 = vector.broadcast %add3A_381 : i32 to vector<16xi32>
      %add3A_383 = arith.addi %bitcast_convert_type3A_380, %add3A_382 : vector<16xi32>
      %shift_right_logical3A_384 = arith.constant 16 : i32
      %shift_right_logical3A_385 = vector.broadcast %shift_right_logical3A_384 : i32 to vector<16xi32>
      %shift_right_logical3A_386 = arith.shrui %bitcast_convert_type3A_380, %shift_right_logical3A_385 : vector<16xi32>
      %and3A_387 = arith.constant 1 : i32
      %and3A_388 = vector.broadcast %and3A_387 : i32 to vector<16xi32>
      %and3A_389 = arith.andi %shift_right_logical3A_386, %and3A_388 : vector<16xi32>
      %add3A_390 = arith.addi %add3A_383, %and3A_389 : vector<16xi32>
      %and3A_391 = vector.broadcast %scan3A_13 : i32 to vector<16xi32>
      %and3A_392 = arith.andi %add3A_390, %and3A_391 : vector<16xi32>
      %or3A_393 = arith.ori %shift_right_logical3A_379, %and3A_392 : vector<16xi32>
      %swap3A_394 = arith.index_cast %scan3A_19 : i32 to index
      %swap3A_395 = arith.constant 80 : index
      %swap3A_396 = tpu.vector_load %arg14[%swap3A_394, %swap3A_395] {strides = array<i32>} : memref<64x384xi32, #tpu.memory_space<vmem>>, vector<1x16xi32>,
      %swap3A_397 = vector.shape_cast %swap3A_396 : vector<1x16xi32> to vector<16xi32>
      %swap3A_398 = vector.shape_cast %or3A_393 : vector<16xi32> to vector<1x16xi32>
      tpu.vector_store %arg14[%swap3A_394, %swap3A_395], %swap3A_398 {strides = array<i32>} : memref<64x384xi32, #tpu.memory_space<vmem>>, vector<1x16xi32>,
      %get3A_399 = arith.index_cast %scan3A_19 : i32 to index
      %get3A_400 = arith.constant 96 : index
      %get3A_401 = tpu.vector_load %arg12[%get3A_399, %get3A_400] {strides = array<i32>} : memref<64x384xi32, #tpu.memory_space<vmem>>, vector<1x16xi32>,
      %get3A_402 = vector.shape_cast %get3A_401 : vector<1x16xi32> to vector<16xi32>
      %get3A_403 = arith.index_cast %scan3A_19 : i32 to index
      %get3A_404 = arith.constant 96 : index
      %get3A_405 = tpu.vector_load %arg13[%get3A_403, %get3A_404] {strides = array<i32>} : memref<64x384xi32, #tpu.memory_space<vmem>>, vector<1x16xi32>,
      %get3A_406 = vector.shape_cast %get3A_405 : vector<1x16xi32> to vector<16xi32>
      %shift_left3A_407 = arith.constant 16 : i32
      %shift_left3A_408 = vector.broadcast %shift_left3A_407 : i32 to vector<16xi32>
      %shift_left3A_409 = arith.shli %get3A_402, %shift_left3A_408 : vector<16xi32>
      %bitcast_convert_type3A_410 = tpu.bitcast %shift_left3A_409 : vector<16xi32> -> vector<16xf32>
      %mul3A_411 = arith.mulf %get3A_22, %bitcast_convert_type3A_410 : vector<16xf32>
      %shift_left3A_412 = arith.constant 16 : i32
      %shift_left3A_413 = vector.broadcast %shift_left3A_412 : i32 to vector<16xi32>
      %shift_left3A_414 = arith.shli %get3A_406, %shift_left3A_413 : vector<16xi32>
      %bitcast_convert_type3A_415 = tpu.bitcast %shift_left3A_414 : vector<16xi32> -> vector<16xf32>
      %mul3A_416 = arith.mulf %get3A_26, %bitcast_convert_type3A_415 : vector<16xf32>
      %add3A_417 = arith.addf %mul3A_411, %mul3A_416 : vector<16xf32>
      %and3A_418 = vector.broadcast %scan3A_13 : i32 to vector<16xi32>
      %and3A_419 = arith.andi %get3A_402, %and3A_418 : vector<16xi32>
      %bitcast_convert_type3A_420 = tpu.bitcast %and3A_419 : vector<16xi32> -> vector<16xf32>
      %mul3A_421 = arith.mulf %get3A_22, %bitcast_convert_type3A_420 : vector<16xf32>
      %and3A_422 = vector.broadcast %scan3A_13 : i32 to vector<16xi32>
      %and3A_423 = arith.andi %get3A_406, %and3A_422 : vector<16xi32>
      %bitcast_convert_type3A_424 = tpu.bitcast %and3A_423 : vector<16xi32> -> vector<16xf32>
      %mul3A_425 = arith.mulf %get3A_26, %bitcast_convert_type3A_424 : vector<16xf32>
      %add3A_426 = arith.addf %mul3A_421, %mul3A_425 : vector<16xf32>
      %bitcast_convert_type3A_427 = tpu.bitcast %add3A_417 : vector<16xf32> -> vector<16xi32>
      %add3A_428 = arith.constant 32767 : i32
      %add3A_429 = vector.broadcast %add3A_428 : i32 to vector<16xi32>
      %add3A_430 = arith.addi %bitcast_convert_type3A_427, %add3A_429 : vector<16xi32>
      %shift_right_logical3A_431 = arith.constant 16 : i32
      %shift_right_logical3A_432 = vector.broadcast %shift_right_logical3A_431 : i32 to vector<16xi32>
      %shift_right_logical3A_433 = arith.shrui %bitcast_convert_type3A_427, %shift_right_logical3A_432 : vector<16xi32>
      %and3A_434 = arith.constant 1 : i32
      %and3A_435 = vector.broadcast %and3A_434 : i32 to vector<16xi32>
      %and3A_436 = arith.andi %shift_right_logical3A_433, %and3A_435 : vector<16xi32>
      %add3A_437 = arith.addi %add3A_430, %and3A_436 : vector<16xi32>
      %and3A_438 = vector.broadcast %scan3A_13 : i32 to vector<16xi32>
      %and3A_439 = arith.andi %add3A_437, %and3A_438 : vector<16xi32>
      %shift_right_logical3A_440 = arith.constant 16 : i32
      %shift_right_logical3A_441 = vector.broadcast %shift_right_logical3A_440 : i32 to vector<16xi32>
      %shift_right_logical3A_442 = arith.shrui %and3A_439, %shift_right_logical3A_441 : vector<16xi32>
      %bitcast_convert_type3A_443 = tpu.bitcast %add3A_426 : vector<16xf32> -> vector<16xi32>
      %add3A_444 = arith.constant 32767 : i32
      %add3A_445 = vector.broadcast %add3A_444 : i32 to vector<16xi32>
      %add3A_446 = arith.addi %bitcast_convert_type3A_443, %add3A_445 : vector<16xi32>
      %shift_right_logical3A_447 = arith.constant 16 : i32
      %shift_right_logical3A_448 = vector.broadcast %shift_right_logical3A_447 : i32 to vector<16xi32>
      %shift_right_logical3A_449 = arith.shrui %bitcast_convert_type3A_443, %shift_right_logical3A_448 : vector<16xi32>
      %and3A_450 = arith.constant 1 : i32
      %and3A_451 = vector.broadcast %and3A_450 : i32 to vector<16xi32>
      %and3A_452 = arith.andi %shift_right_logical3A_449, %and3A_451 : vector<16xi32>
      %add3A_453 = arith.addi %add3A_446, %and3A_452 : vector<16xi32>
      %and3A_454 = vector.broadcast %scan3A_13 : i32 to vector<16xi32>
      %and3A_455 = arith.andi %add3A_453, %and3A_454 : vector<16xi32>
      %or3A_456 = arith.ori %shift_right_logical3A_442, %and3A_455 : vector<16xi32>
      %swap3A_457 = arith.index_cast %scan3A_19 : i32 to index
      %swap3A_458 = arith.constant 96 : index
      %swap3A_459 = tpu.vector_load %arg14[%swap3A_457, %swap3A_458] {strides = array<i32>} : memref<64x384xi32, #tpu.memory_space<vmem>>, vector<1x16xi32>,
      %swap3A_460 = vector.shape_cast %swap3A_459 : vector<1x16xi32> to vector<16xi32>
      %swap3A_461 = vector.shape_cast %or3A_456 : vector<16xi32> to vector<1x16xi32>
      tpu.vector_store %arg14[%swap3A_457, %swap3A_458], %swap3A_461 {strides = array<i32>} : memref<64x384xi32, #tpu.memory_space<vmem>>, vector<1x16xi32>,
      %get3A_462 = arith.index_cast %scan3A_19 : i32 to index
      %get3A_463 = arith.constant 112 : index
      %get3A_464 = tpu.vector_load %arg12[%get3A_462, %get3A_463] {strides = array<i32>} : memref<64x384xi32, #tpu.memory_space<vmem>>, vector<1x16xi32>,
      %get3A_465 = vector.shape_cast %get3A_464 : vector<1x16xi32> to vector<16xi32>
      %get3A_466 = arith.index_cast %scan3A_19 : i32 to index
      %get3A_467 = arith.constant 112 : index
      %get3A_468 = tpu.vector_load %arg13[%get3A_466, %get3A_467] {strides = array<i32>} : memref<64x384xi32, #tpu.memory_space<vmem>>, vector<1x16xi32>,
      %get3A_469 = vector.shape_cast %get3A_468 : vector<1x16xi32> to vector<16xi32>
      %shift_left3A_470 = arith.constant 16 : i32
      %shift_left3A_471 = vector.broadcast %shift_left3A_470 : i32 to vector<16xi32>
      %shift_left3A_472 = arith.shli %get3A_465, %shift_left3A_471 : vector<16xi32>
      %bitcast_convert_type3A_473 = tpu.bitcast %shift_left3A_472 : vector<16xi32> -> vector<16xf32>
      %mul3A_474 = arith.mulf %get3A_22, %bitcast_convert_type3A_473 : vector<16xf32>
      %shift_left3A_475 = arith.constant 16 : i32
      %shift_left3A_476 = vector.broadcast %shift_left3A_475 : i32 to vector<16xi32>
      %shift_left3A_477 = arith.shli %get3A_469, %shift_left3A_476 : vector<16xi32>
      %bitcast_convert_type3A_478 = tpu.bitcast %shift_left3A_477 : vector<16xi32> -> vector<16xf32>
      %mul3A_479 = arith.mulf %get3A_26, %bitcast_convert_type3A_478 : vector<16xf32>
      %add3A_480 = arith.addf %mul3A_474, %mul3A_479 : vector<16xf32>
      %and3A_481 = vector.broadcast %scan3A_13 : i32 to vector<16xi32>
      %and3A_482 = arith.andi %get3A_465, %and3A_481 : vector<16xi32>
      %bitcast_convert_type3A_483 = tpu.bitcast %and3A_482 : vector<16xi32> -> vector<16xf32>
      %mul3A_484 = arith.mulf %get3A_22, %bitcast_convert_type3A_483 : vector<16xf32>
      %and3A_485 = vector.broadcast %scan3A_13 : i32 to vector<16xi32>
      %and3A_486 = arith.andi %get3A_469, %and3A_485 : vector<16xi32>
      %bitcast_convert_type3A_487 = tpu.bitcast %and3A_486 : vector<16xi32> -> vector<16xf32>
      %mul3A_488 = arith.mulf %get3A_26, %bitcast_convert_type3A_487 : vector<16xf32>
      %add3A_489 = arith.addf %mul3A_484, %mul3A_488 : vector<16xf32>
      %bitcast_convert_type3A_490 = tpu.bitcast %add3A_480 : vector<16xf32> -> vector<16xi32>
      %add3A_491 = arith.constant 32767 : i32
      %add3A_492 = vector.broadcast %add3A_491 : i32 to vector<16xi32>
      %add3A_493 = arith.addi %bitcast_convert_type3A_490, %add3A_492 : vector<16xi32>
      %shift_right_logical3A_494 = arith.constant 16 : i32
      %shift_right_logical3A_495 = vector.broadcast %shift_right_logical3A_494 : i32 to vector<16xi32>
      %shift_right_logical3A_496 = arith.shrui %bitcast_convert_type3A_490, %shift_right_logical3A_495 : vector<16xi32>
      %and3A_497 = arith.constant 1 : i32
      %and3A_498 = vector.broadcast %and3A_497 : i32 to vector<16xi32>
      %and3A_499 = arith.andi %shift_right_logical3A_496, %and3A_498 : vector<16xi32>
      %add3A_500 = arith.addi %add3A_493, %and3A_499 : vector<16xi32>
      %and3A_501 = vector.broadcast %scan3A_13 : i32 to vector<16xi32>
      %and3A_502 = arith.andi %add3A_500, %and3A_501 : vector<16xi32>
      %shift_right_logical3A_503 = arith.constant 16 : i32
      %shift_right_logical3A_504 = vector.broadcast %shift_right_logical3A_503 : i32 to vector<16xi32>
      %shift_right_logical3A_505 = arith.shrui %and3A_502, %shift_right_logical3A_504 : vector<16xi32>
      %bitcast_convert_type3A_506 = tpu.bitcast %add3A_489 : vector<16xf32> -> vector<16xi32>
      %add3A_507 = arith.constant 32767 : i32
      %add3A_508 = vector.broadcast %add3A_507 : i32 to vector<16xi32>
      %add3A_509 = arith.addi %bitcast_convert_type3A_506, %add3A_508 : vector<16xi32>
      %shift_right_logical3A_510 = arith.constant 16 : i32
      %shift_right_logical3A_511 = vector.broadcast %shift_right_logical3A_510 : i32 to vector<16xi32>
      %shift_right_logical3A_512 = arith.shrui %bitcast_convert_type3A_506, %shift_right_logical3A_511 : vector<16xi32>
      %and3A_513 = arith.constant 1 : i32
      %and3A_514 = vector.broadcast %and3A_513 : i32 to vector<16xi32>
      %and3A_515 = arith.andi %shift_right_logical3A_512, %and3A_514 : vector<16xi32>
      %add3A_516 = arith.addi %add3A_509, %and3A_515 : vector<16xi32>
      %and3A_517 = vector.broadcast %scan3A_13 : i32 to vector<16xi32>
      %and3A_518 = arith.andi %add3A_516, %and3A_517 : vector<16xi32>
      %or3A_519 = arith.ori %shift_right_logical3A_505, %and3A_518 : vector<16xi32>
      %swap3A_520 = arith.index_cast %scan3A_19 : i32 to index
      %swap3A_521 = arith.constant 112 : index
      %swap3A_522 = tpu.vector_load %arg14[%swap3A_520, %swap3A_521] {strides = array<i32>} : memref<64x384xi32, #tpu.memory_space<vmem>>, vector<1x16xi32>,
      %swap3A_523 = vector.shape_cast %swap3A_522 : vector<1x16xi32> to vector<16xi32>
      %swap3A_524 = vector.shape_cast %or3A_519 : vector<16xi32> to vector<1x16xi32>
      tpu.vector_store %arg14[%swap3A_520, %swap3A_521], %swap3A_524 {strides = array<i32>} : memref<64x384xi32, #tpu.memory_space<vmem>>, vector<1x16xi32>,
      %get3A_525 = arith.index_cast %scan3A_19 : i32 to index
      %get3A_526 = arith.constant 128 : index
      %get3A_527 = tpu.vector_load %arg12[%get3A_525, %get3A_526] {strides = array<i32>} : memref<64x384xi32, #tpu.memory_space<vmem>>, vector<1x16xi32>,
      %get3A_528 = vector.shape_cast %get3A_527 : vector<1x16xi32> to vector<16xi32>
      %get3A_529 = arith.index_cast %scan3A_19 : i32 to index
      %get3A_530 = arith.constant 128 : index
      %get3A_531 = tpu.vector_load %arg13[%get3A_529, %get3A_530] {strides = array<i32>} : memref<64x384xi32, #tpu.memory_space<vmem>>, vector<1x16xi32>,
      %get3A_532 = vector.shape_cast %get3A_531 : vector<1x16xi32> to vector<16xi32>
      %shift_left3A_533 = arith.constant 16 : i32
      %shift_left3A_534 = vector.broadcast %shift_left3A_533 : i32 to vector<16xi32>
      %shift_left3A_535 = arith.shli %get3A_528, %shift_left3A_534 : vector<16xi32>
      %bitcast_convert_type3A_536 = tpu.bitcast %shift_left3A_535 : vector<16xi32> -> vector<16xf32>
      %mul3A_537 = arith.mulf %get3A_22, %bitcast_convert_type3A_536 : vector<16xf32>
      %shift_left3A_538 = arith.constant 16 : i32
      %shift_left3A_539 = vector.broadcast %shift_left3A_538 : i32 to vector<16xi32>
      %shift_left3A_540 = arith.shli %get3A_532, %shift_left3A_539 : vector<16xi32>
      %bitcast_convert_type3A_541 = tpu.bitcast %shift_left3A_540 : vector<16xi32> -> vector<16xf32>
      %mul3A_542 = arith.mulf %get3A_26, %bitcast_convert_type3A_541 : vector<16xf32>
      %add3A_543 = arith.addf %mul3A_537, %mul3A_542 : vector<16xf32>
      %and3A_544 = vector.broadcast %scan3A_13 : i32 to vector<16xi32>
      %and3A_545 = arith.andi %get3A_528, %and3A_544 : vector<16xi32>
      %bitcast_convert_type3A_546 = tpu.bitcast %and3A_545 : vector<16xi32> -> vector<16xf32>
      %mul3A_547 = arith.mulf %get3A_22, %bitcast_convert_type3A_546 : vector<16xf32>
      %and3A_548 = vector.broadcast %scan3A_13 : i32 to vector<16xi32>
      %and3A_549 = arith.andi %get3A_532, %and3A_548 : vector<16xi32>
      %bitcast_convert_type3A_550 = tpu.bitcast %and3A_549 : vector<16xi32> -> vector<16xf32>
      %mul3A_551 = arith.mulf %get3A_26, %bitcast_convert_type3A_550 : vector<16xf32>
      %add3A_552 = arith.addf %mul3A_547, %mul3A_551 : vector<16xf32>
      %bitcast_convert_type3A_553 = tpu.bitcast %add3A_543 : vector<16xf32> -> vector<16xi32>
      %add3A_554 = arith.constant 32767 : i32
      %add3A_555 = vector.broadcast %add3A_554 : i32 to vector<16xi32>
      %add3A_556 = arith.addi %bitcast_convert_type3A_553, %add3A_555 : vector<16xi32>
      %shift_right_logical3A_557 = arith.constant 16 : i32
      %shift_right_logical3A_558 = vector.broadcast %shift_right_logical3A_557 : i32 to vector<16xi32>
      %shift_right_logical3A_559 = arith.shrui %bitcast_convert_type3A_553, %shift_right_logical3A_558 : vector<16xi32>
      %and3A_560 = arith.constant 1 : i32
      %and3A_561 = vector.broadcast %and3A_560 : i32 to vector<16xi32>
      %and3A_562 = arith.andi %shift_right_logical3A_559, %and3A_561 : vector<16xi32>
      %add3A_563 = arith.addi %add3A_556, %and3A_562 : vector<16xi32>
      %and3A_564 = vector.broadcast %scan3A_13 : i32 to vector<16xi32>
      %and3A_565 = arith.andi %add3A_563, %and3A_564 : vector<16xi32>
      %shift_right_logical3A_566 = arith.constant 16 : i32
      %shift_right_logical3A_567 = vector.broadcast %shift_right_logical3A_566 : i32 to vector<16xi32>
      %shift_right_logical3A_568 = arith.shrui %and3A_565, %shift_right_logical3A_567 : vector<16xi32>
      %bitcast_convert_type3A_569 = tpu.bitcast %add3A_552 : vector<16xf32> -> vector<16xi32>
      %add3A_570 = arith.constant 32767 : i32
      %add3A_571 = vector.broadcast %add3A_570 : i32 to vector<16xi32>
      %add3A_572 = arith.addi %bitcast_convert_type3A_569, %add3A_571 : vector<16xi32>
      %shift_right_logical3A_573 = arith.constant 16 : i32
      %shift_right_logical3A_574 = vector.broadcast %shift_right_logical3A_573 : i32 to vector<16xi32>
      %shift_right_logical3A_575 = arith.shrui %bitcast_convert_type3A_569, %shift_right_logical3A_574 : vector<16xi32>
      %and3A_576 = arith.constant 1 : i32
      %and3A_577 = vector.broadcast %and3A_576 : i32 to vector<16xi32>
      %and3A_578 = arith.andi %shift_right_logical3A_575, %and3A_577 : vector<16xi32>
      %add3A_579 = arith.addi %add3A_572, %and3A_578 : vector<16xi32>
      %and3A_580 = vector.broadcast %scan3A_13 : i32 to vector<16xi32>
      %and3A_581 = arith.andi %add3A_579, %and3A_580 : vector<16xi32>
      %or3A_582 = arith.ori %shift_right_logical3A_568, %and3A_581 : vector<16xi32>
      %swap3A_583 = arith.index_cast %scan3A_19 : i32 to index
      %swap3A_584 = arith.constant 128 : index
      %swap3A_585 = tpu.vector_load %arg14[%swap3A_583, %swap3A_584] {strides = array<i32>} : memref<64x384xi32, #tpu.memory_space<vmem>>, vector<1x16xi32>,
      %swap3A_586 = vector.shape_cast %swap3A_585 : vector<1x16xi32> to vector<16xi32>
      %swap3A_587 = vector.shape_cast %or3A_582 : vector<16xi32> to vector<1x16xi32>
      tpu.vector_store %arg14[%swap3A_583, %swap3A_584], %swap3A_587 {strides = array<i32>} : memref<64x384xi32, #tpu.memory_space<vmem>>, vector<1x16xi32>,
      %get3A_588 = arith.index_cast %scan3A_19 : i32 to index
      %get3A_589 = arith.constant 144 : index
      %get3A_590 = tpu.vector_load %arg12[%get3A_588, %get3A_589] {strides = array<i32>} : memref<64x384xi32, #tpu.memory_space<vmem>>, vector<1x16xi32>,
      %get3A_591 = vector.shape_cast %get3A_590 : vector<1x16xi32> to vector<16xi32>
      %get3A_592 = arith.index_cast %scan3A_19 : i32 to index
      %get3A_593 = arith.constant 144 : index
      %get3A_594 = tpu.vector_load %arg13[%get3A_592, %get3A_593] {strides = array<i32>} : memref<64x384xi32, #tpu.memory_space<vmem>>, vector<1x16xi32>,
      %get3A_595 = vector.shape_cast %get3A_594 : vector<1x16xi32> to vector<16xi32>
      %shift_left3A_596 = arith.constant 16 : i32
      %shift_left3A_597 = vector.broadcast %shift_left3A_596 : i32 to vector<16xi32>
      %shift_left3A_598 = arith.shli %get3A_591, %shift_left3A_597 : vector<16xi32>
      %bitcast_convert_type3A_599 = tpu.bitcast %shift_left3A_598 : vector<16xi32> -> vector<16xf32>
      %mul3A_600 = arith.mulf %get3A_22, %bitcast_convert_type3A_599 : vector<16xf32>
      %shift_left3A_601 = arith.constant 16 : i32
      %shift_left3A_602 = vector.broadcast %shift_left3A_601 : i32 to vector<16xi32>
      %shift_left3A_603 = arith.shli %get3A_595, %shift_left3A_602 : vector<16xi32>
      %bitcast_convert_type3A_604 = tpu.bitcast %shift_left3A_603 : vector<16xi32> -> vector<16xf32>
      %mul3A_605 = arith.mulf %get3A_26, %bitcast_convert_type3A_604 : vector<16xf32>
      %add3A_606 = arith.addf %mul3A_600, %mul3A_605 : vector<16xf32>
      %and3A_607 = vector.broadcast %scan3A_13 : i32 to vector<16xi32>
      %and3A_608 = arith.andi %get3A_591, %and3A_607 : vector<16xi32>
      %bitcast_convert_type3A_609 = tpu.bitcast %and3A_608 : vector<16xi32> -> vector<16xf32>
      %mul3A_610 = arith.mulf %get3A_22, %bitcast_convert_type3A_609 : vector<16xf32>
      %and3A_611 = vector.broadcast %scan3A_13 : i32 to vector<16xi32>
      %and3A_612 = arith.andi %get3A_595, %and3A_611 : vector<16xi32>
      %bitcast_convert_type3A_613 = tpu.bitcast %and3A_612 : vector<16xi32> -> vector<16xf32>
      %mul3A_614 = arith.mulf %get3A_26, %bitcast_convert_type3A_613 : vector<16xf32>
      %add3A_615 = arith.addf %mul3A_610, %mul3A_614 : vector<16xf32>
      %bitcast_convert_type3A_616 = tpu.bitcast %add3A_606 : vector<16xf32> -> vector<16xi32>
      %add3A_617 = arith.constant 32767 : i32
      %add3A_618 = vector.broadcast %add3A_617 : i32 to vector<16xi32>
      %add3A_619 = arith.addi %bitcast_convert_type3A_616, %add3A_618 : vector<16xi32>
      %shift_right_logical3A_620 = arith.constant 16 : i32
      %shift_right_logical3A_621 = vector.broadcast %shift_right_logical3A_620 : i32 to vector<16xi32>
      %shift_right_logical3A_622 = arith.shrui %bitcast_convert_type3A_616, %shift_right_logical3A_621 : vector<16xi32>
      %and3A_623 = arith.constant 1 : i32
      %and3A_624 = vector.broadcast %and3A_623 : i32 to vector<16xi32>
      %and3A_625 = arith.andi %shift_right_logical3A_622, %and3A_624 : vector<16xi32>
      %add3A_626 = arith.addi %add3A_619, %and3A_625 : vector<16xi32>
      %and3A_627 = vector.broadcast %scan3A_13 : i32 to vector<16xi32>
      %and3A_628 = arith.andi %add3A_626, %and3A_627 : vector<16xi32>
      %shift_right_logical3A_629 = arith.constant 16 : i32
      %shift_right_logical3A_630 = vector.broadcast %shift_right_logical3A_629 : i32 to vector<16xi32>
      %shift_right_logical3A_631 = arith.shrui %and3A_628, %shift_right_logical3A_630 : vector<16xi32>
      %bitcast_convert_type3A_632 = tpu.bitcast %add3A_615 : vector<16xf32> -> vector<16xi32>
      %add3A_633 = arith.constant 32767 : i32
      %add3A_634 = vector.broadcast %add3A_633 : i32 to vector<16xi32>
      %add3A_635 = arith.addi %bitcast_convert_type3A_632, %add3A_634 : vector<16xi32>
      %shift_right_logical3A_636 = arith.constant 16 : i32
      %shift_right_logical3A_637 = vector.broadcast %shift_right_logical3A_636 : i32 to vector<16xi32>
      %shift_right_logical3A_638 = arith.shrui %bitcast_convert_type3A_632, %shift_right_logical3A_637 : vector<16xi32>
      %and3A_639 = arith.constant 1 : i32
      %and3A_640 = vector.broadcast %and3A_639 : i32 to vector<16xi32>
      %and3A_641 = arith.andi %shift_right_logical3A_638, %and3A_640 : vector<16xi32>
      %add3A_642 = arith.addi %add3A_635, %and3A_641 : vector<16xi32>
      %and3A_643 = vector.broadcast %scan3A_13 : i32 to vector<16xi32>
      %and3A_644 = arith.andi %add3A_642, %and3A_643 : vector<16xi32>
      %or3A_645 = arith.ori %shift_right_logical3A_631, %and3A_644 : vector<16xi32>
      %swap3A_646 = arith.index_cast %scan3A_19 : i32 to index
      %swap3A_647 = arith.constant 144 : index
      %swap3A_648 = tpu.vector_load %arg14[%swap3A_646, %swap3A_647] {strides = array<i32>} : memref<64x384xi32, #tpu.memory_space<vmem>>, vector<1x16xi32>,
      %swap3A_649 = vector.shape_cast %swap3A_648 : vector<1x16xi32> to vector<16xi32>
      %swap3A_650 = vector.shape_cast %or3A_645 : vector<16xi32> to vector<1x16xi32>
      tpu.vector_store %arg14[%swap3A_646, %swap3A_647], %swap3A_650 {strides = array<i32>} : memref<64x384xi32, #tpu.memory_space<vmem>>, vector<1x16xi32>,
      %get3A_651 = arith.index_cast %scan3A_19 : i32 to index
      %get3A_652 = arith.constant 160 : index
      %get3A_653 = tpu.vector_load %arg12[%get3A_651, %get3A_652] {strides = array<i32>} : memref<64x384xi32, #tpu.memory_space<vmem>>, vector<1x16xi32>,
      %get3A_654 = vector.shape_cast %get3A_653 : vector<1x16xi32> to vector<16xi32>
      %get3A_655 = arith.index_cast %scan3A_19 : i32 to index
      %get3A_656 = arith.constant 160 : index
      %get3A_657 = tpu.vector_load %arg13[%get3A_655, %get3A_656] {strides = array<i32>} : memref<64x384xi32, #tpu.memory_space<vmem>>, vector<1x16xi32>,
      %get3A_658 = vector.shape_cast %get3A_657 : vector<1x16xi32> to vector<16xi32>
      %shift_left3A_659 = arith.constant 16 : i32
      %shift_left3A_660 = vector.broadcast %shift_left3A_659 : i32 to vector<16xi32>
      %shift_left3A_661 = arith.shli %get3A_654, %shift_left3A_660 : vector<16xi32>
      %bitcast_convert_type3A_662 = tpu.bitcast %shift_left3A_661 : vector<16xi32> -> vector<16xf32>
      %mul3A_663 = arith.mulf %get3A_22, %bitcast_convert_type3A_662 : vector<16xf32>
      %shift_left3A_664 = arith.constant 16 : i32
      %shift_left3A_665 = vector.broadcast %shift_left3A_664 : i32 to vector<16xi32>
      %shift_left3A_666 = arith.shli %get3A_658, %shift_left3A_665 : vector<16xi32>
      %bitcast_convert_type3A_667 = tpu.bitcast %shift_left3A_666 : vector<16xi32> -> vector<16xf32>
      %mul3A_668 = arith.mulf %get3A_26, %bitcast_convert_type3A_667 : vector<16xf32>
      %add3A_669 = arith.addf %mul3A_663, %mul3A_668 : vector<16xf32>
      %and3A_670 = vector.broadcast %scan3A_13 : i32 to vector<16xi32>
      %and3A_671 = arith.andi %get3A_654, %and3A_670 : vector<16xi32>
      %bitcast_convert_type3A_672 = tpu.bitcast %and3A_671 : vector<16xi32> -> vector<16xf32>
      %mul3A_673 = arith.mulf %get3A_22, %bitcast_convert_type3A_672 : vector<16xf32>
      %and3A_674 = vector.broadcast %scan3A_13 : i32 to vector<16xi32>
      %and3A_675 = arith.andi %get3A_658, %and3A_674 : vector<16xi32>
      %bitcast_convert_type3A_676 = tpu.bitcast %and3A_675 : vector<16xi32> -> vector<16xf32>
      %mul3A_677 = arith.mulf %get3A_26, %bitcast_convert_type3A_676 : vector<16xf32>
      %add3A_678 = arith.addf %mul3A_673, %mul3A_677 : vector<16xf32>
      %bitcast_convert_type3A_679 = tpu.bitcast %add3A_669 : vector<16xf32> -> vector<16xi32>
      %add3A_680 = arith.constant 32767 : i32
      %add3A_681 = vector.broadcast %add3A_680 : i32 to vector<16xi32>
      %add3A_682 = arith.addi %bitcast_convert_type3A_679, %add3A_681 : vector<16xi32>
      %shift_right_logical3A_683 = arith.constant 16 : i32
      %shift_right_logical3A_684 = vector.broadcast %shift_right_logical3A_683 : i32 to vector<16xi32>
      %shift_right_logical3A_685 = arith.shrui %bitcast_convert_type3A_679, %shift_right_logical3A_684 : vector<16xi32>
      %and3A_686 = arith.constant 1 : i32
      %and3A_687 = vector.broadcast %and3A_686 : i32 to vector<16xi32>
      %and3A_688 = arith.andi %shift_right_logical3A_685, %and3A_687 : vector<16xi32>
      %add3A_689 = arith.addi %add3A_682, %and3A_688 : vector<16xi32>
      %and3A_690 = vector.broadcast %scan3A_13 : i32 to vector<16xi32>
      %and3A_691 = arith.andi %add3A_689, %and3A_690 : vector<16xi32>
      %shift_right_logical3A_692 = arith.constant 16 : i32
      %shift_right_logical3A_693 = vector.broadcast %shift_right_logical3A_692 : i32 to vector<16xi32>
      %shift_right_logical3A_694 = arith.shrui %and3A_691, %shift_right_logical3A_693 : vector<16xi32>
      %bitcast_convert_type3A_695 = tpu.bitcast %add3A_678 : vector<16xf32> -> vector<16xi32>
      %add3A_696 = arith.constant 32767 : i32
      %add3A_697 = vector.broadcast %add3A_696 : i32 to vector<16xi32>
      %add3A_698 = arith.addi %bitcast_convert_type3A_695, %add3A_697 : vector<16xi32>
      %shift_right_logical3A_699 = arith.constant 16 : i32
      %shift_right_logical3A_700 = vector.broadcast %shift_right_logical3A_699 : i32 to vector<16xi32>
      %shift_right_logical3A_701 = arith.shrui %bitcast_convert_type3A_695, %shift_right_logical3A_700 : vector<16xi32>
      %and3A_702 = arith.constant 1 : i32
      %and3A_703 = vector.broadcast %and3A_702 : i32 to vector<16xi32>
      %and3A_704 = arith.andi %shift_right_logical3A_701, %and3A_703 : vector<16xi32>
      %add3A_705 = arith.addi %add3A_698, %and3A_704 : vector<16xi32>
      %and3A_706 = vector.broadcast %scan3A_13 : i32 to vector<16xi32>
      %and3A_707 = arith.andi %add3A_705, %and3A_706 : vector<16xi32>
      %or3A_708 = arith.ori %shift_right_logical3A_694, %and3A_707 : vector<16xi32>
      %swap3A_709 = arith.index_cast %scan3A_19 : i32 to index
      %swap3A_710 = arith.constant 160 : index
      %swap3A_711 = tpu.vector_load %arg14[%swap3A_709, %swap3A_710] {strides = array<i32>} : memref<64x384xi32, #tpu.memory_space<vmem>>, vector<1x16xi32>,
      %swap3A_712 = vector.shape_cast %swap3A_711 : vector<1x16xi32> to vector<16xi32>
      %swap3A_713 = vector.shape_cast %or3A_708 : vector<16xi32> to vector<1x16xi32>
      tpu.vector_store %arg14[%swap3A_709, %swap3A_710], %swap3A_713 {strides = array<i32>} : memref<64x384xi32, #tpu.memory_space<vmem>>, vector<1x16xi32>,
      %get3A_714 = arith.index_cast %scan3A_19 : i32 to index
      %get3A_715 = arith.constant 176 : index
      %get3A_716 = tpu.vector_load %arg12[%get3A_714, %get3A_715] {strides = array<i32>} : memref<64x384xi32, #tpu.memory_space<vmem>>, vector<1x16xi32>,
      %get3A_717 = vector.shape_cast %get3A_716 : vector<1x16xi32> to vector<16xi32>
      %get3A_718 = arith.index_cast %scan3A_19 : i32 to index
      %get3A_719 = arith.constant 176 : index
      %get3A_720 = tpu.vector_load %arg13[%get3A_718, %get3A_719] {strides = array<i32>} : memref<64x384xi32, #tpu.memory_space<vmem>>, vector<1x16xi32>,
      %get3A_721 = vector.shape_cast %get3A_720 : vector<1x16xi32> to vector<16xi32>
      %shift_left3A_722 = arith.constant 16 : i32
      %shift_left3A_723 = vector.broadcast %shift_left3A_722 : i32 to vector<16xi32>
      %shift_left3A_724 = arith.shli %get3A_717, %shift_left3A_723 : vector<16xi32>
      %bitcast_convert_type3A_725 = tpu.bitcast %shift_left3A_724 : vector<16xi32> -> vector<16xf32>
      %mul3A_726 = arith.mulf %get3A_22, %bitcast_convert_type3A_725 : vector<16xf32>
      %shift_left3A_727 = arith.constant 16 : i32
      %shift_left3A_728 = vector.broadcast %shift_left3A_727 : i32 to vector<16xi32>
      %shift_left3A_729 = arith.shli %get3A_721, %shift_left3A_728 : vector<16xi32>
      %bitcast_convert_type3A_730 = tpu.bitcast %shift_left3A_729 : vector<16xi32> -> vector<16xf32>
      %mul3A_731 = arith.mulf %get3A_26, %bitcast_convert_type3A_730 : vector<16xf32>
      %add3A_732 = arith.addf %mul3A_726, %mul3A_731 : vector<16xf32>
      %and3A_733 = vector.broadcast %scan3A_13 : i32 to vector<16xi32>
      %and3A_734 = arith.andi %get3A_717, %and3A_733 : vector<16xi32>
      %bitcast_convert_type3A_735 = tpu.bitcast %and3A_734 : vector<16xi32> -> vector<16xf32>
      %mul3A_736 = arith.mulf %get3A_22, %bitcast_convert_type3A_735 : vector<16xf32>
      %and3A_737 = vector.broadcast %scan3A_13 : i32 to vector<16xi32>
      %and3A_738 = arith.andi %get3A_721, %and3A_737 : vector<16xi32>
      %bitcast_convert_type3A_739 = tpu.bitcast %and3A_738 : vector<16xi32> -> vector<16xf32>
      %mul3A_740 = arith.mulf %get3A_26, %bitcast_convert_type3A_739 : vector<16xf32>
      %add3A_741 = arith.addf %mul3A_736, %mul3A_740 : vector<16xf32>
      %bitcast_convert_type3A_742 = tpu.bitcast %add3A_732 : vector<16xf32> -> vector<16xi32>
      %add3A_743 = arith.constant 32767 : i32
      %add3A_744 = vector.broadcast %add3A_743 : i32 to vector<16xi32>
      %add3A_745 = arith.addi %bitcast_convert_type3A_742, %add3A_744 : vector<16xi32>
      %shift_right_logical3A_746 = arith.constant 16 : i32
      %shift_right_logical3A_747 = vector.broadcast %shift_right_logical3A_746 : i32 to vector<16xi32>
      %shift_right_logical3A_748 = arith.shrui %bitcast_convert_type3A_742, %shift_right_logical3A_747 : vector<16xi32>
      %and3A_749 = arith.constant 1 : i32
      %and3A_750 = vector.broadcast %and3A_749 : i32 to vector<16xi32>
      %and3A_751 = arith.andi %shift_right_logical3A_748, %and3A_750 : vector<16xi32>
      %add3A_752 = arith.addi %add3A_745, %and3A_751 : vector<16xi32>
      %and3A_753 = vector.broadcast %scan3A_13 : i32 to vector<16xi32>
      %and3A_754 = arith.andi %add3A_752, %and3A_753 : vector<16xi32>
      %shift_right_logical3A_755 = arith.constant 16 : i32
      %shift_right_logical3A_756 = vector.broadcast %shift_right_logical3A_755 : i32 to vector<16xi32>
      %shift_right_logical3A_757 = arith.shrui %and3A_754, %shift_right_logical3A_756 : vector<16xi32>
      %bitcast_convert_type3A_758 = tpu.bitcast %add3A_741 : vector<16xf32> -> vector<16xi32>
      %add3A_759 = arith.constant 32767 : i32
      %add3A_760 = vector.broadcast %add3A_759 : i32 to vector<16xi32>
      %add3A_761 = arith.addi %bitcast_convert_type3A_758, %add3A_760 : vector<16xi32>
      %shift_right_logical3A_762 = arith.constant 16 : i32
      %shift_right_logical3A_763 = vector.broadcast %shift_right_logical3A_762 : i32 to vector<16xi32>
      %shift_right_logical3A_764 = arith.shrui %bitcast_convert_type3A_758, %shift_right_logical3A_763 : vector<16xi32>
      %and3A_765 = arith.constant 1 : i32
      %and3A_766 = vector.broadcast %and3A_765 : i32 to vector<16xi32>
      %and3A_767 = arith.andi %shift_right_logical3A_764, %and3A_766 : vector<16xi32>
      %add3A_768 = arith.addi %add3A_761, %and3A_767 : vector<16xi32>
      %and3A_769 = vector.broadcast %scan3A_13 : i32 to vector<16xi32>
      %and3A_770 = arith.andi %add3A_768, %and3A_769 : vector<16xi32>
      %or3A_771 = arith.ori %shift_right_logical3A_757, %and3A_770 : vector<16xi32>
      %swap3A_772 = arith.index_cast %scan3A_19 : i32 to index
      %swap3A_773 = arith.constant 176 : index
      %swap3A_774 = tpu.vector_load %arg14[%swap3A_772, %swap3A_773] {strides = array<i32>} : memref<64x384xi32, #tpu.memory_space<vmem>>, vector<1x16xi32>,
      %swap3A_775 = vector.shape_cast %swap3A_774 : vector<1x16xi32> to vector<16xi32>
      %swap3A_776 = vector.shape_cast %or3A_771 : vector<16xi32> to vector<1x16xi32>
      tpu.vector_store %arg14[%swap3A_772, %swap3A_773], %swap3A_776 {strides = array<i32>} : memref<64x384xi32, #tpu.memory_space<vmem>>, vector<1x16xi32>,
      %get3A_777 = arith.index_cast %scan3A_19 : i32 to index
      %get3A_778 = arith.constant 192 : index
      %get3A_779 = tpu.vector_load %arg12[%get3A_777, %get3A_778] {strides = array<i32>} : memref<64x384xi32, #tpu.memory_space<vmem>>, vector<1x16xi32>,
      %get3A_780 = vector.shape_cast %get3A_779 : vector<1x16xi32> to vector<16xi32>
      %get3A_781 = arith.index_cast %scan3A_19 : i32 to index
      %get3A_782 = arith.constant 192 : index
      %get3A_783 = tpu.vector_load %arg13[%get3A_781, %get3A_782] {strides = array<i32>} : memref<64x384xi32, #tpu.memory_space<vmem>>, vector<1x16xi32>,
      %get3A_784 = vector.shape_cast %get3A_783 : vector<1x16xi32> to vector<16xi32>
      %shift_left3A_785 = arith.constant 16 : i32
      %shift_left3A_786 = vector.broadcast %shift_left3A_785 : i32 to vector<16xi32>
      %shift_left3A_787 = arith.shli %get3A_780, %shift_left3A_786 : vector<16xi32>
      %bitcast_convert_type3A_788 = tpu.bitcast %shift_left3A_787 : vector<16xi32> -> vector<16xf32>
      %mul3A_789 = arith.mulf %get3A_22, %bitcast_convert_type3A_788 : vector<16xf32>
      %shift_left3A_790 = arith.constant 16 : i32
      %shift_left3A_791 = vector.broadcast %shift_left3A_790 : i32 to vector<16xi32>
      %shift_left3A_792 = arith.shli %get3A_784, %shift_left3A_791 : vector<16xi32>
      %bitcast_convert_type3A_793 = tpu.bitcast %shift_left3A_792 : vector<16xi32> -> vector<16xf32>
      %mul3A_794 = arith.mulf %get3A_26, %bitcast_convert_type3A_793 : vector<16xf32>
      %add3A_795 = arith.addf %mul3A_789, %mul3A_794 : vector<16xf32>
      %and3A_796 = vector.broadcast %scan3A_13 : i32 to vector<16xi32>
      %and3A_797 = arith.andi %get3A_780, %and3A_796 : vector<16xi32>
      %bitcast_convert_type3A_798 = tpu.bitcast %and3A_797 : vector<16xi32> -> vector<16xf32>
      %mul3A_799 = arith.mulf %get3A_22, %bitcast_convert_type3A_798 : vector<16xf32>
      %and3A_800 = vector.broadcast %scan3A_13 : i32 to vector<16xi32>
      %and3A_801 = arith.andi %get3A_784, %and3A_800 : vector<16xi32>
      %bitcast_convert_type3A_802 = tpu.bitcast %and3A_801 : vector<16xi32> -> vector<16xf32>
      %mul3A_803 = arith.mulf %get3A_26, %bitcast_convert_type3A_802 : vector<16xf32>
      %add3A_804 = arith.addf %mul3A_799, %mul3A_803 : vector<16xf32>
      %bitcast_convert_type3A_805 = tpu.bitcast %add3A_795 : vector<16xf32> -> vector<16xi32>
      %add3A_806 = arith.constant 32767 : i32
      %add3A_807 = vector.broadcast %add3A_806 : i32 to vector<16xi32>
      %add3A_808 = arith.addi %bitcast_convert_type3A_805, %add3A_807 : vector<16xi32>
      %shift_right_logical3A_809 = arith.constant 16 : i32
      %shift_right_logical3A_810 = vector.broadcast %shift_right_logical3A_809 : i32 to vector<16xi32>
      %shift_right_logical3A_811 = arith.shrui %bitcast_convert_type3A_805, %shift_right_logical3A_810 : vector<16xi32>
      %and3A_812 = arith.constant 1 : i32
      %and3A_813 = vector.broadcast %and3A_812 : i32 to vector<16xi32>
      %and3A_814 = arith.andi %shift_right_logical3A_811, %and3A_813 : vector<16xi32>
      %add3A_815 = arith.addi %add3A_808, %and3A_814 : vector<16xi32>
      %and3A_816 = vector.broadcast %scan3A_13 : i32 to vector<16xi32>
      %and3A_817 = arith.andi %add3A_815, %and3A_816 : vector<16xi32>
      %shift_right_logical3A_818 = arith.constant 16 : i32
      %shift_right_logical3A_819 = vector.broadcast %shift_right_logical3A_818 : i32 to vector<16xi32>
      %shift_right_logical3A_820 = arith.shrui %and3A_817, %shift_right_logical3A_819 : vector<16xi32>
      %bitcast_convert_type3A_821 = tpu.bitcast %add3A_804 : vector<16xf32> -> vector<16xi32>
      %add3A_822 = arith.constant 32767 : i32
      %add3A_823 = vector.broadcast %add3A_822 : i32 to vector<16xi32>
      %add3A_824 = arith.addi %bitcast_convert_type3A_821, %add3A_823 : vector<16xi32>
      %shift_right_logical3A_825 = arith.constant 16 : i32
      %shift_right_logical3A_826 = vector.broadcast %shift_right_logical3A_825 : i32 to vector<16xi32>
      %shift_right_logical3A_827 = arith.shrui %bitcast_convert_type3A_821, %shift_right_logical3A_826 : vector<16xi32>
      %and3A_828 = arith.constant 1 : i32
      %and3A_829 = vector.broadcast %and3A_828 : i32 to vector<16xi32>
      %and3A_830 = arith.andi %shift_right_logical3A_827, %and3A_829 : vector<16xi32>
      %add3A_831 = arith.addi %add3A_824, %and3A_830 : vector<16xi32>
      %and3A_832 = vector.broadcast %scan3A_13 : i32 to vector<16xi32>
      %and3A_833 = arith.andi %add3A_831, %and3A_832 : vector<16xi32>
      %or3A_834 = arith.ori %shift_right_logical3A_820, %and3A_833 : vector<16xi32>
      %swap3A_835 = arith.index_cast %scan3A_19 : i32 to index
      %swap3A_836 = arith.constant 192 : index
      %swap3A_837 = tpu.vector_load %arg14[%swap3A_835, %swap3A_836] {strides = array<i32>} : memref<64x384xi32, #tpu.memory_space<vmem>>, vector<1x16xi32>,
      %swap3A_838 = vector.shape_cast %swap3A_837 : vector<1x16xi32> to vector<16xi32>
      %swap3A_839 = vector.shape_cast %or3A_834 : vector<16xi32> to vector<1x16xi32>
      tpu.vector_store %arg14[%swap3A_835, %swap3A_836], %swap3A_839 {strides = array<i32>} : memref<64x384xi32, #tpu.memory_space<vmem>>, vector<1x16xi32>,
      %get3A_840 = arith.index_cast %scan3A_19 : i32 to index
      %get3A_841 = arith.constant 208 : index
      %get3A_842 = tpu.vector_load %arg12[%get3A_840, %get3A_841] {strides = array<i32>} : memref<64x384xi32, #tpu.memory_space<vmem>>, vector<1x16xi32>,
      %get3A_843 = vector.shape_cast %get3A_842 : vector<1x16xi32> to vector<16xi32>
      %get3A_844 = arith.index_cast %scan3A_19 : i32 to index
      %get3A_845 = arith.constant 208 : index
      %get3A_846 = tpu.vector_load %arg13[%get3A_844, %get3A_845] {strides = array<i32>} : memref<64x384xi32, #tpu.memory_space<vmem>>, vector<1x16xi32>,
      %get3A_847 = vector.shape_cast %get3A_846 : vector<1x16xi32> to vector<16xi32>
      %shift_left3A_848 = arith.constant 16 : i32
      %shift_left3A_849 = vector.broadcast %shift_left3A_848 : i32 to vector<16xi32>
      %shift_left3A_850 = arith.shli %get3A_843, %shift_left3A_849 : vector<16xi32>
      %bitcast_convert_type3A_851 = tpu.bitcast %shift_left3A_850 : vector<16xi32> -> vector<16xf32>
      %mul3A_852 = arith.mulf %get3A_22, %bitcast_convert_type3A_851 : vector<16xf32>
      %shift_left3A_853 = arith.constant 16 : i32
      %shift_left3A_854 = vector.broadcast %shift_left3A_853 : i32 to vector<16xi32>
      %shift_left3A_855 = arith.shli %get3A_847, %shift_left3A_854 : vector<16xi32>
      %bitcast_convert_type3A_856 = tpu.bitcast %shift_left3A_855 : vector<16xi32> -> vector<16xf32>
      %mul3A_857 = arith.mulf %get3A_26, %bitcast_convert_type3A_856 : vector<16xf32>
      %add3A_858 = arith.addf %mul3A_852, %mul3A_857 : vector<16xf32>
      %and3A_859 = vector.broadcast %scan3A_13 : i32 to vector<16xi32>
      %and3A_860 = arith.andi %get3A_843, %and3A_859 : vector<16xi32>
      %bitcast_convert_type3A_861 = tpu.bitcast %and3A_860 : vector<16xi32> -> vector<16xf32>
      %mul3A_862 = arith.mulf %get3A_22, %bitcast_convert_type3A_861 : vector<16xf32>
      %and3A_863 = vector.broadcast %scan3A_13 : i32 to vector<16xi32>
      %and3A_864 = arith.andi %get3A_847, %and3A_863 : vector<16xi32>
      %bitcast_convert_type3A_865 = tpu.bitcast %and3A_864 : vector<16xi32> -> vector<16xf32>
      %mul3A_866 = arith.mulf %get3A_26, %bitcast_convert_type3A_865 : vector<16xf32>
      %add3A_867 = arith.addf %mul3A_862, %mul3A_866 : vector<16xf32>
      %bitcast_convert_type3A_868 = tpu.bitcast %add3A_858 : vector<16xf32> -> vector<16xi32>
      %add3A_869 = arith.constant 32767 : i32
      %add3A_870 = vector.broadcast %add3A_869 : i32 to vector<16xi32>
      %add3A_871 = arith.addi %bitcast_convert_type3A_868, %add3A_870 : vector<16xi32>
      %shift_right_logical3A_872 = arith.constant 16 : i32
      %shift_right_logical3A_873 = vector.broadcast %shift_right_logical3A_872 : i32 to vector<16xi32>
      %shift_right_logical3A_874 = arith.shrui %bitcast_convert_type3A_868, %shift_right_logical3A_873 : vector<16xi32>
      %and3A_875 = arith.constant 1 : i32
      %and3A_876 = vector.broadcast %and3A_875 : i32 to vector<16xi32>
      %and3A_877 = arith.andi %shift_right_logical3A_874, %and3A_876 : vector<16xi32>
      %add3A_878 = arith.addi %add3A_871, %and3A_877 : vector<16xi32>
      %and3A_879 = vector.broadcast %scan3A_13 : i32 to vector<16xi32>
      %and3A_880 = arith.andi %add3A_878, %and3A_879 : vector<16xi32>
      %shift_right_logical3A_881 = arith.constant 16 : i32
      %shift_right_logical3A_882 = vector.broadcast %shift_right_logical3A_881 : i32 to vector<16xi32>
      %shift_right_logical3A_883 = arith.shrui %and3A_880, %shift_right_logical3A_882 : vector<16xi32>
      %bitcast_convert_type3A_884 = tpu.bitcast %add3A_867 : vector<16xf32> -> vector<16xi32>
      %add3A_885 = arith.constant 32767 : i32
      %add3A_886 = vector.broadcast %add3A_885 : i32 to vector<16xi32>
      %add3A_887 = arith.addi %bitcast_convert_type3A_884, %add3A_886 : vector<16xi32>
      %shift_right_logical3A_888 = arith.constant 16 : i32
      %shift_right_logical3A_889 = vector.broadcast %shift_right_logical3A_888 : i32 to vector<16xi32>
      %shift_right_logical3A_890 = arith.shrui %bitcast_convert_type3A_884, %shift_right_logical3A_889 : vector<16xi32>
      %and3A_891 = arith.constant 1 : i32
      %and3A_892 = vector.broadcast %and3A_891 : i32 to vector<16xi32>
      %and3A_893 = arith.andi %shift_right_logical3A_890, %and3A_892 : vector<16xi32>
      %add3A_894 = arith.addi %add3A_887, %and3A_893 : vector<16xi32>
      %and3A_895 = vector.broadcast %scan3A_13 : i32 to vector<16xi32>
      %and3A_896 = arith.andi %add3A_894, %and3A_895 : vector<16xi32>
      %or3A_897 = arith.ori %shift_right_logical3A_883, %and3A_896 : vector<16xi32>
      %swap3A_898 = arith.index_cast %scan3A_19 : i32 to index
      %swap3A_899 = arith.constant 208 : index
      %swap3A_900 = tpu.vector_load %arg14[%swap3A_898, %swap3A_899] {strides = array<i32>} : memref<64x384xi32, #tpu.memory_space<vmem>>, vector<1x16xi32>,
      %swap3A_901 = vector.shape_cast %swap3A_900 : vector<1x16xi32> to vector<16xi32>
      %swap3A_902 = vector.shape_cast %or3A_897 : vector<16xi32> to vector<1x16xi32>
      tpu.vector_store %arg14[%swap3A_898, %swap3A_899], %swap3A_902 {strides = array<i32>} : memref<64x384xi32, #tpu.memory_space<vmem>>, vector<1x16xi32>,
      %get3A_903 = arith.index_cast %scan3A_19 : i32 to index
      %get3A_904 = arith.constant 224 : index
      %get3A_905 = tpu.vector_load %arg12[%get3A_903, %get3A_904] {strides = array<i32>} : memref<64x384xi32, #tpu.memory_space<vmem>>, vector<1x16xi32>,
      %get3A_906 = vector.shape_cast %get3A_905 : vector<1x16xi32> to vector<16xi32>
      %get3A_907 = arith.index_cast %scan3A_19 : i32 to index
      %get3A_908 = arith.constant 224 : index
      %get3A_909 = tpu.vector_load %arg13[%get3A_907, %get3A_908] {strides = array<i32>} : memref<64x384xi32, #tpu.memory_space<vmem>>, vector<1x16xi32>,
      %get3A_910 = vector.shape_cast %get3A_909 : vector<1x16xi32> to vector<16xi32>
      %shift_left3A_911 = arith.constant 16 : i32
      %shift_left3A_912 = vector.broadcast %shift_left3A_911 : i32 to vector<16xi32>
      %shift_left3A_913 = arith.shli %get3A_906, %shift_left3A_912 : vector<16xi32>
      %bitcast_convert_type3A_914 = tpu.bitcast %shift_left3A_913 : vector<16xi32> -> vector<16xf32>
      %mul3A_915 = arith.mulf %get3A_22, %bitcast_convert_type3A_914 : vector<16xf32>
      %shift_left3A_916 = arith.constant 16 : i32
      %shift_left3A_917 = vector.broadcast %shift_left3A_916 : i32 to vector<16xi32>
      %shift_left3A_918 = arith.shli %get3A_910, %shift_left3A_917 : vector<16xi32>
      %bitcast_convert_type3A_919 = tpu.bitcast %shift_left3A_918 : vector<16xi32> -> vector<16xf32>
      %mul3A_920 = arith.mulf %get3A_26, %bitcast_convert_type3A_919 : vector<16xf32>
      %add3A_921 = arith.addf %mul3A_915, %mul3A_920 : vector<16xf32>
      %and3A_922 = vector.broadcast %scan3A_13 : i32 to vector<16xi32>
      %and3A_923 = arith.andi %get3A_906, %and3A_922 : vector<16xi32>
      %bitcast_convert_type3A_924 = tpu.bitcast %and3A_923 : vector<16xi32> -> vector<16xf32>
      %mul3A_925 = arith.mulf %get3A_22, %bitcast_convert_type3A_924 : vector<16xf32>
      %and3A_926 = vector.broadcast %scan3A_13 : i32 to vector<16xi32>
      %and3A_927 = arith.andi %get3A_910, %and3A_926 : vector<16xi32>
      %bitcast_convert_type3A_928 = tpu.bitcast %and3A_927 : vector<16xi32> -> vector<16xf32>
      %mul3A_929 = arith.mulf %get3A_26, %bitcast_convert_type3A_928 : vector<16xf32>
      %add3A_930 = arith.addf %mul3A_925, %mul3A_929 : vector<16xf32>
      %bitcast_convert_type3A_931 = tpu.bitcast %add3A_921 : vector<16xf32> -> vector<16xi32>
      %add3A_932 = arith.constant 32767 : i32
      %add3A_933 = vector.broadcast %add3A_932 : i32 to vector<16xi32>
      %add3A_934 = arith.addi %bitcast_convert_type3A_931, %add3A_933 : vector<16xi32>
      %shift_right_logical3A_935 = arith.constant 16 : i32
      %shift_right_logical3A_936 = vector.broadcast %shift_right_logical3A_935 : i32 to vector<16xi32>
      %shift_right_logical3A_937 = arith.shrui %bitcast_convert_type3A_931, %shift_right_logical3A_936 : vector<16xi32>
      %and3A_938 = arith.constant 1 : i32
      %and3A_939 = vector.broadcast %and3A_938 : i32 to vector<16xi32>
      %and3A_940 = arith.andi %shift_right_logical3A_937, %and3A_939 : vector<16xi32>
      %add3A_941 = arith.addi %add3A_934, %and3A_940 : vector<16xi32>
      %and3A_942 = vector.broadcast %scan3A_13 : i32 to vector<16xi32>
      %and3A_943 = arith.andi %add3A_941, %and3A_942 : vector<16xi32>
      %shift_right_logical3A_944 = arith.constant 16 : i32
      %shift_right_logical3A_945 = vector.broadcast %shift_right_logical3A_944 : i32 to vector<16xi32>
      %shift_right_logical3A_946 = arith.shrui %and3A_943, %shift_right_logical3A_945 : vector<16xi32>
      %bitcast_convert_type3A_947 = tpu.bitcast %add3A_930 : vector<16xf32> -> vector<16xi32>
      %add3A_948 = arith.constant 32767 : i32
      %add3A_949 = vector.broadcast %add3A_948 : i32 to vector<16xi32>
      %add3A_950 = arith.addi %bitcast_convert_type3A_947, %add3A_949 : vector<16xi32>
      %shift_right_logical3A_951 = arith.constant 16 : i32
      %shift_right_logical3A_952 = vector.broadcast %shift_right_logical3A_951 : i32 to vector<16xi32>
      %shift_right_logical3A_953 = arith.shrui %bitcast_convert_type3A_947, %shift_right_logical3A_952 : vector<16xi32>
      %and3A_954 = arith.constant 1 : i32
      %and3A_955 = vector.broadcast %and3A_954 : i32 to vector<16xi32>
      %and3A_956 = arith.andi %shift_right_logical3A_953, %and3A_955 : vector<16xi32>
      %add3A_957 = arith.addi %add3A_950, %and3A_956 : vector<16xi32>
      %and3A_958 = vector.broadcast %scan3A_13 : i32 to vector<16xi32>
      %and3A_959 = arith.andi %add3A_957, %and3A_958 : vector<16xi32>
      %or3A_960 = arith.ori %shift_right_logical3A_946, %and3A_959 : vector<16xi32>
      %swap3A_961 = arith.index_cast %scan3A_19 : i32 to index
      %swap3A_962 = arith.constant 224 : index
      %swap3A_963 = tpu.vector_load %arg14[%swap3A_961, %swap3A_962] {strides = array<i32>} : memref<64x384xi32, #tpu.memory_space<vmem>>, vector<1x16xi32>,
      %swap3A_964 = vector.shape_cast %swap3A_963 : vector<1x16xi32> to vector<16xi32>
      %swap3A_965 = vector.shape_cast %or3A_960 : vector<16xi32> to vector<1x16xi32>
      tpu.vector_store %arg14[%swap3A_961, %swap3A_962], %swap3A_965 {strides = array<i32>} : memref<64x384xi32, #tpu.memory_space<vmem>>, vector<1x16xi32>,
      %get3A_966 = arith.index_cast %scan3A_19 : i32 to index
      %get3A_967 = arith.constant 240 : index
      %get3A_968 = tpu.vector_load %arg12[%get3A_966, %get3A_967] {strides = array<i32>} : memref<64x384xi32, #tpu.memory_space<vmem>>, vector<1x16xi32>,
      %get3A_969 = vector.shape_cast %get3A_968 : vector<1x16xi32> to vector<16xi32>
      %get3A_970 = arith.index_cast %scan3A_19 : i32 to index
      %get3A_971 = arith.constant 240 : index
      %get3A_972 = tpu.vector_load %arg13[%get3A_970, %get3A_971] {strides = array<i32>} : memref<64x384xi32, #tpu.memory_space<vmem>>, vector<1x16xi32>,
      %get3A_973 = vector.shape_cast %get3A_972 : vector<1x16xi32> to vector<16xi32>
      %shift_left3A_974 = arith.constant 16 : i32
      %shift_left3A_975 = vector.broadcast %shift_left3A_974 : i32 to vector<16xi32>
      %shift_left3A_976 = arith.shli %get3A_969, %shift_left3A_975 : vector<16xi32>
      %bitcast_convert_type3A_977 = tpu.bitcast %shift_left3A_976 : vector<16xi32> -> vector<16xf32>
      %mul3A_978 = arith.mulf %get3A_22, %bitcast_convert_type3A_977 : vector<16xf32>
      %shift_left3A_979 = arith.constant 16 : i32
      %shift_left3A_980 = vector.broadcast %shift_left3A_979 : i32 to vector<16xi32>
      %shift_left3A_981 = arith.shli %get3A_973, %shift_left3A_980 : vector<16xi32>
      %bitcast_convert_type3A_982 = tpu.bitcast %shift_left3A_981 : vector<16xi32> -> vector<16xf32>
      %mul3A_983 = arith.mulf %get3A_26, %bitcast_convert_type3A_982 : vector<16xf32>
      %add3A_984 = arith.addf %mul3A_978, %mul3A_983 : vector<16xf32>
      %and3A_985 = vector.broadcast %scan3A_13 : i32 to vector<16xi32>
      %and3A_986 = arith.andi %get3A_969, %and3A_985 : vector<16xi32>
      %bitcast_convert_type3A_987 = tpu.bitcast %and3A_986 : vector<16xi32> -> vector<16xf32>
      %mul3A_988 = arith.mulf %get3A_22, %bitcast_convert_type3A_987 : vector<16xf32>
      %and3A_989 = vector.broadcast %scan3A_13 : i32 to vector<16xi32>
      %and3A_990 = arith.andi %get3A_973, %and3A_989 : vector<16xi32>
      %bitcast_convert_type3A_991 = tpu.bitcast %and3A_990 : vector<16xi32> -> vector<16xf32>
      %mul3A_992 = arith.mulf %get3A_26, %bitcast_convert_type3A_991 : vector<16xf32>
      %add3A_993 = arith.addf %mul3A_988, %mul3A_992 : vector<16xf32>
      %bitcast_convert_type3A_994 = tpu.bitcast %add3A_984 : vector<16xf32> -> vector<16xi32>
      %add3A_995 = arith.constant 32767 : i32
      %add3A_996 = vector.broadcast %add3A_995 : i32 to vector<16xi32>
      %add3A_997 = arith.addi %bitcast_convert_type3A_994, %add3A_996 : vector<16xi32>
      %shift_right_logical3A_998 = arith.constant 16 : i32
      %shift_right_logical3A_999 = vector.broadcast %shift_right_logical3A_998 : i32 to vector<16xi32>
      %shift_right_logical3A_1000 = arith.shrui %bitcast_convert_type3A_994, %shift_right_logical3A_999 : vector<16xi32>
      %and3A_1001 = arith.constant 1 : i32
      %and3A_1002 = vector.broadcast %and3A_1001 : i32 to vector<16xi32>
      %and3A_1003 = arith.andi %shift_right_logical3A_1000, %and3A_1002 : vector<16xi32>
      %add3A_1004 = arith.addi %add3A_997, %and3A_1003 : vector<16xi32>
      %and3A_1005 = vector.broadcast %scan3A_13 : i32 to vector<16xi32>
      %and3A_1006 = arith.andi %add3A_1004, %and3A_1005 : vector<16xi32>
      %shift_right_logical3A_1007 = arith.constant 16 : i32
      %shift_right_logical3A_1008 = vector.broadcast %shift_right_logical3A_1007 : i32 to vector<16xi32>
      %shift_right_logical3A_1009 = arith.shrui %and3A_1006, %shift_right_logical3A_1008 : vector<16xi32>
      %bitcast_convert_type3A_1010 = tpu.bitcast %add3A_993 : vector<16xf32> -> vector<16xi32>
      %add3A_1011 = arith.constant 32767 : i32
      %add3A_1012 = vector.broadcast %add3A_1011 : i32 to vector<16xi32>
      %add3A_1013 = arith.addi %bitcast_convert_type3A_1010, %add3A_1012 : vector<16xi32>
      %shift_right_logical3A_1014 = arith.constant 16 : i32
      %shift_right_logical3A_1015 = vector.broadcast %shift_right_logical3A_1014 : i32 to vector<16xi32>
      %shift_right_logical3A_1016 = arith.shrui %bitcast_convert_type3A_1010, %shift_right_logical3A_1015 : vector<16xi32>
      %and3A_1017 = arith.constant 1 : i32
      %and3A_1018 = vector.broadcast %and3A_1017 : i32 to vector<16xi32>
      %and3A_1019 = arith.andi %shift_right_logical3A_1016, %and3A_1018 : vector<16xi32>
      %add3A_1020 = arith.addi %add3A_1013, %and3A_1019 : vector<16xi32>
      %and3A_1021 = vector.broadcast %scan3A_13 : i32 to vector<16xi32>
      %and3A_1022 = arith.andi %add3A_1020, %and3A_1021 : vector<16xi32>
      %or3A_1023 = arith.ori %shift_right_logical3A_1009, %and3A_1022 : vector<16xi32>
      %swap3A_1024 = arith.index_cast %scan3A_19 : i32 to index
      %swap3A_1025 = arith.constant 240 : index
      %swap3A_1026 = tpu.vector_load %arg14[%swap3A_1024, %swap3A_1025] {strides = array<i32>} : memref<64x384xi32, #tpu.memory_space<vmem>>, vector<1x16xi32>,
      %swap3A_1027 = vector.shape_cast %swap3A_1026 : vector<1x16xi32> to vector<16xi32>
      %swap3A_1028 = vector.shape_cast %or3A_1023 : vector<16xi32> to vector<1x16xi32>
      tpu.vector_store %arg14[%swap3A_1024, %swap3A_1025], %swap3A_1028 {strides = array<i32>} : memref<64x384xi32, #tpu.memory_space<vmem>>, vector<1x16xi32>,
      %get3A_1029 = arith.index_cast %scan3A_19 : i32 to index
      %get3A_1030 = arith.constant 256 : index
      %get3A_1031 = tpu.vector_load %arg12[%get3A_1029, %get3A_1030] {strides = array<i32>} : memref<64x384xi32, #tpu.memory_space<vmem>>, vector<1x16xi32>,
      %get3A_1032 = vector.shape_cast %get3A_1031 : vector<1x16xi32> to vector<16xi32>
      %get3A_1033 = arith.index_cast %scan3A_19 : i32 to index
      %get3A_1034 = arith.constant 256 : index
      %get3A_1035 = tpu.vector_load %arg13[%get3A_1033, %get3A_1034] {strides = array<i32>} : memref<64x384xi32, #tpu.memory_space<vmem>>, vector<1x16xi32>,
      %get3A_1036 = vector.shape_cast %get3A_1035 : vector<1x16xi32> to vector<16xi32>
      %shift_left3A_1037 = arith.constant 16 : i32
      %shift_left3A_1038 = vector.broadcast %shift_left3A_1037 : i32 to vector<16xi32>
      %shift_left3A_1039 = arith.shli %get3A_1032, %shift_left3A_1038 : vector<16xi32>
      %bitcast_convert_type3A_1040 = tpu.bitcast %shift_left3A_1039 : vector<16xi32> -> vector<16xf32>
      %mul3A_1041 = arith.mulf %get3A_22, %bitcast_convert_type3A_1040 : vector<16xf32>
      %shift_left3A_1042 = arith.constant 16 : i32
      %shift_left3A_1043 = vector.broadcast %shift_left3A_1042 : i32 to vector<16xi32>
      %shift_left3A_1044 = arith.shli %get3A_1036, %shift_left3A_1043 : vector<16xi32>
      %bitcast_convert_type3A_1045 = tpu.bitcast %shift_left3A_1044 : vector<16xi32> -> vector<16xf32>
      %mul3A_1046 = arith.mulf %get3A_26, %bitcast_convert_type3A_1045 : vector<16xf32>
      %add3A_1047 = arith.addf %mul3A_1041, %mul3A_1046 : vector<16xf32>
      %and3A_1048 = vector.broadcast %scan3A_13 : i32 to vector<16xi32>
      %and3A_1049 = arith.andi %get3A_1032, %and3A_1048 : vector<16xi32>
      %bitcast_convert_type3A_1050 = tpu.bitcast %and3A_1049 : vector<16xi32> -> vector<16xf32>
      %mul3A_1051 = arith.mulf %get3A_22, %bitcast_convert_type3A_1050 : vector<16xf32>
      %and3A_1052 = vector.broadcast %scan3A_13 : i32 to vector<16xi32>
      %and3A_1053 = arith.andi %get3A_1036, %and3A_1052 : vector<16xi32>
      %bitcast_convert_type3A_1054 = tpu.bitcast %and3A_1053 : vector<16xi32> -> vector<16xf32>
      %mul3A_1055 = arith.mulf %get3A_26, %bitcast_convert_type3A_1054 : vector<16xf32>
      %add3A_1056 = arith.addf %mul3A_1051, %mul3A_1055 : vector<16xf32>
      %bitcast_convert_type3A_1057 = tpu.bitcast %add3A_1047 : vector<16xf32> -> vector<16xi32>
      %add3A_1058 = arith.constant 32767 : i32
      %add3A_1059 = vector.broadcast %add3A_1058 : i32 to vector<16xi32>
      %add3A_1060 = arith.addi %bitcast_convert_type3A_1057, %add3A_1059 : vector<16xi32>
      %shift_right_logical3A_1061 = arith.constant 16 : i32
      %shift_right_logical3A_1062 = vector.broadcast %shift_right_logical3A_1061 : i32 to vector<16xi32>
      %shift_right_logical3A_1063 = arith.shrui %bitcast_convert_type3A_1057, %shift_right_logical3A_1062 : vector<16xi32>
      %and3A_1064 = arith.constant 1 : i32
      %and3A_1065 = vector.broadcast %and3A_1064 : i32 to vector<16xi32>
      %and3A_1066 = arith.andi %shift_right_logical3A_1063, %and3A_1065 : vector<16xi32>
      %add3A_1067 = arith.addi %add3A_1060, %and3A_1066 : vector<16xi32>
      %and3A_1068 = vector.broadcast %scan3A_13 : i32 to vector<16xi32>
      %and3A_1069 = arith.andi %add3A_1067, %and3A_1068 : vector<16xi32>
      %shift_right_logical3A_1070 = arith.constant 16 : i32
      %shift_right_logical3A_1071 = vector.broadcast %shift_right_logical3A_1070 : i32 to vector<16xi32>
      %shift_right_logical3A_1072 = arith.shrui %and3A_1069, %shift_right_logical3A_1071 : vector<16xi32>
      %bitcast_convert_type3A_1073 = tpu.bitcast %add3A_1056 : vector<16xf32> -> vector<16xi32>
      %add3A_1074 = arith.constant 32767 : i32
      %add3A_1075 = vector.broadcast %add3A_1074 : i32 to vector<16xi32>
      %add3A_1076 = arith.addi %bitcast_convert_type3A_1073, %add3A_1075 : vector<16xi32>
      %shift_right_logical3A_1077 = arith.constant 16 : i32
      %shift_right_logical3A_1078 = vector.broadcast %shift_right_logical3A_1077 : i32 to vector<16xi32>
      %shift_right_logical3A_1079 = arith.shrui %bitcast_convert_type3A_1073, %shift_right_logical3A_1078 : vector<16xi32>
      %and3A_1080 = arith.constant 1 : i32
      %and3A_1081 = vector.broadcast %and3A_1080 : i32 to vector<16xi32>
      %and3A_1082 = arith.andi %shift_right_logical3A_1079, %and3A_1081 : vector<16xi32>
      %add3A_1083 = arith.addi %add3A_1076, %and3A_1082 : vector<16xi32>
      %and3A_1084 = vector.broadcast %scan3A_13 : i32 to vector<16xi32>
      %and3A_1085 = arith.andi %add3A_1083, %and3A_1084 : vector<16xi32>
      %or3A_1086 = arith.ori %shift_right_logical3A_1072, %and3A_1085 : vector<16xi32>
      %swap3A_1087 = arith.index_cast %scan3A_19 : i32 to index
      %swap3A_1088 = arith.constant 256 : index
      %swap3A_1089 = tpu.vector_load %arg14[%swap3A_1087, %swap3A_1088] {strides = array<i32>} : memref<64x384xi32, #tpu.memory_space<vmem>>, vector<1x16xi32>,
      %swap3A_1090 = vector.shape_cast %swap3A_1089 : vector<1x16xi32> to vector<16xi32>
      %swap3A_1091 = vector.shape_cast %or3A_1086 : vector<16xi32> to vector<1x16xi32>
      tpu.vector_store %arg14[%swap3A_1087, %swap3A_1088], %swap3A_1091 {strides = array<i32>} : memref<64x384xi32, #tpu.memory_space<vmem>>, vector<1x16xi32>,
      %get3A_1092 = arith.index_cast %scan3A_19 : i32 to index
      %get3A_1093 = arith.constant 272 : index
      %get3A_1094 = tpu.vector_load %arg12[%get3A_1092, %get3A_1093] {strides = array<i32>} : memref<64x384xi32, #tpu.memory_space<vmem>>, vector<1x16xi32>,
      %get3A_1095 = vector.shape_cast %get3A_1094 : vector<1x16xi32> to vector<16xi32>
      %get3A_1096 = arith.index_cast %scan3A_19 : i32 to index
      %get3A_1097 = arith.constant 272 : index
      %get3A_1098 = tpu.vector_load %arg13[%get3A_1096, %get3A_1097] {strides = array<i32>} : memref<64x384xi32, #tpu.memory_space<vmem>>, vector<1x16xi32>,
      %get3A_1099 = vector.shape_cast %get3A_1098 : vector<1x16xi32> to vector<16xi32>
      %shift_left3A_1100 = arith.constant 16 : i32
      %shift_left3A_1101 = vector.broadcast %shift_left3A_1100 : i32 to vector<16xi32>
      %shift_left3A_1102 = arith.shli %get3A_1095, %shift_left3A_1101 : vector<16xi32>
      %bitcast_convert_type3A_1103 = tpu.bitcast %shift_left3A_1102 : vector<16xi32> -> vector<16xf32>
      %mul3A_1104 = arith.mulf %get3A_22, %bitcast_convert_type3A_1103 : vector<16xf32>
      %shift_left3A_1105 = arith.constant 16 : i32
      %shift_left3A_1106 = vector.broadcast %shift_left3A_1105 : i32 to vector<16xi32>
      %shift_left3A_1107 = arith.shli %get3A_1099, %shift_left3A_1106 : vector<16xi32>
      %bitcast_convert_type3A_1108 = tpu.bitcast %shift_left3A_1107 : vector<16xi32> -> vector<16xf32>
      %mul3A_1109 = arith.mulf %get3A_26, %bitcast_convert_type3A_1108 : vector<16xf32>
      %add3A_1110 = arith.addf %mul3A_1104, %mul3A_1109 : vector<16xf32>
      %and3A_1111 = vector.broadcast %scan3A_13 : i32 to vector<16xi32>
      %and3A_1112 = arith.andi %get3A_1095, %and3A_1111 : vector<16xi32>
      %bitcast_convert_type3A_1113 = tpu.bitcast %and3A_1112 : vector<16xi32> -> vector<16xf32>
      %mul3A_1114 = arith.mulf %get3A_22, %bitcast_convert_type3A_1113 : vector<16xf32>
      %and3A_1115 = vector.broadcast %scan3A_13 : i32 to vector<16xi32>
      %and3A_1116 = arith.andi %get3A_1099, %and3A_1115 : vector<16xi32>
      %bitcast_convert_type3A_1117 = tpu.bitcast %and3A_1116 : vector<16xi32> -> vector<16xf32>
      %mul3A_1118 = arith.mulf %get3A_26, %bitcast_convert_type3A_1117 : vector<16xf32>
      %add3A_1119 = arith.addf %mul3A_1114, %mul3A_1118 : vector<16xf32>
      %bitcast_convert_type3A_1120 = tpu.bitcast %add3A_1110 : vector<16xf32> -> vector<16xi32>
      %add3A_1121 = arith.constant 32767 : i32
      %add3A_1122 = vector.broadcast %add3A_1121 : i32 to vector<16xi32>
      %add3A_1123 = arith.addi %bitcast_convert_type3A_1120, %add3A_1122 : vector<16xi32>
      %shift_right_logical3A_1124 = arith.constant 16 : i32
      %shift_right_logical3A_1125 = vector.broadcast %shift_right_logical3A_1124 : i32 to vector<16xi32>
      %shift_right_logical3A_1126 = arith.shrui %bitcast_convert_type3A_1120, %shift_right_logical3A_1125 : vector<16xi32>
      %and3A_1127 = arith.constant 1 : i32
      %and3A_1128 = vector.broadcast %and3A_1127 : i32 to vector<16xi32>
      %and3A_1129 = arith.andi %shift_right_logical3A_1126, %and3A_1128 : vector<16xi32>
      %add3A_1130 = arith.addi %add3A_1123, %and3A_1129 : vector<16xi32>
      %and3A_1131 = vector.broadcast %scan3A_13 : i32 to vector<16xi32>
      %and3A_1132 = arith.andi %add3A_1130, %and3A_1131 : vector<16xi32>
      %shift_right_logical3A_1133 = arith.constant 16 : i32
      %shift_right_logical3A_1134 = vector.broadcast %shift_right_logical3A_1133 : i32 to vector<16xi32>
      %shift_right_logical3A_1135 = arith.shrui %and3A_1132, %shift_right_logical3A_1134 : vector<16xi32>
      %bitcast_convert_type3A_1136 = tpu.bitcast %add3A_1119 : vector<16xf32> -> vector<16xi32>
      %add3A_1137 = arith.constant 32767 : i32
      %add3A_1138 = vector.broadcast %add3A_1137 : i32 to vector<16xi32>
      %add3A_1139 = arith.addi %bitcast_convert_type3A_1136, %add3A_1138 : vector<16xi32>
      %shift_right_logical3A_1140 = arith.constant 16 : i32
      %shift_right_logical3A_1141 = vector.broadcast %shift_right_logical3A_1140 : i32 to vector<16xi32>
      %shift_right_logical3A_1142 = arith.shrui %bitcast_convert_type3A_1136, %shift_right_logical3A_1141 : vector<16xi32>
      %and3A_1143 = arith.constant 1 : i32
      %and3A_1144 = vector.broadcast %and3A_1143 : i32 to vector<16xi32>
      %and3A_1145 = arith.andi %shift_right_logical3A_1142, %and3A_1144 : vector<16xi32>
      %add3A_1146 = arith.addi %add3A_1139, %and3A_1145 : vector<16xi32>
      %and3A_1147 = vector.broadcast %scan3A_13 : i32 to vector<16xi32>
      %and3A_1148 = arith.andi %add3A_1146, %and3A_1147 : vector<16xi32>
      %or3A_1149 = arith.ori %shift_right_logical3A_1135, %and3A_1148 : vector<16xi32>
      %swap3A_1150 = arith.index_cast %scan3A_19 : i32 to index
      %swap3A_1151 = arith.constant 272 : index
      %swap3A_1152 = tpu.vector_load %arg14[%swap3A_1150, %swap3A_1151] {strides = array<i32>} : memref<64x384xi32, #tpu.memory_space<vmem>>, vector<1x16xi32>,
      %swap3A_1153 = vector.shape_cast %swap3A_1152 : vector<1x16xi32> to vector<16xi32>
      %swap3A_1154 = vector.shape_cast %or3A_1149 : vector<16xi32> to vector<1x16xi32>
      tpu.vector_store %arg14[%swap3A_1150, %swap3A_1151], %swap3A_1154 {strides = array<i32>} : memref<64x384xi32, #tpu.memory_space<vmem>>, vector<1x16xi32>,
      %get3A_1155 = arith.index_cast %scan3A_19 : i32 to index
      %get3A_1156 = arith.constant 288 : index
      %get3A_1157 = tpu.vector_load %arg12[%get3A_1155, %get3A_1156] {strides = array<i32>} : memref<64x384xi32, #tpu.memory_space<vmem>>, vector<1x16xi32>,
      %get3A_1158 = vector.shape_cast %get3A_1157 : vector<1x16xi32> to vector<16xi32>
      %get3A_1159 = arith.index_cast %scan3A_19 : i32 to index
      %get3A_1160 = arith.constant 288 : index
      %get3A_1161 = tpu.vector_load %arg13[%get3A_1159, %get3A_1160] {strides = array<i32>} : memref<64x384xi32, #tpu.memory_space<vmem>>, vector<1x16xi32>,
      %get3A_1162 = vector.shape_cast %get3A_1161 : vector<1x16xi32> to vector<16xi32>
      %shift_left3A_1163 = arith.constant 16 : i32
      %shift_left3A_1164 = vector.broadcast %shift_left3A_1163 : i32 to vector<16xi32>
      %shift_left3A_1165 = arith.shli %get3A_1158, %shift_left3A_1164 : vector<16xi32>
      %bitcast_convert_type3A_1166 = tpu.bitcast %shift_left3A_1165 : vector<16xi32> -> vector<16xf32>
      %mul3A_1167 = arith.mulf %get3A_22, %bitcast_convert_type3A_1166 : vector<16xf32>
      %shift_left3A_1168 = arith.constant 16 : i32
      %shift_left3A_1169 = vector.broadcast %shift_left3A_1168 : i32 to vector<16xi32>
      %shift_left3A_1170 = arith.shli %get3A_1162, %shift_left3A_1169 : vector<16xi32>
      %bitcast_convert_type3A_1171 = tpu.bitcast %shift_left3A_1170 : vector<16xi32> -> vector<16xf32>
      %mul3A_1172 = arith.mulf %get3A_26, %bitcast_convert_type3A_1171 : vector<16xf32>
      %add3A_1173 = arith.addf %mul3A_1167, %mul3A_1172 : vector<16xf32>
      %and3A_1174 = vector.broadcast %scan3A_13 : i32 to vector<16xi32>
      %and3A_1175 = arith.andi %get3A_1158, %and3A_1174 : vector<16xi32>
      %bitcast_convert_type3A_1176 = tpu.bitcast %and3A_1175 : vector<16xi32> -> vector<16xf32>
      %mul3A_1177 = arith.mulf %get3A_22, %bitcast_convert_type3A_1176 : vector<16xf32>
      %and3A_1178 = vector.broadcast %scan3A_13 : i32 to vector<16xi32>
      %and3A_1179 = arith.andi %get3A_1162, %and3A_1178 : vector<16xi32>
      %bitcast_convert_type3A_1180 = tpu.bitcast %and3A_1179 : vector<16xi32> -> vector<16xf32>
      %mul3A_1181 = arith.mulf %get3A_26, %bitcast_convert_type3A_1180 : vector<16xf32>
      %add3A_1182 = arith.addf %mul3A_1177, %mul3A_1181 : vector<16xf32>
      %bitcast_convert_type3A_1183 = tpu.bitcast %add3A_1173 : vector<16xf32> -> vector<16xi32>
      %add3A_1184 = arith.constant 32767 : i32
      %add3A_1185 = vector.broadcast %add3A_1184 : i32 to vector<16xi32>
      %add3A_1186 = arith.addi %bitcast_convert_type3A_1183, %add3A_1185 : vector<16xi32>
      %shift_right_logical3A_1187 = arith.constant 16 : i32
      %shift_right_logical3A_1188 = vector.broadcast %shift_right_logical3A_1187 : i32 to vector<16xi32>
      %shift_right_logical3A_1189 = arith.shrui %bitcast_convert_type3A_1183, %shift_right_logical3A_1188 : vector<16xi32>
      %and3A_1190 = arith.constant 1 : i32
      %and3A_1191 = vector.broadcast %and3A_1190 : i32 to vector<16xi32>
      %and3A_1192 = arith.andi %shift_right_logical3A_1189, %and3A_1191 : vector<16xi32>
      %add3A_1193 = arith.addi %add3A_1186, %and3A_1192 : vector<16xi32>
      %and3A_1194 = vector.broadcast %scan3A_13 : i32 to vector<16xi32>
      %and3A_1195 = arith.andi %add3A_1193, %and3A_1194 : vector<16xi32>
      %shift_right_logical3A_1196 = arith.constant 16 : i32
      %shift_right_logical3A_1197 = vector.broadcast %shift_right_logical3A_1196 : i32 to vector<16xi32>
      %shift_right_logical3A_1198 = arith.shrui %and3A_1195, %shift_right_logical3A_1197 : vector<16xi32>
      %bitcast_convert_type3A_1199 = tpu.bitcast %add3A_1182 : vector<16xf32> -> vector<16xi32>
      %add3A_1200 = arith.constant 32767 : i32
      %add3A_1201 = vector.broadcast %add3A_1200 : i32 to vector<16xi32>
      %add3A_1202 = arith.addi %bitcast_convert_type3A_1199, %add3A_1201 : vector<16xi32>
      %shift_right_logical3A_1203 = arith.constant 16 : i32
      %shift_right_logical3A_1204 = vector.broadcast %shift_right_logical3A_1203 : i32 to vector<16xi32>
      %shift_right_logical3A_1205 = arith.shrui %bitcast_convert_type3A_1199, %shift_right_logical3A_1204 : vector<16xi32>
      %and3A_1206 = arith.constant 1 : i32
      %and3A_1207 = vector.broadcast %and3A_1206 : i32 to vector<16xi32>
      %and3A_1208 = arith.andi %shift_right_logical3A_1205, %and3A_1207 : vector<16xi32>
      %add3A_1209 = arith.addi %add3A_1202, %and3A_1208 : vector<16xi32>
      %and3A_1210 = vector.broadcast %scan3A_13 : i32 to vector<16xi32>
      %and3A_1211 = arith.andi %add3A_1209, %and3A_1210 : vector<16xi32>
      %or3A_1212 = arith.ori %shift_right_logical3A_1198, %and3A_1211 : vector<16xi32>
      %swap3A_1213 = arith.index_cast %scan3A_19 : i32 to index
      %swap3A_1214 = arith.constant 288 : index
      %swap3A_1215 = tpu.vector_load %arg14[%swap3A_1213, %swap3A_1214] {strides = array<i32>} : memref<64x384xi32, #tpu.memory_space<vmem>>, vector<1x16xi32>,
      %swap3A_1216 = vector.shape_cast %swap3A_1215 : vector<1x16xi32> to vector<16xi32>
      %swap3A_1217 = vector.shape_cast %or3A_1212 : vector<16xi32> to vector<1x16xi32>
      tpu.vector_store %arg14[%swap3A_1213, %swap3A_1214], %swap3A_1217 {strides = array<i32>} : memref<64x384xi32, #tpu.memory_space<vmem>>, vector<1x16xi32>,
      %get3A_1218 = arith.index_cast %scan3A_19 : i32 to index
      %get3A_1219 = arith.constant 304 : index
      %get3A_1220 = tpu.vector_load %arg12[%get3A_1218, %get3A_1219] {strides = array<i32>} : memref<64x384xi32, #tpu.memory_space<vmem>>, vector<1x16xi32>,
      %get3A_1221 = vector.shape_cast %get3A_1220 : vector<1x16xi32> to vector<16xi32>
      %get3A_1222 = arith.index_cast %scan3A_19 : i32 to index
      %get3A_1223 = arith.constant 304 : index
      %get3A_1224 = tpu.vector_load %arg13[%get3A_1222, %get3A_1223] {strides = array<i32>} : memref<64x384xi32, #tpu.memory_space<vmem>>, vector<1x16xi32>,
      %get3A_1225 = vector.shape_cast %get3A_1224 : vector<1x16xi32> to vector<16xi32>
      %shift_left3A_1226 = arith.constant 16 : i32
      %shift_left3A_1227 = vector.broadcast %shift_left3A_1226 : i32 to vector<16xi32>
      %shift_left3A_1228 = arith.shli %get3A_1221, %shift_left3A_1227 : vector<16xi32>
      %bitcast_convert_type3A_1229 = tpu.bitcast %shift_left3A_1228 : vector<16xi32> -> vector<16xf32>
      %mul3A_1230 = arith.mulf %get3A_22, %bitcast_convert_type3A_1229 : vector<16xf32>
      %shift_left3A_1231 = arith.constant 16 : i32
      %shift_left3A_1232 = vector.broadcast %shift_left3A_1231 : i32 to vector<16xi32>
      %shift_left3A_1233 = arith.shli %get3A_1225, %shift_left3A_1232 : vector<16xi32>
      %bitcast_convert_type3A_1234 = tpu.bitcast %shift_left3A_1233 : vector<16xi32> -> vector<16xf32>
      %mul3A_1235 = arith.mulf %get3A_26, %bitcast_convert_type3A_1234 : vector<16xf32>
      %add3A_1236 = arith.addf %mul3A_1230, %mul3A_1235 : vector<16xf32>
      %and3A_1237 = vector.broadcast %scan3A_13 : i32 to vector<16xi32>
      %and3A_1238 = arith.andi %get3A_1221, %and3A_1237 : vector<16xi32>
      %bitcast_convert_type3A_1239 = tpu.bitcast %and3A_1238 : vector<16xi32> -> vector<16xf32>
      %mul3A_1240 = arith.mulf %get3A_22, %bitcast_convert_type3A_1239 : vector<16xf32>
      %and3A_1241 = vector.broadcast %scan3A_13 : i32 to vector<16xi32>
      %and3A_1242 = arith.andi %get3A_1225, %and3A_1241 : vector<16xi32>
      %bitcast_convert_type3A_1243 = tpu.bitcast %and3A_1242 : vector<16xi32> -> vector<16xf32>
      %mul3A_1244 = arith.mulf %get3A_26, %bitcast_convert_type3A_1243 : vector<16xf32>
      %add3A_1245 = arith.addf %mul3A_1240, %mul3A_1244 : vector<16xf32>
      %bitcast_convert_type3A_1246 = tpu.bitcast %add3A_1236 : vector<16xf32> -> vector<16xi32>
      %add3A_1247 = arith.constant 32767 : i32
      %add3A_1248 = vector.broadcast %add3A_1247 : i32 to vector<16xi32>
      %add3A_1249 = arith.addi %bitcast_convert_type3A_1246, %add3A_1248 : vector<16xi32>
      %shift_right_logical3A_1250 = arith.constant 16 : i32
      %shift_right_logical3A_1251 = vector.broadcast %shift_right_logical3A_1250 : i32 to vector<16xi32>
      %shift_right_logical3A_1252 = arith.shrui %bitcast_convert_type3A_1246, %shift_right_logical3A_1251 : vector<16xi32>
      %and3A_1253 = arith.constant 1 : i32
      %and3A_1254 = vector.broadcast %and3A_1253 : i32 to vector<16xi32>
      %and3A_1255 = arith.andi %shift_right_logical3A_1252, %and3A_1254 : vector<16xi32>
      %add3A_1256 = arith.addi %add3A_1249, %and3A_1255 : vector<16xi32>
      %and3A_1257 = vector.broadcast %scan3A_13 : i32 to vector<16xi32>
      %and3A_1258 = arith.andi %add3A_1256, %and3A_1257 : vector<16xi32>
      %shift_right_logical3A_1259 = arith.constant 16 : i32
      %shift_right_logical3A_1260 = vector.broadcast %shift_right_logical3A_1259 : i32 to vector<16xi32>
      %shift_right_logical3A_1261 = arith.shrui %and3A_1258, %shift_right_logical3A_1260 : vector<16xi32>
      %bitcast_convert_type3A_1262 = tpu.bitcast %add3A_1245 : vector<16xf32> -> vector<16xi32>
      %add3A_1263 = arith.constant 32767 : i32
      %add3A_1264 = vector.broadcast %add3A_1263 : i32 to vector<16xi32>
      %add3A_1265 = arith.addi %bitcast_convert_type3A_1262, %add3A_1264 : vector<16xi32>
      %shift_right_logical3A_1266 = arith.constant 16 : i32
      %shift_right_logical3A_1267 = vector.broadcast %shift_right_logical3A_1266 : i32 to vector<16xi32>
      %shift_right_logical3A_1268 = arith.shrui %bitcast_convert_type3A_1262, %shift_right_logical3A_1267 : vector<16xi32>
      %and3A_1269 = arith.constant 1 : i32
      %and3A_1270 = vector.broadcast %and3A_1269 : i32 to vector<16xi32>
      %and3A_1271 = arith.andi %shift_right_logical3A_1268, %and3A_1270 : vector<16xi32>
      %add3A_1272 = arith.addi %add3A_1265, %and3A_1271 : vector<16xi32>
      %and3A_1273 = vector.broadcast %scan3A_13 : i32 to vector<16xi32>
      %and3A_1274 = arith.andi %add3A_1272, %and3A_1273 : vector<16xi32>
      %or3A_1275 = arith.ori %shift_right_logical3A_1261, %and3A_1274 : vector<16xi32>
      %swap3A_1276 = arith.index_cast %scan3A_19 : i32 to index
      %swap3A_1277 = arith.constant 304 : index
      %swap3A_1278 = tpu.vector_load %arg14[%swap3A_1276, %swap3A_1277] {strides = array<i32>} : memref<64x384xi32, #tpu.memory_space<vmem>>, vector<1x16xi32>,
      %swap3A_1279 = vector.shape_cast %swap3A_1278 : vector<1x16xi32> to vector<16xi32>
      %swap3A_1280 = vector.shape_cast %or3A_1275 : vector<16xi32> to vector<1x16xi32>
      tpu.vector_store %arg14[%swap3A_1276, %swap3A_1277], %swap3A_1280 {strides = array<i32>} : memref<64x384xi32, #tpu.memory_space<vmem>>, vector<1x16xi32>,
      %get3A_1281 = arith.index_cast %scan3A_19 : i32 to index
      %get3A_1282 = arith.constant 320 : index
      %get3A_1283 = tpu.vector_load %arg12[%get3A_1281, %get3A_1282] {strides = array<i32>} : memref<64x384xi32, #tpu.memory_space<vmem>>, vector<1x16xi32>,
      %get3A_1284 = vector.shape_cast %get3A_1283 : vector<1x16xi32> to vector<16xi32>
      %get3A_1285 = arith.index_cast %scan3A_19 : i32 to index
      %get3A_1286 = arith.constant 320 : index
      %get3A_1287 = tpu.vector_load %arg13[%get3A_1285, %get3A_1286] {strides = array<i32>} : memref<64x384xi32, #tpu.memory_space<vmem>>, vector<1x16xi32>,
      %get3A_1288 = vector.shape_cast %get3A_1287 : vector<1x16xi32> to vector<16xi32>
      %shift_left3A_1289 = arith.constant 16 : i32
      %shift_left3A_1290 = vector.broadcast %shift_left3A_1289 : i32 to vector<16xi32>
      %shift_left3A_1291 = arith.shli %get3A_1284, %shift_left3A_1290 : vector<16xi32>
      %bitcast_convert_type3A_1292 = tpu.bitcast %shift_left3A_1291 : vector<16xi32> -> vector<16xf32>
      %mul3A_1293 = arith.mulf %get3A_22, %bitcast_convert_type3A_1292 : vector<16xf32>
      %shift_left3A_1294 = arith.constant 16 : i32
      %shift_left3A_1295 = vector.broadcast %shift_left3A_1294 : i32 to vector<16xi32>
      %shift_left3A_1296 = arith.shli %get3A_1288, %shift_left3A_1295 : vector<16xi32>
      %bitcast_convert_type3A_1297 = tpu.bitcast %shift_left3A_1296 : vector<16xi32> -> vector<16xf32>
      %mul3A_1298 = arith.mulf %get3A_26, %bitcast_convert_type3A_1297 : vector<16xf32>
      %add3A_1299 = arith.addf %mul3A_1293, %mul3A_1298 : vector<16xf32>
      %and3A_1300 = vector.broadcast %scan3A_13 : i32 to vector<16xi32>
      %and3A_1301 = arith.andi %get3A_1284, %and3A_1300 : vector<16xi32>
      %bitcast_convert_type3A_1302 = tpu.bitcast %and3A_1301 : vector<16xi32> -> vector<16xf32>
      %mul3A_1303 = arith.mulf %get3A_22, %bitcast_convert_type3A_1302 : vector<16xf32>
      %and3A_1304 = vector.broadcast %scan3A_13 : i32 to vector<16xi32>
      %and3A_1305 = arith.andi %get3A_1288, %and3A_1304 : vector<16xi32>
      %bitcast_convert_type3A_1306 = tpu.bitcast %and3A_1305 : vector<16xi32> -> vector<16xf32>
      %mul3A_1307 = arith.mulf %get3A_26, %bitcast_convert_type3A_1306 : vector<16xf32>
      %add3A_1308 = arith.addf %mul3A_1303, %mul3A_1307 : vector<16xf32>
      %bitcast_convert_type3A_1309 = tpu.bitcast %add3A_1299 : vector<16xf32> -> vector<16xi32>
      %add3A_1310 = arith.constant 32767 : i32
      %add3A_1311 = vector.broadcast %add3A_1310 : i32 to vector<16xi32>
      %add3A_1312 = arith.addi %bitcast_convert_type3A_1309, %add3A_1311 : vector<16xi32>
      %shift_right_logical3A_1313 = arith.constant 16 : i32
      %shift_right_logical3A_1314 = vector.broadcast %shift_right_logical3A_1313 : i32 to vector<16xi32>
      %shift_right_logical3A_1315 = arith.shrui %bitcast_convert_type3A_1309, %shift_right_logical3A_1314 : vector<16xi32>
      %and3A_1316 = arith.constant 1 : i32
      %and3A_1317 = vector.broadcast %and3A_1316 : i32 to vector<16xi32>
      %and3A_1318 = arith.andi %shift_right_logical3A_1315, %and3A_1317 : vector<16xi32>
      %add3A_1319 = arith.addi %add3A_1312, %and3A_1318 : vector<16xi32>
      %and3A_1320 = vector.broadcast %scan3A_13 : i32 to vector<16xi32>
      %and3A_1321 = arith.andi %add3A_1319, %and3A_1320 : vector<16xi32>
      %shift_right_logical3A_1322 = arith.constant 16 : i32
      %shift_right_logical3A_1323 = vector.broadcast %shift_right_logical3A_1322 : i32 to vector<16xi32>
      %shift_right_logical3A_1324 = arith.shrui %and3A_1321, %shift_right_logical3A_1323 : vector<16xi32>
      %bitcast_convert_type3A_1325 = tpu.bitcast %add3A_1308 : vector<16xf32> -> vector<16xi32>
      %add3A_1326 = arith.constant 32767 : i32
      %add3A_1327 = vector.broadcast %add3A_1326 : i32 to vector<16xi32>
      %add3A_1328 = arith.addi %bitcast_convert_type3A_1325, %add3A_1327 : vector<16xi32>
      %shift_right_logical3A_1329 = arith.constant 16 : i32
      %shift_right_logical3A_1330 = vector.broadcast %shift_right_logical3A_1329 : i32 to vector<16xi32>
      %shift_right_logical3A_1331 = arith.shrui %bitcast_convert_type3A_1325, %shift_right_logical3A_1330 : vector<16xi32>
      %and3A_1332 = arith.constant 1 : i32
      %and3A_1333 = vector.broadcast %and3A_1332 : i32 to vector<16xi32>
      %and3A_1334 = arith.andi %shift_right_logical3A_1331, %and3A_1333 : vector<16xi32>
      %add3A_1335 = arith.addi %add3A_1328, %and3A_1334 : vector<16xi32>
      %and3A_1336 = vector.broadcast %scan3A_13 : i32 to vector<16xi32>
      %and3A_1337 = arith.andi %add3A_1335, %and3A_1336 : vector<16xi32>
      %or3A_1338 = arith.ori %shift_right_logical3A_1324, %and3A_1337 : vector<16xi32>
      %swap3A_1339 = arith.index_cast %scan3A_19 : i32 to index
      %swap3A_1340 = arith.constant 320 : index
      %swap3A_1341 = tpu.vector_load %arg14[%swap3A_1339, %swap3A_1340] {strides = array<i32>} : memref<64x384xi32, #tpu.memory_space<vmem>>, vector<1x16xi32>,
      %swap3A_1342 = vector.shape_cast %swap3A_1341 : vector<1x16xi32> to vector<16xi32>
      %swap3A_1343 = vector.shape_cast %or3A_1338 : vector<16xi32> to vector<1x16xi32>
      tpu.vector_store %arg14[%swap3A_1339, %swap3A_1340], %swap3A_1343 {strides = array<i32>} : memref<64x384xi32, #tpu.memory_space<vmem>>, vector<1x16xi32>,
      %get3A_1344 = arith.index_cast %scan3A_19 : i32 to index
      %get3A_1345 = arith.constant 336 : index
      %get3A_1346 = tpu.vector_load %arg12[%get3A_1344, %get3A_1345] {strides = array<i32>} : memref<64x384xi32, #tpu.memory_space<vmem>>, vector<1x16xi32>,
      %get3A_1347 = vector.shape_cast %get3A_1346 : vector<1x16xi32> to vector<16xi32>
      %get3A_1348 = arith.index_cast %scan3A_19 : i32 to index
      %get3A_1349 = arith.constant 336 : index
      %get3A_1350 = tpu.vector_load %arg13[%get3A_1348, %get3A_1349] {strides = array<i32>} : memref<64x384xi32, #tpu.memory_space<vmem>>, vector<1x16xi32>,
      %get3A_1351 = vector.shape_cast %get3A_1350 : vector<1x16xi32> to vector<16xi32>
      %shift_left3A_1352 = arith.constant 16 : i32
      %shift_left3A_1353 = vector.broadcast %shift_left3A_1352 : i32 to vector<16xi32>
      %shift_left3A_1354 = arith.shli %get3A_1347, %shift_left3A_1353 : vector<16xi32>
      %bitcast_convert_type3A_1355 = tpu.bitcast %shift_left3A_1354 : vector<16xi32> -> vector<16xf32>
      %mul3A_1356 = arith.mulf %get3A_22, %bitcast_convert_type3A_1355 : vector<16xf32>
      %shift_left3A_1357 = arith.constant 16 : i32
      %shift_left3A_1358 = vector.broadcast %shift_left3A_1357 : i32 to vector<16xi32>
      %shift_left3A_1359 = arith.shli %get3A_1351, %shift_left3A_1358 : vector<16xi32>
      %bitcast_convert_type3A_1360 = tpu.bitcast %shift_left3A_1359 : vector<16xi32> -> vector<16xf32>
      %mul3A_1361 = arith.mulf %get3A_26, %bitcast_convert_type3A_1360 : vector<16xf32>
      %add3A_1362 = arith.addf %mul3A_1356, %mul3A_1361 : vector<16xf32>
      %and3A_1363 = vector.broadcast %scan3A_13 : i32 to vector<16xi32>
      %and3A_1364 = arith.andi %get3A_1347, %and3A_1363 : vector<16xi32>
      %bitcast_convert_type3A_1365 = tpu.bitcast %and3A_1364 : vector<16xi32> -> vector<16xf32>
      %mul3A_1366 = arith.mulf %get3A_22, %bitcast_convert_type3A_1365 : vector<16xf32>
      %and3A_1367 = vector.broadcast %scan3A_13 : i32 to vector<16xi32>
      %and3A_1368 = arith.andi %get3A_1351, %and3A_1367 : vector<16xi32>
      %bitcast_convert_type3A_1369 = tpu.bitcast %and3A_1368 : vector<16xi32> -> vector<16xf32>
      %mul3A_1370 = arith.mulf %get3A_26, %bitcast_convert_type3A_1369 : vector<16xf32>
      %add3A_1371 = arith.addf %mul3A_1366, %mul3A_1370 : vector<16xf32>
      %bitcast_convert_type3A_1372 = tpu.bitcast %add3A_1362 : vector<16xf32> -> vector<16xi32>
      %add3A_1373 = arith.constant 32767 : i32
      %add3A_1374 = vector.broadcast %add3A_1373 : i32 to vector<16xi32>
      %add3A_1375 = arith.addi %bitcast_convert_type3A_1372, %add3A_1374 : vector<16xi32>
      %shift_right_logical3A_1376 = arith.constant 16 : i32
      %shift_right_logical3A_1377 = vector.broadcast %shift_right_logical3A_1376 : i32 to vector<16xi32>
      %shift_right_logical3A_1378 = arith.shrui %bitcast_convert_type3A_1372, %shift_right_logical3A_1377 : vector<16xi32>
      %and3A_1379 = arith.constant 1 : i32
      %and3A_1380 = vector.broadcast %and3A_1379 : i32 to vector<16xi32>
      %and3A_1381 = arith.andi %shift_right_logical3A_1378, %and3A_1380 : vector<16xi32>
      %add3A_1382 = arith.addi %add3A_1375, %and3A_1381 : vector<16xi32>
      %and3A_1383 = vector.broadcast %scan3A_13 : i32 to vector<16xi32>
      %and3A_1384 = arith.andi %add3A_1382, %and3A_1383 : vector<16xi32>
      %shift_right_logical3A_1385 = arith.constant 16 : i32
      %shift_right_logical3A_1386 = vector.broadcast %shift_right_logical3A_1385 : i32 to vector<16xi32>
      %shift_right_logical3A_1387 = arith.shrui %and3A_1384, %shift_right_logical3A_1386 : vector<16xi32>
      %bitcast_convert_type3A_1388 = tpu.bitcast %add3A_1371 : vector<16xf32> -> vector<16xi32>
      %add3A_1389 = arith.constant 32767 : i32
      %add3A_1390 = vector.broadcast %add3A_1389 : i32 to vector<16xi32>
      %add3A_1391 = arith.addi %bitcast_convert_type3A_1388, %add3A_1390 : vector<16xi32>
      %shift_right_logical3A_1392 = arith.constant 16 : i32
      %shift_right_logical3A_1393 = vector.broadcast %shift_right_logical3A_1392 : i32 to vector<16xi32>
      %shift_right_logical3A_1394 = arith.shrui %bitcast_convert_type3A_1388, %shift_right_logical3A_1393 : vector<16xi32>
      %and3A_1395 = arith.constant 1 : i32
      %and3A_1396 = vector.broadcast %and3A_1395 : i32 to vector<16xi32>
      %and3A_1397 = arith.andi %shift_right_logical3A_1394, %and3A_1396 : vector<16xi32>
      %add3A_1398 = arith.addi %add3A_1391, %and3A_1397 : vector<16xi32>
      %and3A_1399 = vector.broadcast %scan3A_13 : i32 to vector<16xi32>
      %and3A_1400 = arith.andi %add3A_1398, %and3A_1399 : vector<16xi32>
      %or3A_1401 = arith.ori %shift_right_logical3A_1387, %and3A_1400 : vector<16xi32>
      %swap3A_1402 = arith.index_cast %scan3A_19 : i32 to index
      %swap3A_1403 = arith.constant 336 : index
      %swap3A_1404 = tpu.vector_load %arg14[%swap3A_1402, %swap3A_1403] {strides = array<i32>} : memref<64x384xi32, #tpu.memory_space<vmem>>, vector<1x16xi32>,
      %swap3A_1405 = vector.shape_cast %swap3A_1404 : vector<1x16xi32> to vector<16xi32>
      %swap3A_1406 = vector.shape_cast %or3A_1401 : vector<16xi32> to vector<1x16xi32>
      tpu.vector_store %arg14[%swap3A_1402, %swap3A_1403], %swap3A_1406 {strides = array<i32>} : memref<64x384xi32, #tpu.memory_space<vmem>>, vector<1x16xi32>,
      %get3A_1407 = arith.index_cast %scan3A_19 : i32 to index
      %get3A_1408 = arith.constant 352 : index
      %get3A_1409 = tpu.vector_load %arg12[%get3A_1407, %get3A_1408] {strides = array<i32>} : memref<64x384xi32, #tpu.memory_space<vmem>>, vector<1x16xi32>,
      %get3A_1410 = vector.shape_cast %get3A_1409 : vector<1x16xi32> to vector<16xi32>
      %get3A_1411 = arith.index_cast %scan3A_19 : i32 to index
      %get3A_1412 = arith.constant 352 : index
      %get3A_1413 = tpu.vector_load %arg13[%get3A_1411, %get3A_1412] {strides = array<i32>} : memref<64x384xi32, #tpu.memory_space<vmem>>, vector<1x16xi32>,
      %get3A_1414 = vector.shape_cast %get3A_1413 : vector<1x16xi32> to vector<16xi32>
      %shift_left3A_1415 = arith.constant 16 : i32
      %shift_left3A_1416 = vector.broadcast %shift_left3A_1415 : i32 to vector<16xi32>
      %shift_left3A_1417 = arith.shli %get3A_1410, %shift_left3A_1416 : vector<16xi32>
      %bitcast_convert_type3A_1418 = tpu.bitcast %shift_left3A_1417 : vector<16xi32> -> vector<16xf32>
      %mul3A_1419 = arith.mulf %get3A_22, %bitcast_convert_type3A_1418 : vector<16xf32>
      %shift_left3A_1420 = arith.constant 16 : i32
      %shift_left3A_1421 = vector.broadcast %shift_left3A_1420 : i32 to vector<16xi32>
      %shift_left3A_1422 = arith.shli %get3A_1414, %shift_left3A_1421 : vector<16xi32>
      %bitcast_convert_type3A_1423 = tpu.bitcast %shift_left3A_1422 : vector<16xi32> -> vector<16xf32>
      %mul3A_1424 = arith.mulf %get3A_26, %bitcast_convert_type3A_1423 : vector<16xf32>
      %add3A_1425 = arith.addf %mul3A_1419, %mul3A_1424 : vector<16xf32>
      %and3A_1426 = vector.broadcast %scan3A_13 : i32 to vector<16xi32>
      %and3A_1427 = arith.andi %get3A_1410, %and3A_1426 : vector<16xi32>
      %bitcast_convert_type3A_1428 = tpu.bitcast %and3A_1427 : vector<16xi32> -> vector<16xf32>
      %mul3A_1429 = arith.mulf %get3A_22, %bitcast_convert_type3A_1428 : vector<16xf32>
      %and3A_1430 = vector.broadcast %scan3A_13 : i32 to vector<16xi32>
      %and3A_1431 = arith.andi %get3A_1414, %and3A_1430 : vector<16xi32>
      %bitcast_convert_type3A_1432 = tpu.bitcast %and3A_1431 : vector<16xi32> -> vector<16xf32>
      %mul3A_1433 = arith.mulf %get3A_26, %bitcast_convert_type3A_1432 : vector<16xf32>
      %add3A_1434 = arith.addf %mul3A_1429, %mul3A_1433 : vector<16xf32>
      %bitcast_convert_type3A_1435 = tpu.bitcast %add3A_1425 : vector<16xf32> -> vector<16xi32>
      %add3A_1436 = arith.constant 32767 : i32
      %add3A_1437 = vector.broadcast %add3A_1436 : i32 to vector<16xi32>
      %add3A_1438 = arith.addi %bitcast_convert_type3A_1435, %add3A_1437 : vector<16xi32>
      %shift_right_logical3A_1439 = arith.constant 16 : i32
      %shift_right_logical3A_1440 = vector.broadcast %shift_right_logical3A_1439 : i32 to vector<16xi32>
      %shift_right_logical3A_1441 = arith.shrui %bitcast_convert_type3A_1435, %shift_right_logical3A_1440 : vector<16xi32>
      %and3A_1442 = arith.constant 1 : i32
      %and3A_1443 = vector.broadcast %and3A_1442 : i32 to vector<16xi32>
      %and3A_1444 = arith.andi %shift_right_logical3A_1441, %and3A_1443 : vector<16xi32>
      %add3A_1445 = arith.addi %add3A_1438, %and3A_1444 : vector<16xi32>
      %and3A_1446 = vector.broadcast %scan3A_13 : i32 to vector<16xi32>
      %and3A_1447 = arith.andi %add3A_1445, %and3A_1446 : vector<16xi32>
      %shift_right_logical3A_1448 = arith.constant 16 : i32
      %shift_right_logical3A_1449 = vector.broadcast %shift_right_logical3A_1448 : i32 to vector<16xi32>
      %shift_right_logical3A_1450 = arith.shrui %and3A_1447, %shift_right_logical3A_1449 : vector<16xi32>
      %bitcast_convert_type3A_1451 = tpu.bitcast %add3A_1434 : vector<16xf32> -> vector<16xi32>
      %add3A_1452 = arith.constant 32767 : i32
      %add3A_1453 = vector.broadcast %add3A_1452 : i32 to vector<16xi32>
      %add3A_1454 = arith.addi %bitcast_convert_type3A_1451, %add3A_1453 : vector<16xi32>
      %shift_right_logical3A_1455 = arith.constant 16 : i32
      %shift_right_logical3A_1456 = vector.broadcast %shift_right_logical3A_1455 : i32 to vector<16xi32>
      %shift_right_logical3A_1457 = arith.shrui %bitcast_convert_type3A_1451, %shift_right_logical3A_1456 : vector<16xi32>
      %and3A_1458 = arith.constant 1 : i32
      %and3A_1459 = vector.broadcast %and3A_1458 : i32 to vector<16xi32>
      %and3A_1460 = arith.andi %shift_right_logical3A_1457, %and3A_1459 : vector<16xi32>
      %add3A_1461 = arith.addi %add3A_1454, %and3A_1460 : vector<16xi32>
      %and3A_1462 = vector.broadcast %scan3A_13 : i32 to vector<16xi32>
      %and3A_1463 = arith.andi %add3A_1461, %and3A_1462 : vector<16xi32>
      %or3A_1464 = arith.ori %shift_right_logical3A_1450, %and3A_1463 : vector<16xi32>
      %swap3A_1465 = arith.index_cast %scan3A_19 : i32 to index
      %swap3A_1466 = arith.constant 352 : index
      %swap3A_1467 = tpu.vector_load %arg14[%swap3A_1465, %swap3A_1466] {strides = array<i32>} : memref<64x384xi32, #tpu.memory_space<vmem>>, vector<1x16xi32>,
      %swap3A_1468 = vector.shape_cast %swap3A_1467 : vector<1x16xi32> to vector<16xi32>
      %swap3A_1469 = vector.shape_cast %or3A_1464 : vector<16xi32> to vector<1x16xi32>
      tpu.vector_store %arg14[%swap3A_1465, %swap3A_1466], %swap3A_1469 {strides = array<i32>} : memref<64x384xi32, #tpu.memory_space<vmem>>, vector<1x16xi32>,
      %get3A_1470 = arith.index_cast %scan3A_19 : i32 to index
      %get3A_1471 = arith.constant 368 : index
      %get3A_1472 = tpu.vector_load %arg12[%get3A_1470, %get3A_1471] {strides = array<i32>} : memref<64x384xi32, #tpu.memory_space<vmem>>, vector<1x16xi32>,
      %get3A_1473 = vector.shape_cast %get3A_1472 : vector<1x16xi32> to vector<16xi32>
      %get3A_1474 = arith.index_cast %scan3A_19 : i32 to index
      %get3A_1475 = arith.constant 368 : index
      %get3A_1476 = tpu.vector_load %arg13[%get3A_1474, %get3A_1475] {strides = array<i32>} : memref<64x384xi32, #tpu.memory_space<vmem>>, vector<1x16xi32>,
      %get3A_1477 = vector.shape_cast %get3A_1476 : vector<1x16xi32> to vector<16xi32>
      %shift_left3A_1478 = arith.constant 16 : i32
      %shift_left3A_1479 = vector.broadcast %shift_left3A_1478 : i32 to vector<16xi32>
      %shift_left3A_1480 = arith.shli %get3A_1473, %shift_left3A_1479 : vector<16xi32>
      %bitcast_convert_type3A_1481 = tpu.bitcast %shift_left3A_1480 : vector<16xi32> -> vector<16xf32>
      %mul3A_1482 = arith.mulf %get3A_22, %bitcast_convert_type3A_1481 : vector<16xf32>
      %shift_left3A_1483 = arith.constant 16 : i32
      %shift_left3A_1484 = vector.broadcast %shift_left3A_1483 : i32 to vector<16xi32>
      %shift_left3A_1485 = arith.shli %get3A_1477, %shift_left3A_1484 : vector<16xi32>
      %bitcast_convert_type3A_1486 = tpu.bitcast %shift_left3A_1485 : vector<16xi32> -> vector<16xf32>
      %mul3A_1487 = arith.mulf %get3A_26, %bitcast_convert_type3A_1486 : vector<16xf32>
      %add3A_1488 = arith.addf %mul3A_1482, %mul3A_1487 : vector<16xf32>
      %and3A_1489 = vector.broadcast %scan3A_13 : i32 to vector<16xi32>
      %and3A_1490 = arith.andi %get3A_1473, %and3A_1489 : vector<16xi32>
      %bitcast_convert_type3A_1491 = tpu.bitcast %and3A_1490 : vector<16xi32> -> vector<16xf32>
      %mul3A_1492 = arith.mulf %get3A_22, %bitcast_convert_type3A_1491 : vector<16xf32>
      %and3A_1493 = vector.broadcast %scan3A_13 : i32 to vector<16xi32>
      %and3A_1494 = arith.andi %get3A_1477, %and3A_1493 : vector<16xi32>
      %bitcast_convert_type3A_1495 = tpu.bitcast %and3A_1494 : vector<16xi32> -> vector<16xf32>
      %mul3A_1496 = arith.mulf %get3A_26, %bitcast_convert_type3A_1495 : vector<16xf32>
      %add3A_1497 = arith.addf %mul3A_1492, %mul3A_1496 : vector<16xf32>
      %bitcast_convert_type3A_1498 = tpu.bitcast %add3A_1488 : vector<16xf32> -> vector<16xi32>
      %add3A_1499 = arith.constant 32767 : i32
      %add3A_1500 = vector.broadcast %add3A_1499 : i32 to vector<16xi32>
      %add3A_1501 = arith.addi %bitcast_convert_type3A_1498, %add3A_1500 : vector<16xi32>
      %shift_right_logical3A_1502 = arith.constant 16 : i32
      %shift_right_logical3A_1503 = vector.broadcast %shift_right_logical3A_1502 : i32 to vector<16xi32>
      %shift_right_logical3A_1504 = arith.shrui %bitcast_convert_type3A_1498, %shift_right_logical3A_1503 : vector<16xi32>
      %and3A_1505 = arith.constant 1 : i32
      %and3A_1506 = vector.broadcast %and3A_1505 : i32 to vector<16xi32>
      %and3A_1507 = arith.andi %shift_right_logical3A_1504, %and3A_1506 : vector<16xi32>
      %add3A_1508 = arith.addi %add3A_1501, %and3A_1507 : vector<16xi32>
      %and3A_1509 = vector.broadcast %scan3A_13 : i32 to vector<16xi32>
      %and3A_1510 = arith.andi %add3A_1508, %and3A_1509 : vector<16xi32>
      %shift_right_logical3A_1511 = arith.constant 16 : i32
      %shift_right_logical3A_1512 = vector.broadcast %shift_right_logical3A_1511 : i32 to vector<16xi32>
      %shift_right_logical3A_1513 = arith.shrui %and3A_1510, %shift_right_logical3A_1512 : vector<16xi32>
      %bitcast_convert_type3A_1514 = tpu.bitcast %add3A_1497 : vector<16xf32> -> vector<16xi32>
      %add3A_1515 = arith.constant 32767 : i32
      %add3A_1516 = vector.broadcast %add3A_1515 : i32 to vector<16xi32>
      %add3A_1517 = arith.addi %bitcast_convert_type3A_1514, %add3A_1516 : vector<16xi32>
      %shift_right_logical3A_1518 = arith.constant 16 : i32
      %shift_right_logical3A_1519 = vector.broadcast %shift_right_logical3A_1518 : i32 to vector<16xi32>
      %shift_right_logical3A_1520 = arith.shrui %bitcast_convert_type3A_1514, %shift_right_logical3A_1519 : vector<16xi32>
      %and3A_1521 = arith.constant 1 : i32
      %and3A_1522 = vector.broadcast %and3A_1521 : i32 to vector<16xi32>
      %and3A_1523 = arith.andi %shift_right_logical3A_1520, %and3A_1522 : vector<16xi32>
      %add3A_1524 = arith.addi %add3A_1517, %and3A_1523 : vector<16xi32>
      %and3A_1525 = vector.broadcast %scan3A_13 : i32 to vector<16xi32>
      %and3A_1526 = arith.andi %add3A_1524, %and3A_1525 : vector<16xi32>
      %or3A_1527 = arith.ori %shift_right_logical3A_1513, %and3A_1526 : vector<16xi32>
      %swap3A_1528 = arith.index_cast %scan3A_19 : i32 to index
      %swap3A_1529 = arith.constant 368 : index
      %swap3A_1530 = tpu.vector_load %arg14[%swap3A_1528, %swap3A_1529] {strides = array<i32>} : memref<64x384xi32, #tpu.memory_space<vmem>>, vector<1x16xi32>,
      %swap3A_1531 = vector.shape_cast %swap3A_1530 : vector<1x16xi32> to vector<16xi32>
      %swap3A_1532 = vector.shape_cast %or3A_1527 : vector<16xi32> to vector<1x16xi32>
      tpu.vector_store %arg14[%swap3A_1528, %swap3A_1529], %swap3A_1532 {strides = array<i32>} : memref<64x384xi32, #tpu.memory_space<vmem>>, vector<1x16xi32>,
    }
    %scan3A_18 = arith.constant 64 : i32
    "tpu.region"() ({
      %run_scoped3A = tpu.sem_alloc : memref<!tpu.dma_semaphore, #tpu.memory_space<semaphore_mem>>
      %dma_start3A_19 = arith.constant 0 : i32
      %dma_start3A_20 = tpu.memref_slice %arg7[%mul3A_2, %dma_start3A_19] : memref<2048x384xi32, #tpu.memory_space<hbm>> -> memref<64x384xi32, #tpu.memory_space<hbm>>
      %dma_start3A_21 = arith.constant 0 : i32
      %dma_start3A_22 = tpu.memref_slice %arg7[%mul3A_2, %dma_start3A_21] : memref<2048x384xi32, #tpu.memory_space<hbm>> -> memref<64x384xi32, #tpu.memory_space<hbm>>
      tpu.enqueue_dma source(%arg14 : memref<64x384xi32, #tpu.memory_space<vmem>>) target(%dma_start3A_22 : memref<64x384xi32, #tpu.memory_space<hbm>>) target_semaphore(%run_scoped3A : memref<!tpu.dma_semaphore, #tpu.memory_space<semaphore_mem>>)
      %dma_wait3A_23 = arith.constant 0 : i32
      %dma_wait3A_24 = tpu.memref_slice %arg7[%mul3A_2, %dma_wait3A_23] : memref<2048x384xi32, #tpu.memory_space<hbm>> -> memref<64x384xi32, #tpu.memory_space<hbm>>
      %dma_wait3A_25 = arith.constant 0 : i32
      %dma_wait3A_26 = tpu.memref_slice %arg7[%mul3A_2, %dma_wait3A_25] : memref<2048x384xi32, #tpu.memory_space<hbm>> -> memref<64x384xi32, #tpu.memory_space<hbm>>
      tpu.wait_dma2 semaphore(%run_scoped3A : memref<!tpu.dma_semaphore, #tpu.memory_space<semaphore_mem>>) src(%arg14 : memref<64x384xi32, #tpu.memory_space<vmem>>) dst(%dma_wait3A_26 : memref<64x384xi32, #tpu.memory_space<hbm>>)
      tpu.yield
    }) : () -> ()
    return
  }
}

module attributes {stable_mosaic.version = 14 : i64} {
  func.func @_dispatch_body(%arg0: memref<2048x2xi32, #tpu.memory_space<vmem>>, %arg1: memref<2048x1xi32, #tpu.memory_space<vmem>>, %arg2: memref<2048x1xi32, #tpu.memory_space<vmem>>, %arg3: memref<128x1xi32, #tpu.memory_space<vmem>>) attributes {dimension_semantics = [], scalar_prefetch = 0 : i64, scratch_operands = 0 : i64, tpu.core_type = #tpu.core_type<tc>} {
    %iota3A = tpu.iota {dimensions = array<i32: 1>} : vector<2048x8xi32>
    %get3A = arith.constant 0 : index
    %get3A_0 = arith.constant 0 : index
    %get3A_1 = vector.load %arg0[%get3A, %get3A_0] : memref<2048x2xi32, #tpu.memory_space<vmem>>, vector<2048x1xi32>
    %get3A_2 = arith.constant 0 : index
    %get3A_3 = arith.constant 1 : index
    %get3A_4 = vector.load %arg0[%get3A_2, %get3A_3] : memref<2048x2xi32, #tpu.memory_space<vmem>>, vector<2048x1xi32>
    %broadcast_in_dim3A = vector.shape_cast %get3A_1 : vector<2048x1xi32> to vector<2048x1xi32>
    %broadcast_in_dim3A_5 = vector.broadcast %broadcast_in_dim3A : vector<2048x1xi32> to vector<2048x8xi32>
    %eq3A = arith.cmpi eq, %iota3A, %broadcast_in_dim3A_5 : vector<2048x8xi32>
    %convert_element_type3A = arith.extui %eq3A : vector<2048x8xi1> to vector<2048x8xi32>
    %convert_element_type3A_6 = arith.sitofp %convert_element_type3A : vector<2048x8xi32> to vector<2048x8xf32>
    %convert_element_type3A_7 = arith.truncf %convert_element_type3A_6 : vector<2048x8xf32> to vector<2048x8xbf16>
    %broadcast_in_dim3A_8 = vector.shape_cast %get3A_4 : vector<2048x1xi32> to vector<2048x1xi32>
    %broadcast_in_dim3A_9 = vector.broadcast %broadcast_in_dim3A_8 : vector<2048x1xi32> to vector<2048x8xi32>
    %eq3A_10 = arith.cmpi eq, %iota3A, %broadcast_in_dim3A_9 : vector<2048x8xi32>
    %convert_element_type3A_11 = arith.extui %eq3A_10 : vector<2048x8xi1> to vector<2048x8xi32>
    %convert_element_type3A_12 = arith.sitofp %convert_element_type3A_11 : vector<2048x8xi32> to vector<2048x8xf32>
    %convert_element_type3A_13 = arith.truncf %convert_element_type3A_12 : vector<2048x8xf32> to vector<2048x8xbf16>
    %iota3A_14 = tpu.iota {dimensions = array<i32: 0>} : vector<2048x2048xi32>
    %iota3A_15 = tpu.iota {dimensions = array<i32: 1>} : vector<2048x2048xi32>
    %lt3A = arith.cmpi slt, %iota3A_15, %iota3A_14 : vector<2048x2048xi32>
    %convert_element_type3A_16 = arith.extui %lt3A : vector<2048x2048xi1> to vector<2048x2048xi32>
    %convert_element_type3A_17 = arith.sitofp %convert_element_type3A_16 : vector<2048x2048xi32> to vector<2048x2048xf32>
    %convert_element_type3A_18 = arith.truncf %convert_element_type3A_17 : vector<2048x2048xf32> to vector<2048x2048xbf16>
    %dot_general3A = arith.constant dense<0.000000e+00> : vector<2048x8xf32>
    %dot_general3A_19 = tpu.matmul %convert_element_type3A_18, %convert_element_type3A_7, %dot_general3A {dimension_numbers = #tpu.dot_dimension_numbers<[1], [0], [0], [1], [0, 0, 1, 1], [], []>, transpose_lhs_hint = false} : vector<2048x2048xbf16>, vector<2048x8xbf16>, vector<2048x8xf32> -> vector<2048x8xf32>
    %dot_general3A_20 = arith.constant dense<0.000000e+00> : vector<2048x8xf32>
    %dot_general3A_21 = tpu.matmul %convert_element_type3A_18, %convert_element_type3A_13, %dot_general3A_20 {dimension_numbers = #tpu.dot_dimension_numbers<[1], [0], [0], [1], [0, 0, 1, 1], [], []>, transpose_lhs_hint = false} : vector<2048x2048xbf16>, vector<2048x8xbf16>, vector<2048x8xf32> -> vector<2048x8xf32>
    %convert_element_type3A_22 = arith.extf %convert_element_type3A_7 : vector<2048x8xbf16> to vector<2048x8xf32>
    %reduce_sum3A = arith.constant dense<0.000000e+00> : vector<8xf32>
    %reduce_sum3A_23 = vector.multi_reduction <add>, %convert_element_type3A_22, %reduce_sum3A [0] : vector<2048x8xf32> to vector<8xf32>
    %broadcast_in_dim3A_24 = vector.shape_cast %reduce_sum3A_23 : vector<8xf32> to vector<1x8xf32>
    %convert_element_type3A_25 = arith.extf %convert_element_type3A_13 : vector<2048x8xbf16> to vector<2048x8xf32>
    %reduce_sum3A_26 = arith.constant dense<0.000000e+00> : vector<8xf32>
    %reduce_sum3A_27 = vector.multi_reduction <add>, %convert_element_type3A_25, %reduce_sum3A_26 [0] : vector<2048x8xf32> to vector<8xf32>
    %broadcast_in_dim3A_28 = vector.shape_cast %reduce_sum3A_27 : vector<8xf32> to vector<1x8xf32>
    %broadcast_in_dim3A_29 = vector.shape_cast %broadcast_in_dim3A_24 : vector<1x8xf32> to vector<1x8xf32>
    %broadcast_in_dim3A_30 = vector.broadcast %broadcast_in_dim3A_29 : vector<1x8xf32> to vector<2048x8xf32>
    %add3A = arith.addf %dot_general3A_21, %broadcast_in_dim3A_30 : vector<2048x8xf32>
    %add3A_31 = arith.addf %broadcast_in_dim3A_24, %broadcast_in_dim3A_28 : vector<1x8xf32>
    %add3A_32 = arith.constant 1.270000e+02 : f32
    %add3A_33 = vector.broadcast %add3A_32 : f32 to vector<1x8xf32>
    %add3A_34 = arith.addf %add3A_31, %add3A_33 : vector<1x8xf32>
    %mul3A = arith.constant 7.812500e-03 : f32
    %mul3A_35 = vector.broadcast %mul3A : f32 to vector<1x8xf32>
    %mul3A_36 = arith.mulf %add3A_34, %mul3A_35 : vector<1x8xf32>
    %floor3A = math.floor %mul3A_36 : vector<1x8xf32>
    %iota3A_37 = tpu.iota {dimensions = array<i32: 0>} : vector<8x8xi32>
    %iota3A_38 = tpu.iota {dimensions = array<i32: 1>} : vector<8x8xi32>
    %lt3A_39 = arith.cmpi slt, %iota3A_38, %iota3A_37 : vector<8x8xi32>
    %convert_element_type3A_40 = arith.extui %lt3A_39 : vector<8x8xi1> to vector<8x8xi32>
    %convert_element_type3A_41 = arith.sitofp %convert_element_type3A_40 : vector<8x8xi32> to vector<8x8xf32>
    %dot_general3A_42 = arith.constant dense<0.000000e+00> : vector<1x8xf32>
    %dot_general3A_43 = tpu.matmul %floor3A, %convert_element_type3A_41, %dot_general3A_42 {dimension_numbers = #tpu.dot_dimension_numbers<[1], [1], [0], [0], [0, 0, 1, 0], [], []>, transpose_lhs_hint = false} : vector<1x8xf32>, vector<8x8xf32>, vector<1x8xf32> -> vector<1x8xf32>
    %mul3A_44 = arith.constant 1.280000e+02 : f32
    %mul3A_45 = vector.broadcast %mul3A_44 : f32 to vector<1x8xf32>
    %mul3A_46 = arith.mulf %dot_general3A_43, %mul3A_45 : vector<1x8xf32>
    %broadcast_in_dim3A_47 = vector.shape_cast %mul3A_46 : vector<1x8xf32> to vector<1x8xf32>
    %broadcast_in_dim3A_48 = vector.broadcast %broadcast_in_dim3A_47 : vector<1x8xf32> to vector<2048x8xf32>
    %add3A_49 = arith.addf %broadcast_in_dim3A_48, %dot_general3A_19 : vector<2048x8xf32>
    %convert_element_type3A_50 = arith.extf %convert_element_type3A_7 : vector<2048x8xbf16> to vector<2048x8xf32>
    %mul3A_51 = arith.mulf %add3A_49, %convert_element_type3A_50 : vector<2048x8xf32>
    %reduce_sum3A_52 = arith.constant dense<0.000000e+00> : vector<2048xf32>
    %reduce_sum3A_53 = vector.multi_reduction <add>, %mul3A_51, %reduce_sum3A_52 [1] : vector<2048x8xf32> to vector<2048xf32>
    %broadcast_in_dim3A_54 = vector.shape_cast %reduce_sum3A_53 : vector<2048xf32> to vector<2048x1xf32>
    %broadcast_in_dim3A_55 = vector.shape_cast %mul3A_46 : vector<1x8xf32> to vector<1x8xf32>
    %broadcast_in_dim3A_56 = vector.broadcast %broadcast_in_dim3A_55 : vector<1x8xf32> to vector<2048x8xf32>
    %add3A_57 = arith.addf %broadcast_in_dim3A_56, %add3A : vector<2048x8xf32>
    %convert_element_type3A_58 = arith.extf %convert_element_type3A_13 : vector<2048x8xbf16> to vector<2048x8xf32>
    %mul3A_59 = arith.mulf %add3A_57, %convert_element_type3A_58 : vector<2048x8xf32>
    %reduce_sum3A_60 = arith.constant dense<0.000000e+00> : vector<2048xf32>
    %reduce_sum3A_61 = vector.multi_reduction <add>, %mul3A_59, %reduce_sum3A_60 [1] : vector<2048x8xf32> to vector<2048xf32>
    %broadcast_in_dim3A_62 = vector.shape_cast %reduce_sum3A_61 : vector<2048xf32> to vector<2048x1xf32>
    %convert_element_type3A_63 = arith.fptosi %broadcast_in_dim3A_54 : vector<2048x1xf32> to vector<2048x1xi32>
    %swap3A = arith.constant 0 : index
    %swap3A_64 = arith.constant 0 : index
    %swap3A_65 = vector.load %arg1[%swap3A, %swap3A_64] : memref<2048x1xi32, #tpu.memory_space<vmem>>, vector<2048x1xi32>
    tpu.vector_store %arg1[%swap3A, %swap3A_64], %convert_element_type3A_63 {strides = array<i32>} : memref<2048x1xi32, #tpu.memory_space<vmem>>, vector<2048x1xi32>,
    %convert_element_type3A_66 = arith.fptosi %broadcast_in_dim3A_62 : vector<2048x1xf32> to vector<2048x1xi32>
    %swap3A_67 = arith.constant 0 : index
    %swap3A_68 = arith.constant 0 : index
    %swap3A_69 = vector.load %arg2[%swap3A_67, %swap3A_68] : memref<2048x1xi32, #tpu.memory_space<vmem>>, vector<2048x1xi32>
    tpu.vector_store %arg2[%swap3A_67, %swap3A_68], %convert_element_type3A_66 {strides = array<i32>} : memref<2048x1xi32, #tpu.memory_space<vmem>>, vector<2048x1xi32>,
    %iota3A_70 = tpu.iota {dimensions = array<i32: 0>} : vector<128x8xi32>
    %convert_element_type3A_71 = arith.fptosi %dot_general3A_43 : vector<1x8xf32> to vector<1x8xi32>
    %broadcast_in_dim3A_72 = vector.shape_cast %convert_element_type3A_71 : vector<1x8xi32> to vector<1x8xi32>
    %broadcast_in_dim3A_73 = vector.broadcast %broadcast_in_dim3A_72 : vector<1x8xi32> to vector<128x8xi32>
    %ge3A = arith.cmpi sge, %iota3A_70, %broadcast_in_dim3A_73 : vector<128x8xi32>
    %convert_element_type3A_74 = arith.extui %ge3A : vector<128x8xi1> to vector<128x8xi32>
    %convert_element_type3A_75 = arith.sitofp %convert_element_type3A_74 : vector<128x8xi32> to vector<128x8xf32>
    %reduce_sum3A_76 = arith.constant dense<0.000000e+00> : vector<128xf32>
    %reduce_sum3A_77 = vector.multi_reduction <add>, %convert_element_type3A_75, %reduce_sum3A_76 [1] : vector<128x8xf32> to vector<128xf32>
    %broadcast_in_dim3A_78 = vector.shape_cast %reduce_sum3A_77 : vector<128xf32> to vector<128x1xf32>
    %sub3A = arith.constant 1.000000e+00 : f32
    %sub3A_79 = vector.broadcast %sub3A : f32 to vector<128x1xf32>
    %sub3A_80 = arith.subf %broadcast_in_dim3A_78, %sub3A_79 : vector<128x1xf32>
    %convert_element_type3A_81 = arith.fptosi %sub3A_80 : vector<128x1xf32> to vector<128x1xi32>
    %swap3A_82 = arith.constant 0 : index
    %swap3A_83 = arith.constant 0 : index
    %swap3A_84 = vector.load %arg3[%swap3A_82, %swap3A_83] : memref<128x1xi32, #tpu.memory_space<vmem>>, vector<128x1xi32>
    tpu.vector_store %arg3[%swap3A_82, %swap3A_83], %convert_element_type3A_81 {strides = array<i32>} : memref<128x1xi32, #tpu.memory_space<vmem>>, vector<128x1xi32>,
    return
  }
}

module attributes {stable_mosaic.version = 14 : i64} {
  func.func @_gffn_body(%arg0: i32, %arg1: memref<40xi32, #tpu.memory_space<smem>>, %arg2: memref<128x768xbf16, #tpu.memory_space<vmem>>, %arg3: memref<1x3072x768xbf16, #tpu.memory_space<vmem>>, %arg4: memref<1x3072x768xbf16, #tpu.memory_space<vmem>>, %arg5: memref<1x768x3072xbf16, #tpu.memory_space<vmem>>, %arg6: memref<128x768xbf16, #tpu.memory_space<vmem>>) attributes {dimension_semantics = [#tpu.dimension_semantics<arbitrary>], iteration_bounds = array<i64: 40>, scalar_prefetch = 1 : i64, scratch_operands = 0 : i64, tpu.core_type = #tpu.core_type<tc>, window_params = [{transform_indices = @transform_0, window_bounds = array<i64: 128, 768>}, {transform_indices = @transform_1, window_bounds = array<i64: 1, 3072, 768>}, {transform_indices = @transform_2, window_bounds = array<i64: 1, 3072, 768>}, {transform_indices = @transform_3, window_bounds = array<i64: 1, 768, 3072>}, {transform_indices = @transform_4, window_bounds = array<i64: 128, 768>}]} {
    %get3A = arith.constant 0 : index
    %get3A_0 = arith.constant 0 : index
    %get3A_1 = vector.load %arg2[%get3A, %get3A_0] : memref<128x768xbf16, #tpu.memory_space<vmem>>, vector<128x768xbf16>
    %get3A_2 = arith.constant 0 : index
    %get3A_3 = arith.constant 0 : index
    %get3A_4 = arith.constant 0 : index
    %get3A_5 = vector.load %arg3[%get3A_2, %get3A_3, %get3A_4] : memref<1x3072x768xbf16, #tpu.memory_space<vmem>>, vector<1x3072x768xbf16>
    %get3A_6 = vector.shape_cast %get3A_5 : vector<1x3072x768xbf16> to vector<3072x768xbf16>
    %dot_general3A = arith.constant dense<0.000000e+00> : vector<128x3072xf32>
    %dot_general3A_7 = tpu.matmul %get3A_1, %get3A_6, %dot_general3A {dimension_numbers = #tpu.dot_dimension_numbers<[1], [1], [0], [0], [0, 0, 1, 0], [], []>, transpose_lhs_hint = false} : vector<128x768xbf16>, vector<3072x768xbf16>, vector<128x3072xf32> -> vector<128x3072xf32>
    %convert_element_type3A = arith.truncf %dot_general3A_7 : vector<128x3072xf32> to vector<128x3072xbf16>
    %get3A_8 = arith.constant 0 : index
    %get3A_9 = arith.constant 0 : index
    %get3A_10 = arith.constant 0 : index
    %get3A_11 = vector.load %arg4[%get3A_8, %get3A_9, %get3A_10] : memref<1x3072x768xbf16, #tpu.memory_space<vmem>>, vector<1x3072x768xbf16>
    %get3A_12 = vector.shape_cast %get3A_11 : vector<1x3072x768xbf16> to vector<3072x768xbf16>
    %dot_general3A_13 = arith.constant dense<0.000000e+00> : vector<128x3072xf32>
    %dot_general3A_14 = tpu.matmul %get3A_1, %get3A_12, %dot_general3A_13 {dimension_numbers = #tpu.dot_dimension_numbers<[1], [1], [0], [0], [0, 0, 1, 0], [], []>, transpose_lhs_hint = false} : vector<128x768xbf16>, vector<3072x768xbf16>, vector<128x3072xf32> -> vector<128x3072xf32>
    %convert_element_type3A_15 = arith.truncf %dot_general3A_14 : vector<128x3072xf32> to vector<128x3072xbf16>
    %logistic3A = arith.negf %convert_element_type3A : vector<128x3072xbf16>
    %logistic3A_16 = math.exp %logistic3A : vector<128x3072xbf16>
    %logistic3A_17 = arith.constant 1.000000e+00 : bf16
    %logistic3A_18 = vector.broadcast %logistic3A_17 : bf16 to vector<128x3072xbf16>
    %logistic3A_19 = arith.addf %logistic3A_18, %logistic3A_16 : vector<128x3072xbf16>
    %logistic3A_20 = arith.divf %logistic3A_18, %logistic3A_19 : vector<128x3072xbf16>
    %mul3A = arith.mulf %convert_element_type3A, %logistic3A_20 : vector<128x3072xbf16>
    %mul3A_21 = arith.mulf %mul3A, %convert_element_type3A_15 : vector<128x3072xbf16>
    %get3A_22 = arith.constant 0 : index
    %get3A_23 = arith.constant 0 : index
    %get3A_24 = arith.constant 0 : index
    %get3A_25 = vector.load %arg5[%get3A_22, %get3A_23, %get3A_24] : memref<1x768x3072xbf16, #tpu.memory_space<vmem>>, vector<1x768x3072xbf16>
    %get3A_26 = vector.shape_cast %get3A_25 : vector<1x768x3072xbf16> to vector<768x3072xbf16>
    %dot_general3A_27 = arith.constant dense<0.000000e+00> : vector<128x768xf32>
    %dot_general3A_28 = tpu.matmul %mul3A_21, %get3A_26, %dot_general3A_27 {dimension_numbers = #tpu.dot_dimension_numbers<[1], [1], [0], [0], [0, 0, 1, 0], [], []>, transpose_lhs_hint = false} : vector<128x3072xbf16>, vector<768x3072xbf16>, vector<128x768xf32> -> vector<128x768xf32>
    %convert_element_type3A_29 = arith.truncf %dot_general3A_28 : vector<128x768xf32> to vector<128x768xbf16>
    %swap3A = arith.constant 0 : index
    %swap3A_30 = arith.constant 0 : index
    %swap3A_31 = vector.load %arg6[%swap3A, %swap3A_30] : memref<128x768xbf16, #tpu.memory_space<vmem>>, vector<128x768xbf16>
    tpu.vector_store %arg6[%swap3A, %swap3A_30], %convert_element_type3A_29 {strides = array<i32>} : memref<128x768xbf16, #tpu.memory_space<vmem>>, vector<128x768xbf16>,
    return
  }
  func.func @transform_0(%arg0: i32, %arg1: memref<40xi32, #tpu.memory_space<smem>>) -> (i32, i32) {
    %c0_i32 = arith.constant 0 : i32
    %c0_i32_0 = arith.constant 0 : i32
    return %arg0, %c0_i32 : i32, i32
  }
  func.func @transform_1(%arg0: i32, %arg1: memref<40xi32, #tpu.memory_space<smem>>) -> (i32, i32, i32) {
    %get3A = arith.index_cast %arg0 : i32 to index
    %get3A_0 = memref.load %arg1[%get3A] : memref<40xi32, #tpu.memory_space<smem>>
    %c0_i32 = arith.constant 0 : i32
    %c0_i32_1 = arith.constant 0 : i32
    %c0_i32_2 = arith.constant 0 : i32
    return %get3A_0, %c0_i32, %c0_i32_1 : i32, i32, i32
  }
  func.func @transform_2(%arg0: i32, %arg1: memref<40xi32, #tpu.memory_space<smem>>) -> (i32, i32, i32) {
    %get3A = arith.index_cast %arg0 : i32 to index
    %get3A_0 = memref.load %arg1[%get3A] : memref<40xi32, #tpu.memory_space<smem>>
    %c0_i32 = arith.constant 0 : i32
    %c0_i32_1 = arith.constant 0 : i32
    %c0_i32_2 = arith.constant 0 : i32
    return %get3A_0, %c0_i32, %c0_i32_1 : i32, i32, i32
  }
  func.func @transform_3(%arg0: i32, %arg1: memref<40xi32, #tpu.memory_space<smem>>) -> (i32, i32, i32) {
    %get3A = arith.index_cast %arg0 : i32 to index
    %get3A_0 = memref.load %arg1[%get3A] : memref<40xi32, #tpu.memory_space<smem>>
    %c0_i32 = arith.constant 0 : i32
    %c0_i32_1 = arith.constant 0 : i32
    %c0_i32_2 = arith.constant 0 : i32
    return %get3A_0, %c0_i32, %c0_i32_1 : i32, i32, i32
  }
  func.func @transform_4(%arg0: i32, %arg1: memref<40xi32, #tpu.memory_space<smem>>) -> (i32, i32) {
    %c0_i32 = arith.constant 0 : i32
    %c0_i32_0 = arith.constant 0 : i32
    return %arg0, %c0_i32 : i32, i32
  }
}

</mosaic_0001>

<sc_bundles>
// kernel: kernel.6.cloned.1.call-start
scs
__scs_entry_jumppad:
0x0: {  	(pc) =	sbr.rel $0x88, $3  }
0x1: {  	(tag) =	ssettag $0x0;
	lr =	simm.s32 $0x1  }
0x2: {  	[smem:$0x3F9C] =	sst lr;
	_ =	strace $0xD0000000  }
0x3: {  	_ = 	snop  }
0x4: {  	_ = 	snop  }
0x5: {  	_ = 	snop  }
0x6: {  	_ = 	snop  }
0x7: {  	_ = 	snop  }
__scs_overlays_trampoline_lowered:
0x8: {  	[smem:$0x3FAB] =	sst s0  }
0x9: {  	[smem:$0x3FAC] =	sst s1  }
0xa: {  	[smem:$0x3FAD] =	sst s2  }
0xb: {  	[smem:$0x3FAE] =	sst s3  }
0xc: {  	[smem:$0x3FAF] =	sst s4  }
0xd: {  	[smem:$0x3FB0] =	sst s5  }
0xe: {  	[smem:$0x3FB1] =	sst s6  }
0xf: {  	[smem:$0x3FB2] =	sst s7  }
0x10: {  	[smem:$0x3FB3] =	sst s8  }
0x11: {  	[smem:$0x3FB4] =	sst s9;
	s0 =	simm.s32 @!p0 $0x0  }
0x12: {  	s1 =	sld [smem:$0x3F9A];
	s0 =	simm.s32 @p0 $0x1  }
0x13: {  	[smem:$0x3FB5] =	sst s0;
	s0 =	simm.s32 @!p1 $0x0  }
0x14: {  	s2 =	sld [smem:$0x3F99];
	s0 =	simm.s32 @p1 $0x1  }
0x15: {  	[smem:$0x3FB6] =	sst s0;
	s0 =	simm.s32 @!p2 $0x0  }
0x16: {  	s3 =	sld [smem:$0x3FDB];
	s0 =	simm.s32 @p2 $0x1  }
0x17: {  	s4 =	simm.s32 $0x1BF5;
	[smem:$0x3FB8] =	sst s0  }
0x18: {  	s0 =	sld [smem:$0x3F9B];
	_ =	swait.ge [sflag:s4], $0x0  }
0x19: {  	s7 =	sld [smem:$0x3F9C]  }
0x1a: {  	s8 =	sadd.s32 $0xFFFFE003, lr  }
0x1b: {  	s9 =	sadd.s32 $0xFFFFFEF7, lr;
	s5 =	simm.s32 $0xFFFFFFFF;
	p2 =	slt.u32 s8, $0xFFFFF086  }
0x1c: {  	p1 =	slt.u32 s9, $0xF7A;
	s5 =	simm.s32 @!p2 $0x0  }
0x1d: {  	s5 =	simm.s32 @p1 $0x1;
	p0 =	seq.s32 s7, s2  }
0x1e: {  	s7 =	smul.u32 @!p0 $0xF7A, s2;
	p2 =	seq.s32 @!p0 s5, $0x0  }
0x1f: {  	s9 =	smul.u32 $0xF7A, s1;
	s8 =	simm.s32 @!p0 $0x1BF5;
	p2 =	por !p2, p0  }
0x20: {  	[sflag:s8] =	ssyncset.s32 @!p0 $0xFFFFF086;
	s6 =	sadd.s32 @!p0 s3, s7;
	s7 =	simm.s32 @!p0 $0x108  }
0x21: {  	s3 =	sadd.s32 s3, s9;
	s6 =	sadd.s32 @!p0 $0x88, s6;
	s7 =	simm.s32 @p2 $0x1082  }
0x22: {  	[simem:s7], [sflag:s8] =	dma.local @!p0 [hbm:s6], $0xF7A  }
0x23: {  	s9 =	sor.u32 $0xD0000000, s2;
	s6 =	simm.s32 $0x108;
	_ =	swait.ge @!p0 [sflag:s8], $0x0  }
0x24: {  	s3 =	sadd.s32 $0x88, s3;
	s6 =	simm.s32 @!p1 $0x1082;
	[sflag:s4] =	ssyncset.s32 $0xFFFFF086  }
0x25: {  	[simem:s6], [sflag:s4] =	dma.local [hbm:s3], $0xF7A  }
0x26: {  	[smem:$0x3F9C] =	sst s1;
	(tag) =	ssettag s2;
	_ =	strace s9  }
0x27: {  	s1 =	sld [smem:$0x3FAC]  }
0x28: {  	s2 =	sld [smem:$0x3FAD]  }
0x29: {  	s4 =	sld [smem:$0x3FAF]  }
0x2a: {  	p0 =	seq.s32 s5, $0x0;
	s5 =	sld [smem:$0x3FB0]  }
0x2b: {  	s6 =	sld [smem:$0x3FB1]  }
0x2c: {  	s7 =	sld [smem:$0x3FB2]  }
0x2d: {  	s3 =	simm.s32 $0x108;
	s8 =	sld [smem:$0x3FB3]  }
0x2e: {  	s3 =	simm.s32 @!p0 $0x1082;
	s9 =	sld [smem:$0x3FB4]  }
0x2f: {  	lr =	sadd.s32 s0, s3;
	s0 =	sld [smem:$0x3FAB]  }
0x30: {  	s3 =	sld [smem:$0x3FAE]  }
0x31: {  	[smem:$0x3FB7] =	sst s10  }
0x32: {  	s10 =	sld [smem:$0x3FB5];
	_ =	sdelay $0x3  }
0x33: {  	p0 =	seq.s32 s10, $0x1;
	s10 =	sld [smem:$0x3FB7];
	_ =	sdelay $0x3  }
0x34: {  	[smem:$0x3FB7] =	sst s10  }
0x35: {  	s10 =	sld [smem:$0x3FB6];
	_ =	sdelay $0x3  }
0x36: {  	p1 =	seq.s32 s10, $0x1;
	s10 =	sld [smem:$0x3FB7];
	_ =	sdelay $0x3  }
0x37: {  	[smem:$0x3FB7] =	sst s10  }
0x38: {  	s10 =	sld [smem:$0x3FB8]  }
0x39: {  	_ = 	snop;
	(pc) =	sbr.ind lr, $3  }
0x3a: {  	_ = 	snop  }
0x3b: {  	_ = 	snop  }
0x3c: {  	p2 =	seq.s32 s10, $0x1;
	s10 =	sld [smem:$0x3FB7]  }
0x3d: {  	_ =	shalt  }
0x3e: {  	_ =	shalt  }
0x3f: {  	_ =	shalt  }
0x40: {  	_ =	shalt  }
0x41: {  	_ =	shalt  }
0x42: {  	_ =	shalt  }
0x43: {  	_ =	shalt  }
0x44: {  	_ =	shalt  }
0x45: {  	_ =	shalt  }
0x46: {  	_ =	shalt  }
0x47: {  	_ =	shalt  }
0x48: {  	_ =	shalt  }
0x49: {  	_ =	shalt  }
0x4a: {  	_ =	shalt  }
0x4b: {  	_ =	shalt  }
0x4c: {  	_ =	shalt  }
0x4d: {  	_ =	shalt  }
0x4e: {  	_ =	shalt  }
0x4f: {  	_ =	shalt  }
0x50: {  	_ =	shalt  }
0x51: {  	_ =	shalt  }
0x52: {  	_ =	shalt  }
0x53: {  	_ =	shalt  }
0x54: {  	_ =	shalt  }
0x55: {  	_ =	shalt  }
0x56: {  	_ =	shalt  }
0x57: {  	_ =	shalt  }
0x58: {  	_ =	shalt  }
0x59: {  	_ =	shalt  }
0x5a: {  	_ =	shalt  }
0x5b: {  	_ =	shalt  }
0x5c: {  	_ =	shalt  }
0x5d: {  	_ =	shalt  }
0x5e: {  	_ =	shalt  }
0x5f: {  	_ =	shalt  }
0x60: {  	_ =	shalt  }
0x61: {  	_ =	shalt  }
0x62: {  	_ =	shalt  }
0x63: {  	_ =	shalt  }
0x64: {  	_ =	shalt  }
0x65: {  	_ =	shalt  }
0x66: {  	_ =	shalt  }
0x67: {  	_ =	shalt  }
0x68: {  	_ =	shalt  }
0x69: {  	_ =	shalt  }
0x6a: {  	_ =	shalt  }
0x6b: {  	_ =	shalt  }
0x6c: {  	_ =	shalt  }
0x6d: {  	_ =	shalt  }
0x6e: {  	_ =	shalt  }
0x6f: {  	_ =	shalt  }
0x70: {  	_ =	shalt  }
0x71: {  	_ =	shalt  }
0x72: {  	_ =	shalt  }
0x73: {  	_ =	shalt  }
0x74: {  	_ =	shalt  }
0x75: {  	_ =	shalt  }
0x76: {  	_ =	shalt  }
0x77: {  	_ =	shalt  }
0x78: {  	_ =	shalt  }
0x79: {  	_ =	shalt  }
0x7a: {  	_ =	shalt  }
0x7b: {  	_ =	shalt  }
0x7c: {  	_ =	shalt  }
0x7d: {  	_ =	shalt  }
0x7e: {  	_ =	shalt  }
0x7f: {  	_ =	shalt  }
0x80: {  	_ =	shalt  }
0x81: {  	_ =	shalt  }
0x82: {  	_ =	shalt  }
0x83: {  	_ =	shalt  }
0x84: {  	_ =	shalt  }
0x85: {  	_ =	shalt  }
0x86: {  	_ =	shalt  }
0x87: {  	_ =	shalt  }
.Lfunc_end0:
.L_simem_size_0:
called_computation_lowered:
.L_overlay_start_0:
0x88: {  	s2 =	sld [smem:$0x3FD9]  }
0x89: {  	s3 =	sld [smem:$0x3FFE];
	_ =	sdelay $0x1  }
0x8a: {  	s1 =	srdreg.scid  }
0x8b: {  	s0 =	sand.u32 $0x1, s1  }
0x8c: {  	s14 =	sshll.u32 s0, $0xA;
	s2 =	sadd.s32 s3, s2  }
0x8d: {  	s2 =	sadd.s32 s2, s14  }
0x8e: {  	[smem:$0x3FC3] =	sst s2  }
0x8f: {  	_ = 	snop  }
0x90: {  	s2 =	sld [smem:$0x3FD0];
	_ =	sdelay $0x2  }
0x91: {  	s15 =	simm.s32 $0xA;
	s4 =	simm.s32 $0x10  }
0x92: {  	[smem:s4], [sflag:s15] =	dma.local [hbm:s2], $0x1  }
0x93: {  	_ =	swait.eq [sflag:s15], $0x1  }
0x94: {  	[sflag:s15] =	ssyncset.done $0x0  }
0x95: {  	[sflag:s15] =	ssyncadd.s32 $0xFFFFFFFF  }
0x96: {  	s16 =	sld [smem:$0x10];
	(tm) =	ssettm $0x1  }
0x97: {  	s17 =	sld [smem:$0x3FFB];
	_ =	sdelay $0x3  }
0x98: {  	_ =	strace s17  }
0x99: {  	s3 =	sld [smem:$0x3FFC];
	_ =	sdelay $0x3  }
0x9a: {  	_ =	strace s3  }
0x9b: {  	s3 =	sld [smem:$0x3FFD];
	_ =	sdelay $0x3  }
0x9c: {  	_ =	strace s3  }
0x9d: {  	_ =	strace $0x8FFFFFFF  }
0x9e: {  	s18 =	sld [smem:$0x3FDB];
	_ =	sdelay $0x1  }
0x9f: {  	s19 =	simm.s32 $_scs_section_size  }
0xa0: {  	s5 =	simm.s32 $_size__tile_overlayer_lowered;
	s6 =	simm.s32 $_tile_overlayer_lowered  }
0xa1: {  	s22 =	simm.s32 $0x1BFF;
	s21 =	sshll.u32 s6, $0x1;
	s3 =	sadd.s32 s19, s18  }
0xa2: {  	s7 =	simm.s32 $0x0;
	s20 =	sshll.u32 s5, $0x1;
	s5 =	sadd.s32 s21, s3  }
0xa3: {  	[timem:s7], [sflag:s22] =	dma.local [hbm:s5], s20  }
0xa4: {  	_ =	swait.ge [sflag:s22], s20  }
0xa5: {  	s4 =	ssub.s32 $0x0, s20;
	[sflag:s22] =	ssyncset.done $0x0  }
0xa6: {  	[sflag:s22] =	ssyncadd.s32 s4;
	_ =	sdelay $0x1  }
0xa7: {  	s23 =	simm.s32 $0x1B8B  }
0xa8: {  	_ =	swait.ge [sflag:s23], $0x1  }
0xa9: {  	[sflag:s23] =	ssyncset.done $0x0  }
0xaa: {  	s25 =	simm.s32 $0x1B8E;
	s24 =	sld [smem:$0x3FFE];
	[sflag:s23] =	ssyncadd.s32 $0xFFFFFFFF  }
0xab: {  	s26 =	simm.s32 $execute0_lowered;
	[smem:$0x3FD2] =	sst s25  }
0xac: {  	s5 =	sshll.u32 s26, $0x1;
	_ =	strace $0x80000046;
	[dreg:$0x1] =	wrdreg $0xFFFFFFFF  }
0xad: {  	s28 =	simm.s32 $_size_execute0_lowered;
	s3 =	sadd.s32 s3, s5;
	[dreg:$0x0] =	wrdreg $0x0  }
0xae: {  	s5 =	sshll.u32 s28, $0x1;
	[dreg:$0x2] =	wrdreg s3  }
0xaf: {  	[dreg:$0x3] =	wrdreg s5  }
0xb0: {  	[dreg:$0x4] =	wrdreg $0xC0  }
0xb1: {  	_ =	task [dreg:s7], $0x5FFFF  }
0xb2: {  	[dreg:$0x1] =	wrdreg $0xFFFFFFFF  }
0xb3: {  	[dreg:$0x0] =	wrdreg $0x60  }
0xb4: {  	[dreg:$0x2] =	wrdreg s16  }
0xb5: {  	[dreg:$0x3] =	wrdreg s24  }
0xb6: {  	[dreg:$0x4] =	wrdreg $0x9  }
0xb7: {  	_ =	task.clear_ibuf [dreg:s7], $0x5FFFF;
	_ =	strace $0x90000046  }
0xb8: {  	s29 =	simm.s32 $0x9;
	_ =	strace $0x80000048  }
0xb9: {  	_ =	swait.ge [sflag:s29], $0x1  }
0xba: {  	[sflag:s29] =	ssyncadd.s32 $0xFFFFFFFF  }
0xbb: {  	_ =	strace $0x90000048  }
0xbc: {  	_ =	sfence  }
0xbd: {  	s30 =	sld [smem:$0x0];
	_ =	sdelay $0x2  }
0xbe: {  	s31 =	sshll.u32 s1, $0xD;
	s1 =	sshrl.u32 s1, $0x2  }
0xbf: {  	s3 =	sand.u32 $0x4000, s31;
	s1 =	sadd.s32 s1, s30  }
0xc0: {  	s0 =	sor.u32 s3, s0;
	s1 =	sshll.u32 s1, $0x11  }
0xc1: {  	s0 =	sor.u32 s1, s0  }
0xc2: {  	s0 =	sadd.s32 $0x8F2B, s0  }
0xc3: {  	[sflag:s0] =	ssyncadd.remote.s32 $0x1  }
0xc4: {  	_ =	sfence.sel $0xFFFF  }
0xc5: {  	[dreg:$0x0] =	wrdreg $0xFFFFFFFF;
	(pc) =	sbr.abs _section_cstart, $3  }
0xc6: {  	[dreg:$0x1] =	wrdreg $0xFFFFFFFF  }
0xc7: {  	_ =	task.clear_ibuf [dreg:s7], $0x2FFFF;
	_ =	strace $0x9FFFFFFF  }
0xc8: {  	(tm) =	ssettm $0x7FFFFFFF  }
0xc9: {  	_ =	shalt  }
tec
execute0_lowered:
.L_overlay_start_1:
0x0: {  	(tag) =	ssettag $0x1  }
0x1: {  	s5 =	rddreg [dreg:$0x0]  }
0x2: {  	s7 =	rddreg [dreg:$0x1];
	s2 =	srdreg.scid  }
0x3: {  	s0 =	rddreg [dreg:$0x2];
	s1 =	stileid.u32  }
0x4: {  	s10 =	simm.s32 $0x2;
	s11 =	simm.s32 $0x80;
	s12 =	simm.s32 $0x900  }
0x5: {  	s13 =	simm.s32 $0xD00;
	s14 =	simm.s32 $0x1500;
	s15 =	simm.s32 $0x1900  }
0x6: {  	s16 =	simm.s32 $0x2100;
	s17 =	simm.s32 $0x2500;
	s18 =	simm.s32 $0x2D00  }
0x7: {  	s19 =	simm.s32 $0x3100;
	s20 =	simm.s32 $0x3900;
	s21 =	simm.s32 $0x3D00  }
0x8: {  	s22 =	simm.s32 $0x4500;
	s23 =	simm.s32 $0x4900;
	s24 =	simm.s32 $0x5100  }
0x9: {  	s25 =	simm.s32 $0x5500;
	s26 =	simm.s32 $0x5D00;
	s28 =	simm.s32 $0x1  }
0xa: {  	s3 =	sand.u32 $0x1, s2;
	s2 =	simm.s32 $0x0;
	s4 =	sshll.u32 s1, $0x4  }
0xb: {  	s6 =	sshll.u32 s3, $0x3;
	[smem:$0x7FF] =	sst s2;
	s31 =	ssub.s32 $0x2, s3  }
0xc: {  	s3 =	sadd.s32 $0x400, s7;
	s4 =	sor.u32 s6, s4;
	_ =	strace $0x80000047  }
0xd: {  	v2 =	vlaneseq.u32;
	s9 =	sshrl.u32 s31, $0x1;
	s8 =	smul.u32 $0x180, s4;
	s4 =	sadd.s32 s7, s4  }
0xe: {  	vm0 =	vmmov $0xffff;
	vm1 =	vmmov $0xff;
	v1 =	vshrl.u32 v2, $0x3;
	s9 =	ssub.s32 s31, s9;
	s7 =	sadd.s32 $0x500, s7;
	s6 =	sadd.s32 $0x200, s4  }
0xf: {  	v0 =	vand.u32 $0x7, v2;
	v2 =	vor.u32 $0x8, v2;
	v1 =	vmul.u32 $0x8, v1;
	s5 =	sadd.s32 s5, s8;
	s8 =	smax.u32 s9, $0x1;
	s9 =	simm.s32 $0x100  }
.LBB2_1:
0x10: {  	[tilespmem:s9], [sflag:$0x2] =	stream.linear.gather [hbm4b:s5+s2], $0x6000, $0x38;
	[tilespmem:$0x6100] =	vst v63  }
0x11: {  	_ =	swait.ge [sflag:s10], $0x6000  }
0x12: {  	[sflag:s10] =	ssyncset.done $0x0  }
0x13: {  	[sflag:s10] =	ssyncadd.s32 $0xFFFFA000  }
0x14: {  	[tilespmem:s2], [sflag:$0x2] =	stream.linear.gather [hbm4b:s4+s2], $0x40, $0x38;
	[tilespmem:$0x6100] =	vst v63  }
0x15: {  	_ =	swait.ge [sflag:s10], $0x40  }
0x16: {  	[sflag:s10] =	ssyncset.done $0x0  }
0x17: {  	[sflag:s10] =	ssyncadd.s32 $0xFFFFFFC0  }
0x18: {  	[tilespmem:s11], [sflag:$0x2] =	stream.linear.gather [hbm4b:s6+s2], $0x40, $0x38;
	[tilespmem:$0x6100] =	vst v63  }
0x19: {  	_ =	swait.ge [sflag:s10], $0x40  }
0x1a: {  	[sflag:s10] =	ssyncset.done $0x0  }
0x1b: {  	[sflag:s10] =	ssyncadd.s32 $0xFFFFFFC0  }
0x1c: {  	v3 =	vld [tilespmem:$0x0];
	_ =	sdelay $0x4  }
0x1d: {  	v4 =	vshrl.u32 v3, $0x3  }
0x1e: {  	v4 =	vmul.u32 $0x18, v4  }
0x1f: {  	v3 =	vand.u32 $0x7, v3  }
0x20: {  	v3 =	vor.u32 v3, v4  }
0x21: {  	v4 =	vperm.xlane v3, v0;
	_ =	sdelay $0x1  }
0x22: {  	v4 =	vadd.s32 v1, v4;
	_ =	sdelay $0x1  }
0x23: {  	v3 =	vperm.xlane v3, v2;
	_ =	sdelay $0x1  }
0x24: {  	v3 =	vadd.s32 v1, v3  }
0x25: {  	[hbm4b:s3+s2] =	stream.indirect_vreg.scatter [tilespmem:s9], [sflag:$0x1], $0x80, v4, vm0, $0xb8;
	[tilespmem:$0x6100] =	vst v63  }
0x26: {  	_ = 	snop  }
0x27: {  	[hbm4b:s7+s2] =	stream.indirect_vreg.scatter [tilespmem:s12], [sflag:$0x1], $0x80, v4, vm1, $0xb8;
	[tilespmem:$0x6100] =	vst v63  }
0x28: {  	_ = 	snop  }
0x29: {  	[hbm4b:s3+s2] =	stream.indirect_vreg.scatter [tilespmem:s13], [sflag:$0x1], $0x80, v3, vm0, $0xb8;
	[tilespmem:$0x6100] =	vst v63  }
0x2a: {  	_ = 	snop  }
0x2b: {  	[hbm4b:s7+s2] =	stream.indirect_vreg.scatter [tilespmem:s14], [sflag:$0x1], $0x80, v3, vm1, $0xb8;
	[tilespmem:$0x6100] =	vst v63  }
0x2c: {  	v3 =	vld [tilespmem:$0x10];
	_ =	sdelay $0x4  }
0x2d: {  	v57 =	vshrl.u32 v3, $0x3  }
0x2e: {  	v4 =	vmul.u32 $0x18, v57  }
0x2f: {  	v3 =	vand.u32 $0x7, v3  }
0x30: {  	v3 =	vor.u32 v3, v4  }
0x31: {  	v4 =	vperm.xlane v3, v0;
	_ =	sdelay $0x1  }
0x32: {  	v4 =	vadd.s32 v1, v4;
	_ =	sdelay $0x1  }
0x33: {  	v3 =	vperm.xlane v3, v2;
	_ =	sdelay $0x1  }
0x34: {  	v3 =	vadd.s32 v1, v3  }
0x35: {  	[hbm4b:s3+s2] =	stream.indirect_vreg.scatter [tilespmem:s15], [sflag:$0x1], $0x80, v4, vm0, $0xb8;
	[tilespmem:$0x6100] =	vst v63  }
0x36: {  	_ = 	snop  }
0x37: {  	[hbm4b:s7+s2] =	stream.indirect_vreg.scatter [tilespmem:s16], [sflag:$0x1], $0x80, v4, vm1, $0xb8;
	[tilespmem:$0x6100] =	vst v63  }
0x38: {  	_ = 	snop  }
0x39: {  	[hbm4b:s3+s2] =	stream.indirect_vreg.scatter [tilespmem:s17], [sflag:$0x1], $0x80, v3, vm0, $0xb8;
	[tilespmem:$0x6100] =	vst v63  }
0x3a: {  	_ = 	snop  }
0x3b: {  	[hbm4b:s7+s2] =	stream.indirect_vreg.scatter [tilespmem:s18], [sflag:$0x1], $0x80, v3, vm1, $0xb8;
	[tilespmem:$0x6100] =	vst v63  }
0x3c: {  	v3 =	vld [tilespmem:$0x20];
	_ =	sdelay $0x4  }
0x3d: {  	v58 =	vshrl.u32 v3, $0x3  }
0x3e: {  	v4 =	vmul.u32 $0x18, v58  }
0x3f: {  	v3 =	vand.u32 $0x7, v3  }
0x40: {  	v3 =	vor.u32 v3, v4  }
0x41: {  	v4 =	vperm.xlane v3, v0;
	_ =	sdelay $0x1  }
0x42: {  	v4 =	vadd.s32 v1, v4;
	_ =	sdelay $0x1  }
0x43: {  	v3 =	vperm.xlane v3, v2;
	_ =	sdelay $0x1  }
0x44: {  	v3 =	vadd.s32 v1, v3  }
0x45: {  	[hbm4b:s3+s2] =	stream.indirect_vreg.scatter [tilespmem:s19], [sflag:$0x1], $0x80, v4, vm0, $0xb8;
	[tilespmem:$0x6100] =	vst v63  }
0x46: {  	_ = 	snop  }
0x47: {  	[hbm4b:s7+s2] =	stream.indirect_vreg.scatter [tilespmem:s20], [sflag:$0x1], $0x80, v4, vm1, $0xb8;
	[tilespmem:$0x6100] =	vst v63  }
0x48: {  	_ = 	snop  }
0x49: {  	[hbm4b:s3+s2] =	stream.indirect_vreg.scatter [tilespmem:s21], [sflag:$0x1], $0x80, v3, vm0, $0xb8;
	[tilespmem:$0x6100] =	vst v63  }
0x4a: {  	_ = 	snop  }
0x4b: {  	[hbm4b:s7+s2] =	stream.indirect_vreg.scatter [tilespmem:s22], [sflag:$0x1], $0x80, v3, vm1, $0xb8;
	[tilespmem:$0x6100] =	vst v63  }
0x4c: {  	v3 =	vld [tilespmem:$0x30];
	_ =	sdelay $0x4  }
0x4d: {  	v59 =	vshrl.u32 v3, $0x3  }
0x4e: {  	v4 =	vmul.u32 $0x18, v59  }
0x4f: {  	v3 =	vand.u32 $0x7, v3  }
0x50: {  	v3 =	vor.u32 v3, v4  }
0x51: {  	v4 =	vperm.xlane v3, v0;
	_ =	sdelay $0x1  }
0x52: {  	v4 =	vadd.s32 v1, v4;
	_ =	sdelay $0x1  }
0x53: {  	v3 =	vperm.xlane v3, v2;
	_ =	sdelay $0x1  }
0x54: {  	v3 =	vadd.s32 v1, v3  }
0x55: {  	[hbm4b:s3+s2] =	stream.indirect_vreg.scatter [tilespmem:s23], [sflag:$0x1], $0x80, v4, vm0, $0xb8;
	[tilespmem:$0x6100] =	vst v63  }
0x56: {  	_ = 	snop  }
0x57: {  	[hbm4b:s7+s2] =	stream.indirect_vreg.scatter [tilespmem:s24], [sflag:$0x1], $0x80, v4, vm1, $0xb8;
	[tilespmem:$0x6100] =	vst v63  }
0x58: {  	_ = 	snop  }
0x59: {  	[hbm4b:s3+s2] =	stream.indirect_vreg.scatter [tilespmem:s25], [sflag:$0x1], $0x80, v3, vm0, $0xb8;
	[tilespmem:$0x6100] =	vst v63  }
0x5a: {  	_ = 	snop  }
0x5b: {  	[hbm4b:s7+s2] =	stream.indirect_vreg.scatter [tilespmem:s26], [sflag:$0x1], $0x80, v3, vm1, $0xb8;
	[tilespmem:$0x6100] =	vst v63  }
0x5c: {  	_ =	swait.ge [sflag:s28], $0x6000  }
0x5d: {  	[sflag:s28] =	ssyncset.done $0x0  }
0x5e: {  	[sflag:s28] =	ssyncadd.s32 $0xFFFFA000  }
0x5f: {  	v3 =	vld [tilespmem:$0x80];
	_ =	sdelay $0x4  }
0x60: {  	v60 =	vshrl.u32 v3, $0x3  }
0x61: {  	v4 =	vmul.u32 $0x18, v60  }
0x62: {  	v3 =	vand.u32 $0x7, v3  }
0x63: {  	v3 =	vor.u32 v3, v4  }
0x64: {  	v4 =	vperm.xlane v3, v0;
	_ =	sdelay $0x1  }
0x65: {  	v4 =	vadd.s32 v1, v4;
	_ =	sdelay $0x1  }
0x66: {  	v3 =	vperm.xlane v3, v2;
	_ =	sdelay $0x1  }
0x67: {  	v3 =	vadd.s32 v1, v3  }
0x68: {  	[hbm4b:s3+s2] =	stream.indirect_vreg.scatter [tilespmem:s9], [sflag:$0x1], $0x80, v4, vm0, $0xb8;
	[tilespmem:$0x6100] =	vst v63  }
0x69: {  	_ = 	snop  }
0x6a: {  	[hbm4b:s7+s2] =	stream.indirect_vreg.scatter [tilespmem:s12], [sflag:$0x1], $0x80, v4, vm1, $0xb8;
	[tilespmem:$0x6100] =	vst v63  }
0x6b: {  	_ = 	snop  }
0x6c: {  	[hbm4b:s3+s2] =	stream.indirect_vreg.scatter [tilespmem:s13], [sflag:$0x1], $0x80, v3, vm0, $0xb8;
	[tilespmem:$0x6100] =	vst v63  }
0x6d: {  	_ = 	snop  }
0x6e: {  	[hbm4b:s7+s2] =	stream.indirect_vreg.scatter [tilespmem:s14], [sflag:$0x1], $0x80, v3, vm1, $0xb8;
	[tilespmem:$0x6100] =	vst v63  }
0x6f: {  	v3 =	vld [tilespmem:$0x90];
	_ =	sdelay $0x4  }
0x70: {  	v61 =	vshrl.u32 v3, $0x3  }
0x71: {  	v4 =	vmul.u32 $0x18, v61  }
0x72: {  	v3 =	vand.u32 $0x7, v3  }
0x73: {  	v3 =	vor.u32 v3, v4  }
0x74: {  	v4 =	vperm.xlane v3, v0;
	_ =	sdelay $0x1  }
0x75: {  	v4 =	vadd.s32 v1, v4;
	_ =	sdelay $0x1  }
0x76: {  	v3 =	vperm.xlane v3, v2;
	_ =	sdelay $0x1  }
0x77: {  	v3 =	vadd.s32 v1, v3  }
0x78: {  	[hbm4b:s3+s2] =	stream.indirect_vreg.scatter [tilespmem:s15], [sflag:$0x1], $0x80, v4, vm0, $0xb8;
	[tilespmem:$0x6100] =	vst v63  }
0x79: {  	_ = 	snop  }
0x7a: {  	[hbm4b:s7+s2] =	stream.indirect_vreg.scatter [tilespmem:s16], [sflag:$0x1], $0x80, v4, vm1, $0xb8;
	[tilespmem:$0x6100] =	vst v63  }
0x7b: {  	_ = 	snop  }
0x7c: {  	[hbm4b:s3+s2] =	stream.indirect_vreg.scatter [tilespmem:s17], [sflag:$0x1], $0x80, v3, vm0, $0xb8;
	[tilespmem:$0x6100] =	vst v63  }
0x7d: {  	_ = 	snop  }
0x7e: {  	[hbm4b:s7+s2] =	stream.indirect_vreg.scatter [tilespmem:s18], [sflag:$0x1], $0x80, v3, vm1, $0xb8;
	[tilespmem:$0x6100] =	vst v63  }
0x7f: {  	v3 =	vld [tilespmem:$0xA0];
	_ =	sdelay $0x4  }
0x80: {  	v62 =	vshrl.u32 v3, $0x3  }
0x81: {  	v4 =	vmul.u32 $0x18, v62  }
0x82: {  	v3 =	vand.u32 $0x7, v3  }
0x83: {  	v3 =	vor.u32 v3, v4  }
0x84: {  	v4 =	vperm.xlane v3, v0;
	_ =	sdelay $0x1  }
0x85: {  	v4 =	vadd.s32 v1, v4;
	_ =	sdelay $0x1  }
0x86: {  	v3 =	vperm.xlane v3, v2;
	_ =	sdelay $0x1  }
0x87: {  	v3 =	vadd.s32 v1, v3  }
0x88: {  	[hbm4b:s3+s2] =	stream.indirect_vreg.scatter [tilespmem:s19], [sflag:$0x1], $0x80, v4, vm0, $0xb8;
	[tilespmem:$0x6100] =	vst v63  }
0x89: {  	_ = 	snop  }
0x8a: {  	[hbm4b:s7+s2] =	stream.indirect_vreg.scatter [tilespmem:s20], [sflag:$0x1], $0x80, v4, vm1, $0xb8;
	[tilespmem:$0x6100] =	vst v63  }
0x8b: {  	_ = 	snop  }
0x8c: {  	[hbm4b:s3+s2] =	stream.indirect_vreg.scatter [tilespmem:s21], [sflag:$0x1], $0x80, v3, vm0, $0xb8;
	[tilespmem:$0x6100] =	vst v63  }
0x8d: {  	_ = 	snop  }
0x8e: {  	[hbm4b:s7+s2] =	stream.indirect_vreg.scatter [tilespmem:s22], [sflag:$0x1], $0x80, v3, vm1, $0xb8;
	[tilespmem:$0x6100] =	vst v63  }
0x8f: {  	v3 =	vld [tilespmem:$0xB0];
	_ =	sdelay $0x4  }
0x90: {  	v63 =	vshrl.u32 v3, $0x3  }
0x91: {  	v4 =	vmul.u32 $0x18, v63  }
0x92: {  	v3 =	vand.u32 $0x7, v3  }
0x93: {  	v3 =	vor.u32 v3, v4  }
0x94: {  	v4 =	vperm.xlane v3, v0;
	_ =	sdelay $0x1  }
0x95: {  	v4 =	vadd.s32 v1, v4;
	_ =	sdelay $0x1  }
0x96: {  	v3 =	vperm.xlane v3, v2;
	_ =	sdelay $0x1  }
0x97: {  	v3 =	vadd.s32 v1, v3  }
0x98: {  	[hbm4b:s3+s2] =	stream.indirect_vreg.scatter [tilespmem:s23], [sflag:$0x1], $0x80, v4, vm0, $0xb8;
	[tilespmem:$0x6100] =	vst v63  }
0x99: {  	_ = 	snop  }
0x9a: {  	[hbm4b:s7+s2] =	stream.indirect_vreg.scatter [tilespmem:s24], [sflag:$0x1], $0x80, v4, vm1, $0xb8;
	[tilespmem:$0x6100] =	vst v63  }
0x9b: {  	p0 =	sne.s32 s8, $0x1  }
0x9c: {  	[hbm4b:s3+s2] =	stream.indirect_vreg.scatter [tilespmem:s25], [sflag:$0x1], $0x80, v3, vm0, $0xb8;
	[tilespmem:$0x6100] =	vst v63  }
.Ltmp0:
0x9d: {  	_ = 	snop;
	(pc) =	sbr.rel @p0 .LBB2_1-.Ltmp0, $4  }
0x9e: {  	[hbm4b:s7+s2] =	stream.indirect_vreg.scatter [tilespmem:s26], [sflag:$0x1], $0x80, v3, vm1, $0xb8;
	[tilespmem:$0x6100] =	vst v63  }
0x9f: {  	_ =	swait.ge [sflag:s28], $0x6000  }
0xa0: {  	[sflag:s28] =	ssyncset.done $0x0  }
0xa1: {  	s8 =	sadd.s32 $0xFFFFFFFF, s8;
	[sflag:s28] =	ssyncadd.s32 $0xFFFFA000  }
0xa2: {  	_ =	sfence.sel $0x180000  }
0xa3: {  	[bflag:$0x0] =	sbarrier.arrive $0xFFFF  }
0xa4: {  	p0 =	sne.s32 s1, $0x0;
	_ =	strace $0x90000047  }
0xa5: {  	s0 =	sadd.s32 @!p0 $0x100000, s0;
	[bflag:$0x2] =	sbarrier.arrive $0xFFFF  }
0xa6: {  	[sflag:s0] =	ssyncadd.tile.s32 @!p0 $0x1;
	_ =	shalt  }
.Lfunc_end2:
_tile_overlayer_lowered:
.L_overlay_start_2:
0xa7: {  	(tag) =	ssettag $0x2  }
0xa8: {  	s0 =	rddreg [dreg:$0x0];
	s2 =	stileid.u32  }
0xa9: {  	s1 =	rddreg [dreg:$0x1];
	p0 =	sne.s32 s2, $0x0  }
0xaa: {  	s3 =	rddreg [dreg:$0x2];
	[bflag:$0x3] =	sbarrier.arrive $0xFFFF;
	s2 =	simm.s32 @!p0 $0x1C02  }
0xab: {  	[timem:s3], [sflag:s2] =	dma.local @!p0 [hbm:s0], s1  }
0xac: {  	s0 =	simm.s32 @!p0 $0x2  }
0xad: {  	_ =	swait.ge @!p0 [sflag:s0], s1  }
0xae: {  	s1 =	ssub.s32 @!p0 $0x0, s1;
	[sflag:s0] =	ssyncset.done @!p0 $0x0  }
0xaf: {  	[sflag:s0] =	ssyncadd.s32 @!p0 s1  }
0xb0: {  	[bflag:$0x3] =	sbarrier.arrive $0xFFFF  }
0xb1: {  	_ =	shalt  }

// kernel: kernel.9.cloned.1.call-start
scs
__scs_entry_jumppad:
0x0: {  	(pc) =	sbr.rel $0x88, $3  }
0x1: {  	(tag) =	ssettag $0x0;
	lr =	simm.s32 $0x1  }
0x2: {  	[smem:$0x3F9C] =	sst lr;
	_ =	strace $0xD0000000  }
0x3: {  	_ = 	snop  }
0x4: {  	_ = 	snop  }
0x5: {  	_ = 	snop  }
0x6: {  	_ = 	snop  }
0x7: {  	_ = 	snop  }
__scs_overlays_trampoline_lowered:
0x8: {  	[smem:$0x3FAB] =	sst s0  }
0x9: {  	[smem:$0x3FAC] =	sst s1  }
0xa: {  	[smem:$0x3FAD] =	sst s2  }
0xb: {  	[smem:$0x3FAE] =	sst s3  }
0xc: {  	[smem:$0x3FAF] =	sst s4  }
0xd: {  	[smem:$0x3FB0] =	sst s5  }
0xe: {  	[smem:$0x3FB1] =	sst s6  }
0xf: {  	[smem:$0x3FB2] =	sst s7  }
0x10: {  	[smem:$0x3FB3] =	sst s8  }
0x11: {  	[smem:$0x3FB4] =	sst s9;
	s0 =	simm.s32 @!p0 $0x0  }
0x12: {  	s1 =	sld [smem:$0x3F9A];
	s0 =	simm.s32 @p0 $0x1  }
0x13: {  	[smem:$0x3FB5] =	sst s0;
	s0 =	simm.s32 @!p1 $0x0  }
0x14: {  	s2 =	sld [smem:$0x3F99];
	s0 =	simm.s32 @p1 $0x1  }
0x15: {  	[smem:$0x3FB6] =	sst s0;
	s0 =	simm.s32 @!p2 $0x0  }
0x16: {  	s3 =	sld [smem:$0x3FDB];
	s0 =	simm.s32 @p2 $0x1  }
0x17: {  	s4 =	simm.s32 $0x1BF5;
	[smem:$0x3FB8] =	sst s0  }
0x18: {  	s0 =	sld [smem:$0x3F9B];
	_ =	swait.ge [sflag:s4], $0x0  }
0x19: {  	s7 =	sld [smem:$0x3F9C]  }
0x1a: {  	s8 =	sadd.s32 $0xFFFFE003, lr  }
0x1b: {  	s9 =	sadd.s32 $0xFFFFFEF7, lr;
	s5 =	simm.s32 $0xFFFFFFFF;
	p2 =	slt.u32 s8, $0xFFFFF086  }
0x1c: {  	p1 =	slt.u32 s9, $0xF7A;
	s5 =	simm.s32 @!p2 $0x0  }
0x1d: {  	s5 =	simm.s32 @p1 $0x1;
	p0 =	seq.s32 s7, s2  }
0x1e: {  	s7 =	smul.u32 @!p0 $0xF7A, s2;
	p2 =	seq.s32 @!p0 s5, $0x0  }
0x1f: {  	s9 =	smul.u32 $0xF7A, s1;
	s8 =	simm.s32 @!p0 $0x1BF5;
	p2 =	por !p2, p0  }
0x20: {  	[sflag:s8] =	ssyncset.s32 @!p0 $0xFFFFF086;
	s6 =	sadd.s32 @!p0 s3, s7;
	s7 =	simm.s32 @!p0 $0x108  }
0x21: {  	s3 =	sadd.s32 s3, s9;
	s6 =	sadd.s32 @!p0 $0x88, s6;
	s7 =	simm.s32 @p2 $0x1082  }
0x22: {  	[simem:s7], [sflag:s8] =	dma.local @!p0 [hbm:s6], $0xF7A  }
0x23: {  	s9 =	sor.u32 $0xD0000000, s2;
	s6 =	simm.s32 $0x108;
	_ =	swait.ge @!p0 [sflag:s8], $0x0  }
0x24: {  	s3 =	sadd.s32 $0x88, s3;
	s6 =	simm.s32 @!p1 $0x1082;
	[sflag:s4] =	ssyncset.s32 $0xFFFFF086  }
0x25: {  	[simem:s6], [sflag:s4] =	dma.local [hbm:s3], $0xF7A  }
0x26: {  	[smem:$0x3F9C] =	sst s1;
	(tag) =	ssettag s2;
	_ =	strace s9  }
0x27: {  	s1 =	sld [smem:$0x3FAC]  }
0x28: {  	s2 =	sld [smem:$0x3FAD]  }
0x29: {  	s4 =	sld [smem:$0x3FAF]  }
0x2a: {  	p0 =	seq.s32 s5, $0x0;
	s5 =	sld [smem:$0x3FB0]  }
0x2b: {  	s6 =	sld [smem:$0x3FB1]  }
0x2c: {  	s7 =	sld [smem:$0x3FB2]  }
0x2d: {  	s3 =	simm.s32 $0x108;
	s8 =	sld [smem:$0x3FB3]  }
0x2e: {  	s3 =	simm.s32 @!p0 $0x1082;
	s9 =	sld [smem:$0x3FB4]  }
0x2f: {  	lr =	sadd.s32 s0, s3;
	s0 =	sld [smem:$0x3FAB]  }
0x30: {  	s3 =	sld [smem:$0x3FAE]  }
0x31: {  	[smem:$0x3FB7] =	sst s10  }
0x32: {  	s10 =	sld [smem:$0x3FB5];
	_ =	sdelay $0x3  }
0x33: {  	p0 =	seq.s32 s10, $0x1;
	s10 =	sld [smem:$0x3FB7];
	_ =	sdelay $0x3  }
0x34: {  	[smem:$0x3FB7] =	sst s10  }
0x35: {  	s10 =	sld [smem:$0x3FB6];
	_ =	sdelay $0x3  }
0x36: {  	p1 =	seq.s32 s10, $0x1;
	s10 =	sld [smem:$0x3FB7];
	_ =	sdelay $0x3  }
0x37: {  	[smem:$0x3FB7] =	sst s10  }
0x38: {  	s10 =	sld [smem:$0x3FB8]  }
0x39: {  	_ = 	snop;
	(pc) =	sbr.ind lr, $3  }
0x3a: {  	_ = 	snop  }
0x3b: {  	_ = 	snop  }
0x3c: {  	p2 =	seq.s32 s10, $0x1;
	s10 =	sld [smem:$0x3FB7]  }
0x3d: {  	_ =	shalt  }
0x3e: {  	_ =	shalt  }
0x3f: {  	_ =	shalt  }
0x40: {  	_ =	shalt  }
0x41: {  	_ =	shalt  }
0x42: {  	_ =	shalt  }
0x43: {  	_ =	shalt  }
0x44: {  	_ =	shalt  }
0x45: {  	_ =	shalt  }
0x46: {  	_ =	shalt  }
0x47: {  	_ =	shalt  }
0x48: {  	_ =	shalt  }
0x49: {  	_ =	shalt  }
0x4a: {  	_ =	shalt  }
0x4b: {  	_ =	shalt  }
0x4c: {  	_ =	shalt  }
0x4d: {  	_ =	shalt  }
0x4e: {  	_ =	shalt  }
0x4f: {  	_ =	shalt  }
0x50: {  	_ =	shalt  }
0x51: {  	_ =	shalt  }
0x52: {  	_ =	shalt  }
0x53: {  	_ =	shalt  }
0x54: {  	_ =	shalt  }
0x55: {  	_ =	shalt  }
0x56: {  	_ =	shalt  }
0x57: {  	_ =	shalt  }
0x58: {  	_ =	shalt  }
0x59: {  	_ =	shalt  }
0x5a: {  	_ =	shalt  }
0x5b: {  	_ =	shalt  }
0x5c: {  	_ =	shalt  }
0x5d: {  	_ =	shalt  }
0x5e: {  	_ =	shalt  }
0x5f: {  	_ =	shalt  }
0x60: {  	_ =	shalt  }
0x61: {  	_ =	shalt  }
0x62: {  	_ =	shalt  }
0x63: {  	_ =	shalt  }
0x64: {  	_ =	shalt  }
0x65: {  	_ =	shalt  }
0x66: {  	_ =	shalt  }
0x67: {  	_ =	shalt  }
0x68: {  	_ =	shalt  }
0x69: {  	_ =	shalt  }
0x6a: {  	_ =	shalt  }
0x6b: {  	_ =	shalt  }
0x6c: {  	_ =	shalt  }
0x6d: {  	_ =	shalt  }
0x6e: {  	_ =	shalt  }
0x6f: {  	_ =	shalt  }
0x70: {  	_ =	shalt  }
0x71: {  	_ =	shalt  }
0x72: {  	_ =	shalt  }
0x73: {  	_ =	shalt  }
0x74: {  	_ =	shalt  }
0x75: {  	_ =	shalt  }
0x76: {  	_ =	shalt  }
0x77: {  	_ =	shalt  }
0x78: {  	_ =	shalt  }
0x79: {  	_ =	shalt  }
0x7a: {  	_ =	shalt  }
0x7b: {  	_ =	shalt  }
0x7c: {  	_ =	shalt  }
0x7d: {  	_ =	shalt  }
0x7e: {  	_ =	shalt  }
0x7f: {  	_ =	shalt  }
0x80: {  	_ =	shalt  }
0x81: {  	_ =	shalt  }
0x82: {  	_ =	shalt  }
0x83: {  	_ =	shalt  }
0x84: {  	_ =	shalt  }
0x85: {  	_ =	shalt  }
0x86: {  	_ =	shalt  }
0x87: {  	_ =	shalt  }
.Lfunc_end0:
.L_simem_size_0:
called_computation.1_lowered:
.L_overlay_start_0:
0x88: {  	s2 =	sld [smem:$0x3FD9]  }
0x89: {  	s3 =	sld [smem:$0x3FFE];
	_ =	sdelay $0x1  }
0x8a: {  	s1 =	srdreg.scid  }
0x8b: {  	s0 =	sand.u32 $0x1, s1  }
0x8c: {  	s14 =	sshll.u32 s0, $0xA;
	s2 =	sadd.s32 s3, s2  }
0x8d: {  	s2 =	sadd.s32 s2, s14  }
0x8e: {  	[smem:$0x3FC3] =	sst s2  }
0x8f: {  	_ = 	snop  }
0x90: {  	s2 =	sld [smem:$0x3FD0];
	_ =	sdelay $0x2  }
0x91: {  	s15 =	simm.s32 $0xA;
	s4 =	simm.s32 $0x10  }
0x92: {  	[smem:s4], [sflag:s15] =	dma.local [hbm:s2], $0x1  }
0x93: {  	_ =	swait.eq [sflag:s15], $0x1  }
0x94: {  	[sflag:s15] =	ssyncset.done $0x0  }
0x95: {  	[sflag:s15] =	ssyncadd.s32 $0xFFFFFFFF  }
0x96: {  	s16 =	sld [smem:$0x10];
	(tm) =	ssettm $0x1  }
0x97: {  	s17 =	sld [smem:$0x3FFB];
	_ =	sdelay $0x3  }
0x98: {  	_ =	strace s17  }
0x99: {  	s3 =	sld [smem:$0x3FFC];
	_ =	sdelay $0x3  }
0x9a: {  	_ =	strace s3  }
0x9b: {  	s3 =	sld [smem:$0x3FFD];
	_ =	sdelay $0x3  }
0x9c: {  	_ =	strace s3  }
0x9d: {  	_ =	strace $0x8FFFFFFF  }
0x9e: {  	s18 =	sld [smem:$0x3FDB];
	_ =	sdelay $0x1  }
0x9f: {  	s19 =	simm.s32 $_scs_section_size  }
0xa0: {  	s5 =	simm.s32 $_size__tile_overlayer_lowered;
	s6 =	simm.s32 $_tile_overlayer_lowered  }
0xa1: {  	s22 =	simm.s32 $0x1BFF;
	s21 =	sshll.u32 s6, $0x1;
	s3 =	sadd.s32 s19, s18  }
0xa2: {  	s7 =	simm.s32 $0x0;
	s20 =	sshll.u32 s5, $0x1;
	s5 =	sadd.s32 s21, s3  }
0xa3: {  	[timem:s7], [sflag:s22] =	dma.local [hbm:s5], s20  }
0xa4: {  	_ =	swait.ge [sflag:s22], s20  }
0xa5: {  	s4 =	ssub.s32 $0x0, s20;
	[sflag:s22] =	ssyncset.done $0x0  }
0xa6: {  	[sflag:s22] =	ssyncadd.s32 s4;
	_ =	sdelay $0x1  }
0xa7: {  	s23 =	simm.s32 $0x1B8B  }
0xa8: {  	_ =	swait.ge [sflag:s23], $0x1  }
0xa9: {  	[sflag:s23] =	ssyncset.done $0x0  }
0xaa: {  	s25 =	simm.s32 $0x1B8E;
	s24 =	sld [smem:$0x3FFE];
	[sflag:s23] =	ssyncadd.s32 $0xFFFFFFFF  }
0xab: {  	s26 =	simm.s32 $execute0_lowered;
	[smem:$0x3FD2] =	sst s25  }
0xac: {  	s5 =	sshll.u32 s26, $0x1;
	_ =	strace $0x80000049;
	[dreg:$0x1] =	wrdreg $0xFFFFFFFF  }
0xad: {  	s28 =	simm.s32 $_size_execute0_lowered;
	s3 =	sadd.s32 s3, s5;
	[dreg:$0x0] =	wrdreg $0x0  }
0xae: {  	s5 =	sshll.u32 s28, $0x1;
	[dreg:$0x2] =	wrdreg s3  }
0xaf: {  	[dreg:$0x3] =	wrdreg s5  }
0xb0: {  	[dreg:$0x4] =	wrdreg $0xC0  }
0xb1: {  	_ =	task [dreg:s7], $0x5FFFF  }
0xb2: {  	[dreg:$0x1] =	wrdreg $0xFFFFFFFF  }
0xb3: {  	[dreg:$0x0] =	wrdreg $0x60  }
0xb4: {  	[dreg:$0x2] =	wrdreg s24  }
0xb5: {  	[dreg:$0x3] =	wrdreg s16  }
0xb6: {  	[dreg:$0x4] =	wrdreg $0x9  }
0xb7: {  	_ =	task.clear_ibuf [dreg:s7], $0x5FFFF;
	_ =	strace $0x90000049  }
0xb8: {  	s29 =	simm.s32 $0x9;
	_ =	strace $0x8000004B  }
0xb9: {  	_ =	swait.ge [sflag:s29], $0x1  }
0xba: {  	[sflag:s29] =	ssyncadd.s32 $0xFFFFFFFF  }
0xbb: {  	_ =	strace $0x9000004B  }
0xbc: {  	_ =	sfence  }
0xbd: {  	s30 =	sld [smem:$0x0];
	_ =	sdelay $0x2  }
0xbe: {  	s31 =	sshll.u32 s1, $0xD;
	s1 =	sshrl.u32 s1, $0x2  }
0xbf: {  	s3 =	sand.u32 $0x4000, s31;
	s1 =	sadd.s32 s1, s30  }
0xc0: {  	s0 =	sor.u32 s3, s0;
	s1 =	sshll.u32 s1, $0x11  }
0xc1: {  	s0 =	sor.u32 s1, s0  }
0xc2: {  	s0 =	sadd.s32 $0x8F2B, s0  }
0xc3: {  	[sflag:s0] =	ssyncadd.remote.s32 $0x1  }
0xc4: {  	_ =	sfence.sel $0xFFFF  }
0xc5: {  	[dreg:$0x0] =	wrdreg $0xFFFFFFFF;
	(pc) =	sbr.abs _section_cstart, $3  }
0xc6: {  	[dreg:$0x1] =	wrdreg $0xFFFFFFFF  }
0xc7: {  	_ =	task.clear_ibuf [dreg:s7], $0x2FFFF;
	_ =	strace $0x9FFFFFFF  }
0xc8: {  	(tm) =	ssettm $0x7FFFFFFF  }
0xc9: {  	_ =	shalt  }
tec
execute0_lowered:
.L_overlay_start_1:
0x0: {  	(tag) =	ssettag $0x1  }
0x1: {  	s0 =	rddreg [dreg:$0x0]  }
0x2: {  	s1 =	rddreg [dreg:$0x1]  }
0x3: {  	s3 =	srdreg.scid;
	s2 =	simm.s32 $0x0;
	s5 =	stileid.u32  }
0x4: {  	s30 =	simm.s32 $0x1;
	s14 =	simm.s32 $0xC100;
	s15 =	simm.s32 $0xC500  }
0x5: {  	s16 =	simm.s32 $0xCD00;
	s17 =	simm.s32 $0xD100;
	s18 =	simm.s32 $0xD900  }
0x6: {  	s19 =	simm.s32 $0xDD00;
	s20 =	simm.s32 $0xE500;
	s21 =	simm.s32 $0xE900  }
0x7: {  	s22 =	simm.s32 $0xF100;
	s23 =	simm.s32 $0xF500;
	s24 =	simm.s32 $0xFD00  }
0x8: {  	s25 =	simm.s32 $0x10100;
	s26 =	simm.s32 $0x0;
	s4 =	sand.u32 $0x1, s3  }
0x9: {  	[smem:$0x7FF] =	sst s2;
	s5 =	sshll.u32 s5, $0x7;
	s6 =	sshll.u32 s4, $0x6  }
0xa: {  	s3 =	sadd.s32 $0x400, s0;
	s7 =	ssub.s32 $0x2, s4;
	s5 =	sor.u32 s6, s5  }
0xb: {  	v0 =	vlaneseq.u32;
	_ =	strace $0x8000004A;
	s31 =	sshrl.u32 s7, $0x1;
	s6 =	sshll.u32 s5, $0x4  }
0xc: {  	v1 =	vshrl.u32 v0, $0x3;
	v2 =	vand.u32 $0x7, v0;
	s8 =	sshrl.u32 s5, $0x3;
	s10 =	ssub.s32 s7, s31;
	s9 =	sadd.s32 s6, s0  }
0xd: {  	v0 =	vor.u32 $0x8, v0;
	[tilespmem:$0x1FFD0] =	vst v2;
	v1 =	vmul.u32 $0x8, v1;
	s4 =	sadd.s32 s0, s8;
	s11 =	smul.u32 $0x180, s8;
	s8 =	sadd.s32 $0x500, s0  }
0xe: {  	[tilespmem:$0x1FFF0] =	vst v0;
	s10 =	smax.u32 s10, $0x1;
	s5 =	sadd.s32 $0x200, s4;
	s6 =	sadd.s32 $0x3C400, s9  }
0xf: {  	vm0 =	vmmov $0xffff;
	vm1 =	vmmov $0xff;
	[tilespmem:$0x1FFE0] =	vst v1;
	s7 =	sadd.s32 $0x44400, s9;
	s9 =	sadd.s32 s1, s11;
	s11 =	simm.s32 $0x2  }
.LBB2_1:
0x10: {  	[tilespmem:s2], [sflag:$0x2] =	stream.linear.gather [hbm4b:s4+s2], $0x40, $0x38;
	[tilespmem:$0x16100] =	vst v63  }
0x11: {  	_ =	swait.ge [sflag:s11], $0x40  }
0x12: {  	[sflag:s11] =	ssyncset.done $0x0  }
0x13: {  	s0 =	simm.s32 $0x80;
	[sflag:s11] =	ssyncadd.s32 $0xFFFFFFC0  }
0x14: {  	[tilespmem:s0], [sflag:$0x2] =	stream.linear.gather [hbm4b:s5+s2], $0x40, $0x38;
	[tilespmem:$0x16100] =	vst v63  }
0x15: {  	_ =	swait.ge [sflag:s11], $0x40  }
0x16: {  	[sflag:s11] =	ssyncset.done $0x0  }
0x17: {  	s28 =	simm.s32 $0x100;
	[sflag:s11] =	ssyncadd.s32 $0xFFFFFFC0  }
0x18: {  	[tilespmem:s28], [sflag:$0x2] =	stream.linear.gather [hbm4b:s6+s2], $0x2000, $0x38;
	[tilespmem:$0x16100] =	vst v63  }
0x19: {  	_ =	swait.ge [sflag:s11], $0x2000  }
0x1a: {  	[sflag:s11] =	ssyncset.done $0x0  }
0x1b: {  	s29 =	simm.s32 $0x2100;
	[sflag:s11] =	ssyncadd.s32 $0xFFFFE000  }
0x1c: {  	[tilespmem:s29], [sflag:$0x2] =	stream.linear.gather [hbm4b:s7+s2], $0x2000, $0x38;
	[tilespmem:$0x16100] =	vst v63  }
0x1d: {  	_ =	swait.ge [sflag:s11], $0x2000  }
0x1e: {  	[sflag:s11] =	ssyncset.done $0x0  }
0x1f: {  	[sflag:s11] =	ssyncadd.s32 $0xFFFFE000  }
0x20: {  	v0 =	vld [tilespmem:$0x0];
	_ =	sdelay $0x3  }
0x21: {  	v2 =	vld [tilespmem:$0x1FFD0]  }
0x22: {  	v1 =	vshrl.u32 v0, $0x3  }
0x23: {  	v3 =	vld [tilespmem:$0x1FFE0];
	v1 =	vmul.u32 $0x18, v1  }
0x24: {  	v0 =	vand.u32 $0x7, v0  }
0x25: {  	v4 =	vld [tilespmem:$0x1FFF0];
	v0 =	vor.u32 v0, v1  }
0x26: {  	v1 =	vperm.xlane v0, v2;
	_ =	sdelay $0x1  }
0x27: {  	v1 =	vadd.s32 v3, v1;
	_ =	sdelay $0x1  }
0x28: {  	v0 =	vperm.xlane v0, v4;
	_ =	sdelay $0x1  }
0x29: {  	s12 =	simm.s32 $0x4100;
	v0 =	vadd.s32 v3, v0  }
0x2a: {  	[tilespmem:s12], [sflag:$0x1] =	stream.indirect_vreg.gather [hbm4b:s3+s2], $0x80, v1, vm0, $0xb8;
	[tilespmem:$0x16100] =	vst v63  }
0x2b: {  	s13 =	simm.s32 $0x4900  }
0x2c: {  	[tilespmem:s13], [sflag:$0x1] =	stream.indirect_vreg.gather [hbm4b:s8+s2], $0x80, v1, vm1, $0xb8;
	[tilespmem:$0x16100] =	vst v63  }
0x2d: {  	s1 =	simm.s32 $0x4D00  }
0x2e: {  	[tilespmem:s1], [sflag:$0x1] =	stream.indirect_vreg.gather [hbm4b:s3+s2], $0x80, v0, vm0, $0xb8;
	[tilespmem:$0x16100] =	vst v63  }
0x2f: {  	s12 =	simm.s32 $0x5500  }
0x30: {  	[tilespmem:s12], [sflag:$0x1] =	stream.indirect_vreg.gather [hbm4b:s8+s2], $0x80, v0, vm1, $0xb8;
	[tilespmem:$0x16100] =	vst v63  }
0x31: {  	v0 =	vld [tilespmem:$0x10];
	_ =	sdelay $0x4  }
0x32: {  	v1 =	vshrl.u32 v0, $0x3  }
0x33: {  	v1 =	vmul.u32 $0x18, v1  }
0x34: {  	v0 =	vand.u32 $0x7, v0  }
0x35: {  	v0 =	vor.u32 v0, v1  }
0x36: {  	v1 =	vperm.xlane v0, v2;
	_ =	sdelay $0x1  }
0x37: {  	v1 =	vadd.s32 v3, v1;
	_ =	sdelay $0x1  }
0x38: {  	v0 =	vperm.xlane v0, v4;
	_ =	sdelay $0x1  }
0x39: {  	s13 =	simm.s32 $0x5900;
	v0 =	vadd.s32 v3, v0  }
0x3a: {  	[tilespmem:s13], [sflag:$0x1] =	stream.indirect_vreg.gather [hbm4b:s3+s2], $0x80, v1, vm0, $0xb8;
	[tilespmem:$0x16100] =	vst v63  }
0x3b: {  	s1 =	simm.s32 $0x6100  }
0x3c: {  	[tilespmem:s1], [sflag:$0x1] =	stream.indirect_vreg.gather [hbm4b:s8+s2], $0x80, v1, vm1, $0xb8;
	[tilespmem:$0x16100] =	vst v63  }
0x3d: {  	s12 =	simm.s32 $0x6500  }
0x3e: {  	[tilespmem:s12], [sflag:$0x1] =	stream.indirect_vreg.gather [hbm4b:s3+s2], $0x80, v0, vm0, $0xb8;
	[tilespmem:$0x16100] =	vst v63  }
0x3f: {  	s13 =	simm.s32 $0x6D00  }
0x40: {  	[tilespmem:s13], [sflag:$0x1] =	stream.indirect_vreg.gather [hbm4b:s8+s2], $0x80, v0, vm1, $0xb8;
	[tilespmem:$0x16100] =	vst v63  }
0x41: {  	v0 =	vld [tilespmem:$0x20];
	_ =	sdelay $0x4  }
0x42: {  	v1 =	vshrl.u32 v0, $0x3  }
0x43: {  	v1 =	vmul.u32 $0x18, v1  }
0x44: {  	v0 =	vand.u32 $0x7, v0  }
0x45: {  	v0 =	vor.u32 v0, v1  }
0x46: {  	v1 =	vperm.xlane v0, v2;
	_ =	sdelay $0x1  }
0x47: {  	v1 =	vadd.s32 v3, v1;
	_ =	sdelay $0x1  }
0x48: {  	v0 =	vperm.xlane v0, v4;
	_ =	sdelay $0x1  }
0x49: {  	s1 =	simm.s32 $0x7100;
	v0 =	vadd.s32 v3, v0  }
0x4a: {  	[tilespmem:s1], [sflag:$0x1] =	stream.indirect_vreg.gather [hbm4b:s3+s2], $0x80, v1, vm0, $0xb8;
	[tilespmem:$0x16100] =	vst v63  }
0x4b: {  	s12 =	simm.s32 $0x7900  }
0x4c: {  	[tilespmem:s12], [sflag:$0x1] =	stream.indirect_vreg.gather [hbm4b:s8+s2], $0x80, v1, vm1, $0xb8;
	[tilespmem:$0x16100] =	vst v63  }
0x4d: {  	s13 =	simm.s32 $0x7D00  }
0x4e: {  	[tilespmem:s13], [sflag:$0x1] =	stream.indirect_vreg.gather [hbm4b:s3+s2], $0x80, v0, vm0, $0xb8;
	[tilespmem:$0x16100] =	vst v63  }
0x4f: {  	s1 =	simm.s32 $0x8500  }
0x50: {  	[tilespmem:s1], [sflag:$0x1] =	stream.indirect_vreg.gather [hbm4b:s8+s2], $0x80, v0, vm1, $0xb8;
	[tilespmem:$0x16100] =	vst v63  }
0x51: {  	v0 =	vld [tilespmem:$0x30];
	_ =	sdelay $0x4  }
0x52: {  	v1 =	vshrl.u32 v0, $0x3  }
0x53: {  	v1 =	vmul.u32 $0x18, v1  }
0x54: {  	v0 =	vand.u32 $0x7, v0  }
0x55: {  	v0 =	vor.u32 v0, v1  }
0x56: {  	v1 =	vperm.xlane v0, v2;
	_ =	sdelay $0x1  }
0x57: {  	v1 =	vadd.s32 v3, v1;
	_ =	sdelay $0x1  }
0x58: {  	v0 =	vperm.xlane v0, v4;
	_ =	sdelay $0x1  }
0x59: {  	s12 =	simm.s32 $0x8900;
	v0 =	vadd.s32 v3, v0  }
0x5a: {  	[tilespmem:s12], [sflag:$0x1] =	stream.indirect_vreg.gather [hbm4b:s3+s2], $0x80, v1, vm0, $0xb8;
	[tilespmem:$0x16100] =	vst v63  }
0x5b: {  	s13 =	simm.s32 $0x9100  }
0x5c: {  	[tilespmem:s13], [sflag:$0x1] =	stream.indirect_vreg.gather [hbm4b:s8+s2], $0x80, v1, vm1, $0xb8;
	[tilespmem:$0x16100] =	vst v63  }
0x5d: {  	s1 =	simm.s32 $0x9500  }
0x5e: {  	[tilespmem:s1], [sflag:$0x1] =	stream.indirect_vreg.gather [hbm4b:s3+s2], $0x80, v0, vm0, $0xb8;
	[tilespmem:$0x16100] =	vst v63  }
0x5f: {  	s12 =	simm.s32 $0x9D00  }
0x60: {  	[tilespmem:s12], [sflag:$0x1] =	stream.indirect_vreg.gather [hbm4b:s8+s2], $0x80, v0, vm1, $0xb8;
	[tilespmem:$0x16100] =	vst v63  }
0x61: {  	_ =	swait.ge [sflag:s30], $0x6000  }
0x62: {  	[sflag:s30] =	ssyncset.done $0x0  }
0x63: {  	[sflag:s30] =	ssyncadd.s32 $0xFFFFA000  }
0x64: {  	v0 =	vld [tilespmem:$0x80];
	_ =	sdelay $0x4  }
0x65: {  	v1 =	vshrl.u32 v0, $0x3  }
0x66: {  	v1 =	vmul.u32 $0x18, v1  }
0x67: {  	v0 =	vand.u32 $0x7, v0  }
0x68: {  	v0 =	vor.u32 v0, v1  }
0x69: {  	v1 =	vperm.xlane v0, v2;
	_ =	sdelay $0x1  }
0x6a: {  	v1 =	vadd.s32 v3, v1;
	_ =	sdelay $0x1  }
0x6b: {  	v0 =	vperm.xlane v0, v4;
	_ =	sdelay $0x1  }
0x6c: {  	s13 =	simm.s32 $0xA100;
	v0 =	vadd.s32 v3, v0  }
0x6d: {  	[tilespmem:s13], [sflag:$0x1] =	stream.indirect_vreg.gather [hbm4b:s3+s2], $0x80, v1, vm0, $0xb8;
	[tilespmem:$0x16100] =	vst v63  }
0x6e: {  	s1 =	simm.s32 $0xA900  }
0x6f: {  	[tilespmem:s1], [sflag:$0x1] =	stream.indirect_vreg.gather [hbm4b:s8+s2], $0x80, v1, vm1, $0xb8;
	[tilespmem:$0x16100] =	vst v63  }
0x70: {  	s12 =	simm.s32 $0xAD00  }
0x71: {  	[tilespmem:s12], [sflag:$0x1] =	stream.indirect_vreg.gather [hbm4b:s3+s2], $0x80, v0, vm0, $0xb8;
	[tilespmem:$0x16100] =	vst v63  }
0x72: {  	s13 =	simm.s32 $0xB500  }
0x73: {  	[tilespmem:s13], [sflag:$0x1] =	stream.indirect_vreg.gather [hbm4b:s8+s2], $0x80, v0, vm1, $0xb8;
	[tilespmem:$0x16100] =	vst v63  }
0x74: {  	v0 =	vld [tilespmem:$0x90];
	_ =	sdelay $0x4  }
0x75: {  	v1 =	vshrl.u32 v0, $0x3  }
0x76: {  	v1 =	vmul.u32 $0x18, v1  }
0x77: {  	v0 =	vand.u32 $0x7, v0  }
0x78: {  	v0 =	vor.u32 v0, v1  }
0x79: {  	v1 =	vperm.xlane v0, v2;
	_ =	sdelay $0x1  }
0x7a: {  	v1 =	vadd.s32 v3, v1;
	_ =	sdelay $0x1  }
0x7b: {  	v0 =	vperm.xlane v0, v4;
	_ =	sdelay $0x1  }
0x7c: {  	s1 =	simm.s32 $0xB900;
	v0 =	vadd.s32 v3, v0  }
0x7d: {  	[tilespmem:s1], [sflag:$0x1] =	stream.indirect_vreg.gather [hbm4b:s3+s2], $0x80, v1, vm0, $0xb8;
	[tilespmem:$0x16100] =	vst v63  }
0x7e: {  	_ = 	snop  }
0x7f: {  	[tilespmem:s14], [sflag:$0x1] =	stream.indirect_vreg.gather [hbm4b:s8+s2], $0x80, v1, vm1, $0xb8;
	[tilespmem:$0x16100] =	vst v63  }
0x80: {  	_ = 	snop  }
0x81: {  	[tilespmem:s15], [sflag:$0x1] =	stream.indirect_vreg.gather [hbm4b:s3+s2], $0x80, v0, vm0, $0xb8;
	[tilespmem:$0x16100] =	vst v63  }
0x82: {  	_ = 	snop  }
0x83: {  	[tilespmem:s16], [sflag:$0x1] =	stream.indirect_vreg.gather [hbm4b:s8+s2], $0x80, v0, vm1, $0xb8;
	[tilespmem:$0x16100] =	vst v63  }
0x84: {  	v0 =	vld [tilespmem:$0xA0];
	_ =	sdelay $0x4  }
0x85: {  	v1 =	vshrl.u32 v0, $0x3  }
0x86: {  	v1 =	vmul.u32 $0x18, v1  }
0x87: {  	v0 =	vand.u32 $0x7, v0  }
0x88: {  	v0 =	vor.u32 v0, v1  }
0x89: {  	v1 =	vperm.xlane v0, v2;
	_ =	sdelay $0x1  }
0x8a: {  	v1 =	vadd.s32 v3, v1;
	_ =	sdelay $0x1  }
0x8b: {  	v0 =	vperm.xlane v0, v4;
	_ =	sdelay $0x1  }
0x8c: {  	v0 =	vadd.s32 v3, v0  }
0x8d: {  	[tilespmem:s17], [sflag:$0x1] =	stream.indirect_vreg.gather [hbm4b:s3+s2], $0x80, v1, vm0, $0xb8;
	[tilespmem:$0x16100] =	vst v63  }
0x8e: {  	_ = 	snop  }
0x8f: {  	[tilespmem:s18], [sflag:$0x1] =	stream.indirect_vreg.gather [hbm4b:s8+s2], $0x80, v1, vm1, $0xb8;
	[tilespmem:$0x16100] =	vst v63  }
0x90: {  	_ = 	snop  }
0x91: {  	[tilespmem:s19], [sflag:$0x1] =	stream.indirect_vreg.gather [hbm4b:s3+s2], $0x80, v0, vm0, $0xb8;
	[tilespmem:$0x16100] =	vst v63  }
0x92: {  	_ = 	snop  }
0x93: {  	[tilespmem:s20], [sflag:$0x1] =	stream.indirect_vreg.gather [hbm4b:s8+s2], $0x80, v0, vm1, $0xb8;
	[tilespmem:$0x16100] =	vst v63  }
0x94: {  	v0 =	vld [tilespmem:$0xB0];
	_ =	sdelay $0x4  }
0x95: {  	v1 =	vshrl.u32 v0, $0x3  }
0x96: {  	v1 =	vmul.u32 $0x18, v1  }
0x97: {  	v0 =	vand.u32 $0x7, v0  }
0x98: {  	v0 =	vor.u32 v0, v1  }
0x99: {  	v1 =	vperm.xlane v0, v2;
	_ =	sdelay $0x1  }
0x9a: {  	v1 =	vadd.s32 v3, v1;
	_ =	sdelay $0x1  }
0x9b: {  	v0 =	vperm.xlane v0, v4;
	_ =	sdelay $0x1  }
0x9c: {  	v0 =	vadd.s32 v3, v0  }
0x9d: {  	[tilespmem:s21], [sflag:$0x1] =	stream.indirect_vreg.gather [hbm4b:s3+s2], $0x80, v1, vm0, $0xb8;
	[tilespmem:$0x16100] =	vst v63  }
0x9e: {  	_ = 	snop  }
0x9f: {  	[tilespmem:s22], [sflag:$0x1] =	stream.indirect_vreg.gather [hbm4b:s8+s2], $0x80, v1, vm1, $0xb8;
	[tilespmem:$0x16100] =	vst v63  }
0xa0: {  	_ = 	snop  }
0xa1: {  	[tilespmem:s23], [sflag:$0x1] =	stream.indirect_vreg.gather [hbm4b:s3+s2], $0x80, v0, vm0, $0xb8;
	[tilespmem:$0x16100] =	vst v63  }
0xa2: {  	s12 =	simm.s32 $0x0  }
0xa3: {  	[tilespmem:s24], [sflag:$0x1] =	stream.indirect_vreg.gather [hbm4b:s8+s2], $0x80, v0, vm1, $0xb8;
	[tilespmem:$0x16100] =	vst v63  }
0xa4: {  	s0 =	smul.u32 $0xC00, s12;
	_ =	swait.ge [sflag:s30], $0x6000  }
0xa5: {  	s1 =	sand.u32 $0x380, s2;
	[sflag:s30] =	ssyncset.done $0x0  }
0xa6: {  	s1 =	sor.u32 s1, s0;
	[sflag:s30] =	ssyncadd.s32 $0xFFFFA000  }
0xa7: {  	v4 =	vld [tilespmem:s1+$0x4110]  }
0xa8: {  	v0 =	vld [tilespmem:s1+$0x4120]  }
0xa9: {  	v1 =	vld [tilespmem:s1+$0xA120]  }
0xaa: {  	v2 =	vld [tilespmem:s1+$0x4130]  }
0xab: {  	v5 =	vld [tilespmem:s1+$0xA130]  }
0xac: {  	v6 =	vld [tilespmem:s1+$0x4140]  }
0xad: {  	v15 =	vld [tilespmem:s1+$0xA140]  }
0xae: {  	v18 =	vld [tilespmem:s1+$0x4150]  }
0xaf: {  	v22 =	vld [tilespmem:s1+$0xA150]  }
0xb0: {  	v24 =	vld [tilespmem:s1+$0x4160]  }
0xb1: {  	v25 =	vld [tilespmem:s1+$0xA160]  }
0xb2: {  	v27 =	vld [tilespmem:s1+$0x4170]  }
0xb3: {  	v28 =	vld [tilespmem:s1+$0xA170]  }
0xb4: {  	v29 =	vld [tilespmem:s1+$0x4500]  }
0xb5: {  	v32 =	vld [tilespmem:s1+$0xA500];
	v3 =	vshll.u32 v4, $0x10  }
0xb6: {  	v33 =	vld [tilespmem:s1+$0x4510];
	v10 =	vshll.u32 v0, $0x10;
	v9 =	vshll.u32 v1, $0x10;
	v7 =	vand.u32 $0xFFFF0000, v0  }
0xb7: {  	v37 =	vld [tilespmem:s1+$0xA510];
	v8 =	vand.u32 $0xFFFF0000, v1;
	v13 =	vshll.u32 v2, $0x10;
	v14 =	vshll.u32 v5, $0x10  }
0xb8: {  	v38 =	vld [tilespmem:s1+$0x4520];
	v12 =	vand.u32 $0xFFFF0000, v2;
	v11 =	vand.u32 $0xFFFF0000, v5;
	v17 =	vshll.u32 v15, $0x10  }
0xb9: {  	v39 =	vld [tilespmem:s1+$0xA520];
	v16 =	vand.u32 $0xFFFF0000, v6;
	v15 =	vand.u32 $0xFFFF0000, v15;
	v21 =	vshll.u32 v18, $0x10  }
0xba: {  	v41 =	vld [tilespmem:s1+$0x4530];
	v19 =	vshll.u32 v22, $0x10;
	v20 =	vand.u32 $0xFFFF0000, v18;
	v18 =	vand.u32 $0xFFFF0000, v22  }
0xbb: {  	v44 =	vld [tilespmem:s1+$0xA530];
	v23 =	vshll.u32 v24, $0x10;
	v22 =	vshll.u32 v25, $0x10;
	v1 =	vand.u32 $0xFFFF0000, v24  }
0xbc: {  	v54 =	vld [tilespmem:s1+$0x4930];
	v2 =	vand.u32 $0xFFFF0000, v25;
	v25 =	vshll.u32 v27, $0x10;
	v26 =	vshll.u32 v28, $0x10  }
0xbd: {  	v56 =	vld [tilespmem:s1+$0x4950];
	v27 =	vand.u32 $0xFFFF0000, v27;
	v24 =	vand.u32 $0xFFFF0000, v28;
	v31 =	vshll.u32 v29, $0x10  }
0xbe: {  	v30 =	vshll.u32 v32, $0x10;
	v29 =	vand.u32 $0xFFFF0000, v29;
	v28 =	vand.u32 $0xFFFF0000, v32;
	v5 =	vld [tilespmem:s28+$0x0]  }
0xbf: {  	v36 =	vshll.u32 v33, $0x10;
	v34 =	vshll.u32 v37, $0x10;
	v35 =	vand.u32 $0xFFFF0000, v33  }
0xc0: {  	v33 =	vand.u32 $0xFFFF0000, v37;
	v42 =	vshll.u32 v38, $0x10;
	v40 =	vshll.u32 v39, $0x10  }
0xc1: {  	v50 =	vld [tilespmem:s1+$0x4540];
	v38 =	vand.u32 $0xFFFF0000, v38;
	v39 =	vand.u32 $0xFFFF0000, v39;
	v45 =	vshll.u32 v41, $0x10  }
0xc2: {  	v55 =	vld [tilespmem:s1+$0xA930];
	v46 =	vshll.u32 v44, $0x10;
	v47 =	vand.u32 $0xFFFF0000, v41;
	v60 =	vshll.u32 v56, $0x10  }
0xc3: {  	v57 =	vld [tilespmem:s1+$0xA960];
	v41 =	vshll.u32 v54, $0x10;
	v56 =	vand.u32 $0xFFFF0000, v56;
	v60 =	vmul.f32 v60, v5  }
0xc4: {  	v54 =	vand.u32 $0xFFFF0000, v54;
	v56 =	vmul.f32 v56, v5;
	v41 =	vmul.f32 v41, v5  }
0xc5: {  	v44 =	vand.u32 $0xFFFF0000, v44;
	v54 =	vmul.f32 v54, v5;
	v42 =	vmul.f32 v42, v5  }
0xc6: {  	v52 =	vshll.u32 v50, $0x10;
	v38 =	vmul.f32 v38, v5;
	v36 =	vmul.f32 v36, v5  }
0xc7: {  	v37 =	vld [tilespmem:s1+$0x4960];
	v59 =	vshll.u32 v55, $0x10;
	v35 =	vmul.f32 v35, v5;
	v31 =	vmul.f32 v31, v5  }
0xc8: {  	v32 =	vld [tilespmem:s1+$0xA950];
	v63 =	vshll.u32 v57, $0x10;
	v29 =	vmul.f32 v29, v5;
	v25 =	vmul.f32 v25, v5  }
0xc9: {  	[tilespmem:$0x1FE60] =	vst v3;
	v3 =	vshll.u32 v6, $0x10;
	v6 =	vld [tilespmem:s29+$0x0];
	v27 =	vmul.f32 v27, v5;
	v23 =	vmul.f32 v23, v5  }
0xca: {  	v57 =	vand.u32 $0xFFFF0000, v57;
	v1 =	vmul.f32 v1, v5;
	v21 =	vmul.f32 v21, v5  }
0xcb: {  	v48 =	vld [tilespmem:s1+$0xA540];
	v55 =	vand.u32 $0xFFFF0000, v55;
	v20 =	vmul.f32 v20, v5;
	v16 =	vmul.f32 v16, v5  }
0xcc: {  	v51 =	vld [tilespmem:s1+$0x4570];
	v62 =	vshll.u32 v37, $0x10;
	v13 =	vmul.f32 v13, v5;
	v10 =	vmul.f32 v10, v5  }
0xcd: {  	v43 =	vld [tilespmem:s1+$0x4920];
	v37 =	vand.u32 $0xFFFF0000, v37;
	v7 =	vmul.f32 v7, v5;
	v62 =	vmul.f32 v62, v5  }
0xce: {  	v61 =	vshll.u32 v32, $0x10;
	v63 =	vmul.f32 v63, v6;
	v37 =	vmul.f32 v37, v5  }
0xcf: {  	v32 =	vand.u32 $0xFFFF0000, v32;
	v57 =	vmul.f32 v57, v6;
	v61 =	vmul.f32 v61, v6  }
0xd0: {  	v49 =	vshll.u32 v48, $0x10;
	v32 =	vmul.f32 v32, v6;
	v55 =	vmul.f32 v55, v6  }
0xd1: {  	v53 =	vshll.u32 v51, $0x10;
	v49 =	vmul.f32 v49, v6;
	v44 =	vmul.f32 v44, v6  }
0xd2: {  	v58 =	vshll.u32 v43, $0x10;
	v40 =	vmul.f32 v40, v6;
	v39 =	vmul.f32 v39, v6  }
0xd3: {  	v43 =	vand.u32 $0xFFFF0000, v43;
	v34 =	vmul.f32 v34, v6;
	v33 =	vmul.f32 v33, v6  }
0xd4: {  	v4 =	vand.u32 $0xFFFF0000, v4;
	v30 =	vmul.f32 v30, v6;
	v28 =	vmul.f32 v28, v6  }
0xd5: {  	v26 =	vmul.f32 v26, v6;
	v24 =	vmul.f32 v24, v6;
	v62 =	vadd.f32 v63, v62  }
0xd6: {  	v22 =	vmul.f32 v22, v6;
	v37 =	vadd.f32 v57, v37;
	v60 =	vadd.f32 v61, v60  }
0xd7: {  	v2 =	vmul.f32 v2, v6;
	v32 =	vadd.f32 v32, v56;
	v54 =	vadd.f32 v55, v54  }
0xd8: {  	v19 =	vmul.f32 v19, v6;
	v40 =	vadd.f32 v40, v42;
	v38 =	vadd.f32 v39, v38  }
0xd9: {  	v17 =	vmul.f32 v17, v6;
	v34 =	vadd.f32 v34, v36;
	v33 =	vadd.f32 v33, v35  }
0xda: {  	v15 =	vmul.f32 v15, v6;
	v30 =	vadd.f32 v30, v31;
	v28 =	vadd.f32 v28, v29  }
0xdb: {  	v14 =	vmul.f32 v14, v6;
	v25 =	vadd.f32 v26, v25;
	v24 =	vadd.f32 v24, v27  }
0xdc: {  	v11 =	vmul.f32 v11, v6;
	v22 =	vadd.f32 v22, v23;
	v1 =	vadd.f32 v2, v1  }
0xdd: {  	v2 =	vmul.f32 v3, v5;
	v3 =	vmul.f32 v18, v6;
	v19 =	vadd.f32 v19, v21  }
0xde: {  	v15 =	vadd.f32 v15, v16;
	v13 =	vadd.f32 v14, v13;
	v61 =	vshrl.u32 v62, $0x10  }
0xdf: {  	v56 =	vshrl.u32 v37, $0x10;
	v29 =	vshrl.u32 v30, $0x10;
	v18 =	vshrl.u32 v22, $0x10  }
0xe0: {  	v21 =	vshrl.u32 v1, $0x10;
	v3 =	vadd.f32 v3, v20;
	v2 =	vadd.f32 v17, v2  }
0xe1: {  	v14 =	vshrl.u32 v15, $0x10;
	v61 =	vand.u32 $0x1, v61;
	v56 =	vand.u32 $0x1, v56  }
0xe2: {  	v26 =	vand.u32 $0x1, v29;
	v29 =	vshrl.u32 v28, $0x10;
	v18 =	vand.u32 $0x1, v18  }
0xe3: {  	v20 =	vand.u32 $0x1, v21;
	v21 =	vshrl.u32 v19, $0x10;
	v61 =	vadd.s32 v61, v62  }
0xe4: {  	v62 =	vshrl.u32 v60, $0x10;
	v37 =	vadd.s32 v56, v37;
	v56 =	vshrl.u32 v32, $0x10  }
0xe5: {  	v26 =	vadd.s32 v26, v30;
	v27 =	vand.u32 $0x1, v29;
	v29 =	vshrl.u32 v25, $0x10  }
0xe6: {  	v63 =	vld [tilespmem:s1+$0x4940];
	v18 =	vadd.s32 v18, v22;
	v1 =	vadd.s32 v20, v1;
	v20 =	vshrl.u32 v3, $0x10  }
0xe7: {  	v57 =	vld [tilespmem:s1+$0xA940];
	v21 =	vand.u32 $0x1, v21;
	v62 =	vand.u32 $0x1, v62;
	v56 =	vand.u32 $0x1, v56  }
0xe8: {  	v61 =	vadd.s32 $0x7FFF, v61;
	v37 =	vadd.s32 $0x7FFF, v37;
	v26 =	vadd.s32 $0x7FFF, v26  }
0xe9: {  	v27 =	vadd.s32 v27, v28;
	v28 =	vand.u32 $0x1, v29;
	v29 =	vshrl.u32 v24, $0x10  }
0xea: {  	v18 =	vadd.s32 $0x7FFF, v18;
	v1 =	vadd.s32 $0x7FFF, v1;
	v20 =	vand.u32 $0x1, v20  }
0xeb: {  	v19 =	vadd.s32 v21, v19;
	v60 =	vadd.s32 v62, v60;
	v62 =	vshll.u32 v63, $0x10  }
0xec: {  	v56 =	vadd.s32 v56, v32;
	v32 =	vshll.u32 v57, $0x10;
	v63 =	vand.u32 $0xFFFF0000, v63  }
0xed: {  	v57 =	vand.u32 $0xFFFF0000, v57;
	v61 =	vshrl.u32 v61, $0x10;
	v37 =	vand.u32 $0xFFFF0000, v37  }
0xee: {  	v26 =	vshrl.u32 v26, $0x10;
	v27 =	vadd.s32 $0x7FFF, v27;
	v25 =	vadd.s32 v28, v25  }
0xef: {  	v28 =	vand.u32 $0x1, v29;
	v18 =	vshrl.u32 v18, $0x10;
	v1 =	vand.u32 $0xFFFF0000, v1  }
0xf0: {  	v3 =	vadd.s32 v20, v3;
	v19 =	vadd.s32 $0x7FFF, v19;
	v62 =	vmul.f32 v62, v5  }
0xf1: {  	v0 =	vmul.f32 v32, v6;
	v63 =	vmul.f32 v63, v5;
	v32 =	vor.u32 v37, v61  }
0xf2: {  	v37 =	vmul.f32 v57, v6;
	v61 =	vadd.s32 $0x7FFF, v60;
	v56 =	vadd.s32 $0x7FFF, v56  }
0xf3: {  	v27 =	vand.u32 $0xFFFF0000, v27;
	v25 =	vadd.s32 $0x7FFF, v25;
	v24 =	vadd.s32 v28, v24  }
0xf4: {  	v3 =	vadd.s32 $0x7FFF, v3;
	v19 =	vshrl.u32 v19, $0x10;
	v1 =	vor.u32 v1, v18  }
0xf5: {  	v57 =	vshrl.u32 v61, $0x10;
	v56 =	vand.u32 $0xFFFF0000, v56;
	v26 =	vor.u32 v27, v26  }
0xf6: {  	v60 =	vld [tilespmem:s1+$0xA920];
	v25 =	vshrl.u32 v25, $0x10;
	v0 =	vadd.f32 v0, v62;
	v61 =	vadd.f32 v37, v63  }
0xf7: {  	v24 =	vadd.s32 $0x7FFF, v24;
	v3 =	vand.u32 $0xFFFF0000, v3;
	v37 =	vmul.f32 v59, v6  }
0xf8: {  	v24 =	vand.u32 $0xFFFF0000, v24;
	v63 =	vshrl.u32 v0, $0x10;
	v62 =	vshrl.u32 v61, $0x10  }
0xf9: {  	v41 =	vadd.f32 v37, v41;
	v59 =	vand.u32 $0x1, v63;
	v62 =	vand.u32 $0x1, v62  }
0xfa: {  	v37 =	vor.u32 v56, v57;
	v0 =	vadd.s32 v59, v0;
	v55 =	vadd.s32 v62, v61  }
0xfb: {  	v57 =	vld [tilespmem:s1+$0x4910];
	v56 =	vshrl.u32 v41, $0x10;
	v61 =	vshll.u32 v60, $0x10;
	v62 =	vshrl.u32 v54, $0x10  }
0xfc: {  	v60 =	vand.u32 $0xFFFF0000, v60;
	v0 =	vadd.s32 $0x7FFF, v0;
	v56 =	vand.u32 $0x1, v56  }
0xfd: {  	v63 =	vld [tilespmem:s1+$0xA570];
	v55 =	vadd.s32 $0x7FFF, v55;
	v62 =	vand.u32 $0x1, v62;
	v60 =	vmul.f32 v60, v6  }
0xfe: {  	v59 =	vld [tilespmem:s1+$0xA910];
	v56 =	vadd.s32 v56, v41;
	v0 =	vshrl.u32 v0, $0x10;
	v55 =	vand.u32 $0xFFFF0000, v55  }
0xff: {  	v54 =	vadd.s32 v62, v54;
	v62 =	vmul.f32 v43, v5;
	v41 =	vor.u32 v55, v0  }
0x100: {  	v0 =	vmul.f32 v58, v5;
	v55 =	vmul.f32 v61, v6;
	v61 =	vshll.u32 v57, $0x10  }
0x101: {  	v57 =	vand.u32 $0xFFFF0000, v57;
	v56 =	vadd.s32 $0x7FFF, v56;
	v54 =	vadd.s32 $0x7FFF, v54  }
0x102: {  	v58 =	vshll.u32 v63, $0x10;
	v56 =	vshrl.u32 v56, $0x10;
	v43 =	vand.u32 $0xFFFF0000, v54  }
0x103: {  	v54 =	vmul.f32 v61, v5;
	v0 =	vadd.f32 v55, v0;
	v55 =	vshll.u32 v59, $0x10  }
0x104: {  	v57 =	vmul.f32 v57, v5;
	v59 =	vand.u32 $0xFFFF0000, v59;
	v55 =	vmul.f32 v55, v6  }
0x105: {  	v60 =	vadd.f32 v60, v62;
	v62 =	vand.u32 $0xFFFF0000, v51;
	v59 =	vmul.f32 v59, v6  }
0x106: {  	v61 =	vld [tilespmem:s1+$0xA900];
	v43 =	vor.u32 v43, v56;
	v51 =	vadd.f32 v55, v54;
	v54 =	vshrl.u32 v0, $0x10  }
0x107: {  	v56 =	vld [tilespmem:s1+$0x4900];
	v58 =	vmul.f32 v58, v6;
	v55 =	vadd.f32 v59, v57;
	v54 =	vand.u32 $0x1, v54  }
0x108: {  	v62 =	vmul.f32 v62, v5;
	v57 =	vshrl.u32 v60, $0x10;
	v0 =	vadd.s32 v54, v0  }
0x109: {  	v54 =	vand.u32 $0x1, v57;
	v57 =	vshrl.u32 v51, $0x10;
	v59 =	vshrl.u32 v55, $0x10  }
0x10a: {  	v54 =	vadd.s32 v54, v60;
	v57 =	vand.u32 $0x1, v57;
	v60 =	vand.u32 $0xFFFF0000, v63  }
0x10b: {  	v59 =	vand.u32 $0x1, v59;
	v0 =	vadd.s32 $0x7FFF, v0;
	v57 =	vadd.s32 v57, v51  }
0x10c: {  	v51 =	vshll.u32 v56, $0x10;
	v55 =	vadd.s32 v59, v55;
	v59 =	vshll.u32 v61, $0x10  }
0x10d: {  	v56 =	vand.u32 $0xFFFF0000, v56;
	v54 =	vadd.s32 $0x7FFF, v54;
	v61 =	vand.u32 $0xFFFF0000, v61  }
0x10e: {  	v0 =	vshrl.u32 v0, $0x10;
	v54 =	vand.u32 $0xFFFF0000, v54;
	v63 =	vmul.f32 v51, v5  }
0x10f: {  	v55 =	vadd.s32 $0x7FFF, v55;
	v51 =	vor.u32 v54, v0;
	v0 =	vmul.f32 v59, v6  }
0x110: {  	v56 =	vmul.f32 v56, v5;
	v54 =	vadd.s32 $0x7FFF, v57;
	v57 =	vmul.f32 v61, v6  }
0x111: {  	v55 =	vand.u32 $0xFFFF0000, v55;
	v59 =	vmul.f32 v53, v5;
	v0 =	vadd.f32 v0, v63  }
0x112: {  	v54 =	vshrl.u32 v54, $0x10;
	v56 =	vadd.f32 v57, v56;
	v57 =	vmul.f32 v60, v6  }
0x113: {  	v3 =	vor.u32 v3, v19;
	v53 =	vor.u32 v55, v54;
	v63 =	vshrl.u32 v0, $0x10  }
0x114: {  	v61 =	vld [tilespmem:s1+$0x4560];
	v55 =	vadd.f32 v58, v59;
	v57 =	vadd.f32 v57, v62;
	v54 =	vand.u32 $0x1, v63  }
0x115: {  	v23 =	vor.u32 v24, v25;
	v63 =	vshrl.u32 v56, $0x10;
	v0 =	vadd.s32 v54, v0  }
0x116: {  	v60 =	vld [tilespmem:s1+$0xA560];
	v62 =	vand.u32 $0x1, v63;
	v63 =	vshrl.u32 v55, $0x10;
	v58 =	vshrl.u32 v57, $0x10  }
0x117: {  	v54 =	vadd.s32 v62, v56;
	v56 =	vand.u32 $0x1, v63;
	v63 =	vand.u32 $0xFFFF0000, v50  }
0x118: {  	v59 =	vld [tilespmem:s1+$0x4550];
	v0 =	vadd.s32 $0x7FFF, v0;
	v50 =	vadd.s32 v56, v55;
	v55 =	vand.u32 $0x1, v58  }
0x119: {  	v56 =	vshll.u32 v61, $0x10;
	v54 =	vadd.s32 $0x7FFF, v54;
	v0 =	vshrl.u32 v0, $0x10  }
0x11a: {  	v58 =	vand.u32 $0xFFFF0000, v48;
	v61 =	vand.u32 $0xFFFF0000, v61;
	v55 =	vadd.s32 v55, v57  }
0x11b: {  	v62 =	vld [tilespmem:s1+$0xA550];
	v57 =	vshll.u32 v60, $0x10;
	v56 =	vmul.f32 v56, v5;
	v54 =	vand.u32 $0xFFFF0000, v54  }
0x11c: {  	v50 =	vadd.s32 $0x7FFF, v50;
	v60 =	vand.u32 $0xFFFF0000, v60;
	v61 =	vmul.f32 v61, v5  }
0x11d: {  	v57 =	vmul.f32 v57, v6;
	v48 =	vor.u32 v54, v0;
	v0 =	vshll.u32 v59, $0x10  }
0x11e: {  	v50 =	vshrl.u32 v50, $0x10;
	v55 =	vadd.s32 $0x7FFF, v55;
	v60 =	vmul.f32 v60, v6  }
0x11f: {  	v55 =	vand.u32 $0xFFFF0000, v55;
	v0 =	vmul.f32 v0, v5;
	v54 =	vadd.f32 v57, v56  }
0x120: {  	v56 =	vshll.u32 v62, $0x10;
	v57 =	vand.u32 $0xFFFF0000, v59;
	v59 =	vand.u32 $0xFFFF0000, v62  }
0x121: {  	v50 =	vor.u32 v55, v50;
	v55 =	vmul.f32 v56, v6;
	v56 =	vmul.f32 v57, v5  }
0x122: {  	v57 =	vadd.f32 v60, v61;
	v59 =	vmul.f32 v59, v6;
	v61 =	vshrl.u32 v54, $0x10  }
0x123: {  	v60 =	vmul.f32 v52, v5;
	v0 =	vadd.f32 v55, v0;
	v52 =	vand.u32 $0x1, v61  }
0x124: {  	v62 =	vshrl.u32 v57, $0x10;
	v56 =	vadd.f32 v59, v56;
	v52 =	vadd.s32 v52, v54  }
0x125: {  	v59 =	vand.u32 $0x1, v62;
	v61 =	vshrl.u32 v0, $0x10;
	v52 =	vadd.s32 $0x7FFF, v52  }
0x126: {  	v54 =	vadd.s32 v59, v57;
	v62 =	vshrl.u32 v56, $0x10;
	v52 =	vshrl.u32 v52, $0x10  }
0x127: {  	v54 =	vadd.s32 $0x7FFF, v54;
	v55 =	vand.u32 $0x1, v61;
	v57 =	vand.u32 $0x1, v62  }
0x128: {  	v61 =	vmul.f32 v46, v6;
	v62 =	vmul.f32 v47, v5;
	v54 =	vand.u32 $0xFFFF0000, v54  }
0x129: {  	v0 =	vadd.s32 v55, v0;
	v57 =	vadd.s32 v57, v56;
	v55 =	vmul.f32 v63, v5  }
0x12a: {  	v56 =	vadd.f32 v49, v60;
	v60 =	vmul.f32 v58, v6;
	v52 =	vor.u32 v54, v52  }
0x12b: {  	v0 =	vadd.s32 $0x7FFF, v0;
	v59 =	vadd.s32 $0x7FFF, v57;
	v44 =	vadd.f32 v44, v62  }
0x12c: {  	v0 =	vshrl.u32 v0, $0x10;
	v54 =	vand.u32 $0xFFFF0000, v59;
	v63 =	vshrl.u32 v56, $0x10  }
0x12d: {  	v58 =	vadd.f32 v60, v55;
	v49 =	vor.u32 v54, v0;
	v47 =	vand.u32 $0x1, v63  }
0x12e: {  	v0 =	vmul.f32 v45, v5;
	v63 =	vshrl.u32 v44, $0x10;
	v59 =	vadd.s32 v47, v56  }
0x12f: {  	v60 =	vshrl.u32 v58, $0x10;
	v55 =	vand.u32 $0x1, v63;
	v56 =	vshrl.u32 v40, $0x10  }
0x130: {  	v0 =	vadd.f32 v61, v0;
	v45 =	vadd.s32 $0x7FFF, v59;
	v61 =	vand.u32 $0x1, v60  }
0x131: {  	[tilespmem:s1+$0x10960] =	vst v32;
	v44 =	vadd.s32 v55, v44;
	v57 =	vand.u32 $0x1, v56;
	v45 =	vshrl.u32 v45, $0x10  }
0x132: {  	[tilespmem:s1+$0x10950] =	vst v37;
	v46 =	vadd.s32 v61, v58;
	v44 =	vadd.s32 $0x7FFF, v44;
	v58 =	vshrl.u32 v38, $0x10  }
0x133: {  	[tilespmem:s1+$0x10940] =	vst v41;
	v59 =	vadd.s32 v57, v40;
	v61 =	vshrl.u32 v34, $0x10;
	v62 =	vshrl.u32 v0, $0x10  }
0x134: {  	[tilespmem:s1+$0x10500] =	vst v26;
	v46 =	vadd.s32 $0x7FFF, v46;
	v44 =	vand.u32 $0xFFFF0000, v44;
	v60 =	vand.u32 $0x1, v58  }
0x135: {  	[tilespmem:s1+$0x10170] =	vst v23;
	v35 =	vadd.s32 $0x7FFF, v59;
	v39 =	vand.u32 $0x1, v61;
	v47 =	vand.u32 $0x1, v62  }
0x136: {  	[tilespmem:s1+$0x10160] =	vst v1;
	v46 =	vand.u32 $0xFFFF0000, v46;
	v36 =	vadd.s32 v60, v38;
	v62 =	vshrl.u32 v33, $0x10  }
0x137: {  	[tilespmem:s1+$0x10930] =	vst v43;
	v35 =	vshrl.u32 v35, $0x10;
	v34 =	vadd.s32 v39, v34;
	v0 =	vadd.s32 v47, v0  }
0x138: {  	[tilespmem:s1+$0x10150] =	vst v3;
	v45 =	vor.u32 v46, v45;
	v36 =	vadd.s32 $0x7FFF, v36;
	v0 =	vadd.s32 $0x7FFF, v0  }
0x139: {  	[tilespmem:s1+$0x10920] =	vst v51;
	v38 =	vand.u32 $0x1, v62;
	v34 =	vadd.s32 $0x7FFF, v34;
	v0 =	vshrl.u32 v0, $0x10  }
0x13a: {  	[tilespmem:s1+$0x10910] =	vst v53;
	v36 =	vand.u32 $0xFFFF0000, v36;
	v33 =	vadd.s32 v38, v33;
	v0 =	vor.u32 v44, v0  }
0x13b: {  	v33 =	vadd.s32 $0x7FFF, v33;
	[tilespmem:s1+$0x10530] =	vst v0;
	v0 =	vmul.f32 v12, v5;
	v12 =	vshrl.u32 v2, $0x10  }
0x13c: {  	[tilespmem:s1+$0x10900] =	vst v48;
	v34 =	vshrl.u32 v34, $0x10;
	v33 =	vand.u32 $0xFFFF0000, v33;
	v12 =	vand.u32 $0x1, v12  }
0x13d: {  	[tilespmem:s1+$0x10570] =	vst v50;
	v35 =	vor.u32 v36, v35;
	v31 =	vor.u32 v33, v34;
	v2 =	vadd.s32 v12, v2  }
0x13e: {  	[tilespmem:s1+$0x10560] =	vst v52;
	v0 =	vadd.f32 v11, v0;
	v11 =	vand.u32 $0x1, v14;
	v12 =	vshrl.u32 v13, $0x10  }
0x13f: {  	[tilespmem:s1+$0x10550] =	vst v49;
	v2 =	vadd.s32 $0x7FFF, v2;
	v11 =	vadd.s32 v11, v15;
	v15 =	vld [tilespmem:s1+$0xA110];
	v1 =	vand.u32 $0x1, v12  }
0x140: {  	s13 =	simm.s32 $0x0;
	[tilespmem:s1+$0x10540] =	vst v45;
	v2 =	vshrl.u32 v2, $0x10;
	v14 =	vshrl.u32 v0, $0x10;
	v11 =	vadd.s32 $0x7FFF, v11  }
0x141: {  	s12 =	smul.u32 $0xC00, s13;
	s0 =	simm.s32 $0x80;
	[tilespmem:s1+$0x10520] =	vst v35;
	v1 =	vadd.s32 v1, v13;
	v12 =	vand.u32 $0x1, v14;
	v11 =	vand.u32 $0xFFFF0000, v11  }
0x142: {  	s31 =	sand.u32 $0x380, s0;
	v3 =	vld [tilespmem:s1+$0x4970];
	[tilespmem:s1+$0x10510] =	vst v31;
	v1 =	vadd.s32 $0x7FFF, v1;
	v0 =	vadd.s32 v12, v0;
	v2 =	vor.u32 v11, v2  }
0x143: {  	s31 =	sor.u32 s31, s12;
	v8 =	vmul.f32 v8, v6;
	v1 =	vshrl.u32 v1, $0x10;
	v12 =	vld [tilespmem:s1+$0xA970];
	v0 =	vadd.s32 $0x7FFF, v0;
	[tilespmem:s1+$0x10140] =	vst v2  }
0x144: {  	v2 =	vmul.f32 v9, v6;
	v0 =	vand.u32 $0xFFFF0000, v0;
	v9 =	vld [tilespmem:s31+$0x4100];
	v11 =	vand.u32 $0xFFFF0000, v15  }
0x145: {  	v4 =	vmul.f32 v4, v5;
	v25 =	vld [tilespmem:s31+$0xA100];
	v0 =	vor.u32 v0, v1;
	v11 =	vmul.f32 v11, v6  }
0x146: {  	v7 =	vadd.f32 v8, v7;
	[tilespmem:s1+$0x10130] =	vst v0;
	v0 =	vld [tilespmem:$0x1FE60]  }
0x147: {  	v14 =	vld [tilespmem:s1+$0x4100];
	v1 =	vshll.u32 v15, $0x10;
	v2 =	vadd.f32 v2, v10;
	v4 =	vadd.f32 v11, v4  }
0x148: {  	v16 =	vshrl.u32 v7, $0x10;
	v10 =	vshll.u32 v3, $0x10;
	v1 =	vmul.f32 v1, v6;
	v8 =	vld [tilespmem:s31+$0x4110]  }
0x149: {  	v10 =	vmul.f32 v10, v5;
	v15 =	vshrl.u32 v2, $0x10;
	v18 =	vshrl.u32 v4, $0x10  }
0x14a: {  	v17 =	vld [tilespmem:s31+$0x4120];
	v21 =	vshll.u32 v12, $0x10;
	v26 =	vshll.u32 v9, $0x10;
	v18 =	vand.u32 $0x1, v18  }
0x14b: {  	v27 =	vand.u32 $0xFFFF0000, v9;
	v0 =	vmul.f32 v0, v5;
	v4 =	vadd.s32 v18, v4  }
0x14c: {  	v18 =	vmul.f32 v21, v6;
	v21 =	vshll.u32 v14, $0x10;
	v14 =	vand.u32 $0xFFFF0000, v14  }
0x14d: {  	v20 =	vld [tilespmem:s1+$0xA100];
	v21 =	vmul.f32 v21, v5;
	v32 =	vshll.u32 v8, $0x10;
	v29 =	vand.u32 $0xFFFF0000, v8  }
0x14e: {  	v13 =	vld [tilespmem:s31+$0xA110];
	v0 =	vadd.f32 v1, v0;
	v1 =	vand.u32 $0x1, v15;
	v15 =	vand.u32 $0x1, v16  }
0x14f: {  	v8 =	vshll.u32 v17, $0x10;
	v16 =	vld [tilespmem:s31+$0xA120];
	v1 =	vadd.s32 v1, v2;
	v2 =	vadd.s32 v15, v7  }
0x150: {  	v19 =	vld [tilespmem:s31+$0x4140];
	v11 =	vshrl.u32 v0, $0x10;
	v1 =	vadd.s32 $0x7FFF, v1;
	v2 =	vadd.s32 $0x7FFF, v2  }
0x151: {  	v15 =	vld [tilespmem:s31+$0xA130];
	v1 =	vshrl.u32 v1, $0x10;
	v2 =	vand.u32 $0xFFFF0000, v2;
	v11 =	vand.u32 $0x1, v11  }
0x152: {  	v10 =	vadd.f32 v18, v10;
	v7 =	vld [tilespmem:s31+$0x4130];
	v1 =	vor.u32 v2, v1;
	v0 =	vadd.s32 v11, v0  }
0x153: {  	v2 =	vld [tilespmem:s31+$0xA140];
	v11 =	vand.u32 $0xFFFF0000, v12;
	[tilespmem:s1+$0x10120] =	vst v1;
	v1 =	vand.u32 $0xFFFF0000, v3;
	v0 =	vadd.s32 $0x7FFF, v0  }
0x154: {  	[tilespmem:$0x1FE80] =	vst v8;
	v3 =	vadd.s32 $0x7FFF, v4;
	v11 =	vmul.f32 v11, v6;
	v8 =	vshll.u32 v16, $0x10  }
0x155: {  	v0 =	vshrl.u32 v0, $0x10;
	v3 =	vand.u32 $0xFFFF0000, v3;
	v1 =	vmul.f32 v1, v5  }
0x156: {  	v4 =	vld [tilespmem:s31+$0x4150];
	v5 =	vmul.f32 v14, v5;
	v14 =	vshrl.u32 v10, $0x10;
	[tilespmem:$0x1FE90] =	vst v8;
	v8 =	vshll.u32 v15, $0x10  }
0x157: {  	v9 =	vshll.u32 v13, $0x10;
	v12 =	vld [tilespmem:s31+$0xA150];
	v0 =	vor.u32 v3, v0;
	v14 =	vand.u32 $0x1, v14;
	[tilespmem:$0x1FED0] =	vst v8  }
0x158: {  	v3 =	vld [tilespmem:s31+$0x4160];
	v8 =	vshll.u32 v19, $0x10;
	[tilespmem:s1+$0x10110] =	vst v0;
	v0 =	vshll.u32 v20, $0x10;
	v1 =	vadd.f32 v11, v1  }
0x159: {  	v20 =	vand.u32 $0xFFFF0000, v20;
	v10 =	vadd.s32 v14, v10;
	v18 =	vld [tilespmem:s31+$0xA160];
	v0 =	vmul.f32 v0, v6  }
0x15a: {  	[tilespmem:$0x1FF00] =	vst v8;
	v11 =	vld [tilespmem:s31+$0x4170];
	v6 =	vmul.f32 v20, v6;
	v8 =	vshll.u32 v2, $0x10;
	v2 =	vand.u32 $0xFFFF0000, v2  }
0x15b: {  	v31 =	vld [tilespmem:s31+$0xA170];
	v20 =	vshrl.u32 v1, $0x10;
	[tilespmem:$0x1FF10] =	vst v8;
	v8 =	vand.u32 $0xFFFF0000, v19;
	v0 =	vadd.f32 v0, v21  }
0x15c: {  	v35 =	vld [tilespmem:s31+$0x4500];
	v14 =	vand.u32 $0x1, v20;
	v5 =	vadd.f32 v6, v5;
	v6 =	vadd.s32 $0x7FFF, v10  }
0x15d: {  	v63 =	vld [tilespmem:s31+$0xA510];
	v1 =	vadd.s32 v14, v1;
	v6 =	vshrl.u32 v6, $0x10;
	v14 =	vshrl.u32 v0, $0x10  }
0x15e: {  	[tilespmem:$0x1FE70] =	vst v9;
	v43 =	vld [tilespmem:s31+$0x4520];
	v1 =	vadd.s32 $0x7FFF, v1;
	v21 =	vshrl.u32 v5, $0x10;
	v14 =	vand.u32 $0x1, v14  }
0x15f: {  	[tilespmem:$0x1FF30] =	vst v2;
	v20 =	vld [tilespmem:s31+$0xA500];
	v1 =	vand.u32 $0xFFFF0000, v1;
	v0 =	vadd.s32 v14, v0;
	v14 =	vand.u32 $0x1, v21  }
0x160: {  	v10 =	vld [tilespmem:s31+$0x4510];
	[tilespmem:$0x1FF20] =	vst v8;
	v1 =	vor.u32 v1, v6;
	v5 =	vadd.s32 v14, v5  }
0x161: {  	v2 =	vshll.u32 v4, $0x10;
	v6 =	vld [tilespmem:s31+$0xA520];
	v0 =	vadd.s32 $0x7FFF, v0;
	[tilespmem:s1+$0x10970] =	vst v1;
	v1 =	vadd.s32 $0x7FFF, v5  }
0x162: {  	v4 =	vand.u32 $0xFFFF0000, v4;
	[tilespmem:$0x1FF40] =	vst v2;
	v0 =	vshrl.u32 v0, $0x10;
	v5 =	vld [tilespmem:s31+$0x4530];
	v1 =	vand.u32 $0xFFFF0000, v1  }
0x163: {  	[tilespmem:$0x1FF60] =	vst v4;
	v9 =	vld [tilespmem:s31+$0xA530];
	v0 =	vor.u32 v1, v0  }
0x164: {  	v2 =	vshll.u32 v12, $0x10;
	v1 =	vld [tilespmem:s31+$0x4540];
	[tilespmem:s1+$0x10100] =	vst v0  }
0x165: {  	v4 =	vand.u32 $0xFFFF0000, v12;
	[tilespmem:$0x1FF50] =	vst v2;
	v8 =	vld [tilespmem:s31+$0xA550]  }
0x166: {  	[tilespmem:$0x1FF70] =	vst v4;
	v4 =	vshll.u32 v3, $0x10;
	v2 =	vld [tilespmem:s31+$0x4560]  }
0x167: {  	[tilespmem:$0x1FF80] =	vst v4;
	v12 =	vshll.u32 v18, $0x10;
	v4 =	vld [tilespmem:s31+$0xA560]  }
0x168: {  	v28 =	vshll.u32 v25, $0x10;
	v30 =	vand.u32 $0xFFFF0000, v13;
	v3 =	vand.u32 $0xFFFF0000, v3;
	[tilespmem:$0x1FF90] =	vst v12;
	v12 =	vld [tilespmem:s31+$0x4570]  }
0x169: {  	[tilespmem:$0x1FFA0] =	vst v3;
	v3 =	vand.u32 $0xFFFF0000, v18;
	v34 =	vshll.u32 v11, $0x10;
	v33 =	vand.u32 $0xFFFF0000, v11;
	v13 =	vld [tilespmem:s31+$0xA570]  }
0x16a: {  	v38 =	vshll.u32 v35, $0x10;
	v36 =	vand.u32 $0xFFFF0000, v35;
	v42 =	vshll.u32 v63, $0x10;
	v14 =	vld [tilespmem:s31+$0x4900]  }
0x16b: {  	v39 =	vand.u32 $0xFFFF0000, v63;
	v46 =	vshll.u32 v43, $0x10;
	v43 =	vand.u32 $0xFFFF0000, v43;
	v47 =	vld [tilespmem:s31+$0xA900]  }
0x16c: {  	[tilespmem:$0x1FFB0] =	vst v3;
	v3 =	vshll.u32 v31, $0x10;
	v31 =	vand.u32 $0xFFFF0000, v31;
	v37 =	vshll.u32 v20, $0x10;
	v48 =	vld [tilespmem:s31+$0x4910]  }
0x16d: {  	[tilespmem:$0x1FFC0] =	vst v3;
	v41 =	vshll.u32 v10, $0x10;
	v40 =	vand.u32 $0xFFFF0000, v10;
	v0 =	vand.u32 $0xFFFF0000, v17;
	v10 =	vld [tilespmem:s31+$0xA910]  }
0x16e: {  	v35 =	vand.u32 $0xFFFF0000, v20;
	v45 =	vshll.u32 v6, $0x10;
	[tilespmem:$0x1FEA0] =	vst v0;
	v0 =	vand.u32 $0xFFFF0000, v16;
	v3 =	vld [tilespmem:s31+$0x4920]  }
0x16f: {  	v44 =	vand.u32 $0xFFFF0000, v6;
	v11 =	vld [tilespmem:s31+$0xA920];
	[tilespmem:$0x1FEB0] =	vst v0;
	v0 =	vshll.u32 v7, $0x10;
	v7 =	vand.u32 $0xFFFF0000, v7  }
0x170: {  	v51 =	vshll.u32 v5, $0x10;
	v52 =	vshll.u32 v9, $0x10;
	v50 =	vand.u32 $0xFFFF0000, v5;
	[tilespmem:$0x1FEC0] =	vst v0;
	v0 =	vld [tilespmem:s31+$0xA540]  }
0x171: {  	v16 =	vld [tilespmem:s31+$0xA930];
	v49 =	vand.u32 $0xFFFF0000, v9;
	[tilespmem:$0x1FEE0] =	vst v7;
	v7 =	vand.u32 $0xFFFF0000, v15;
	v56 =	vshll.u32 v1, $0x10  }
0x172: {  	[tilespmem:$0x1FEF0] =	vst v7;
	v7 =	vld [tilespmem:s31+$0x4550];
	v54 =	vand.u32 $0xFFFF0000, v1;
	v59 =	vshll.u32 v8, $0x10;
	v57 =	vand.u32 $0xFFFF0000, v8  }
0x173: {  	v18 =	vld [tilespmem:s31+$0x4940];
	v61 =	vand.u32 $0xFFFF0000, v2;
	v63 =	vshll.u32 v4, $0x10;
	v62 =	vand.u32 $0xFFFF0000, v4  }
0x174: {  	v17 =	vld [tilespmem:s31+$0xA940];
	v4 =	vshll.u32 v12, $0x10;
	v1 =	vand.u32 $0xFFFF0000, v12;
	v5 =	vshll.u32 v13, $0x10  }
0x175: {  	v20 =	vld [tilespmem:s31+$0x4950];
	v8 =	vshll.u32 v14, $0x10;
	v6 =	vand.u32 $0xFFFF0000, v14;
	v55 =	vshll.u32 v0, $0x10  }
0x176: {  	v15 =	vld [tilespmem:s31+$0x4930];
	v53 =	vand.u32 $0xFFFF0000, v0;
	v0 =	vshll.u32 v2, $0x10;
	v2 =	vand.u32 $0xFFFF0000, v13  }
0x177: {  	s1 =	simm.s32 $0x2;
	v19 =	vld [tilespmem:s31+$0xA950];
	v60 =	vshll.u32 v7, $0x10;
	v58 =	vand.u32 $0xFFFF0000, v7;
	v7 =	vshll.u32 v47, $0x10  }
.LBB2_2:
0x178: {  	v9 =	vand.u32 $0xFFFF0000, v47;
	v21 =	vld [tilespmem:s31+$0x4960];
	s28 =	sadd.s32 $0x80, s28  }
0x179: {  	[tilespmem:$0x1FE00] =	vst v29;
	v47 =	vld [tilespmem:s28+$0x0];
	v14 =	vshll.u32 v48, $0x10;
	v12 =	vshll.u32 v10, $0x10;
	v13 =	vand.u32 $0xFFFF0000, v48  }
0x17a: {  	[tilespmem:$0x1FE20] =	vst v26;
	v10 =	vand.u32 $0xFFFF0000, v10;
	v22 =	vshll.u32 v3, $0x10;
	v24 =	vshll.u32 v11, $0x10  }
0x17b: {  	[tilespmem:$0x1FE40] =	vst v25;
	v3 =	vand.u32 $0xFFFF0000, v3;
	v11 =	vand.u32 $0xFFFF0000, v11;
	v25 =	vshll.u32 v15, $0x10  }
0x17c: {  	[tilespmem:$0x1FE50] =	vst v27;
	v26 =	vshll.u32 v16, $0x10;
	v15 =	vand.u32 $0xFFFF0000, v15;
	v27 =	vshll.u32 v18, $0x10  }
0x17d: {  	[tilespmem:$0x1FE30] =	vst v28;
	v23 =	vld [tilespmem:s31+$0xA960];
	s29 =	sadd.s32 $0x80, s29;
	v28 =	vshll.u32 v17, $0x10;
	v18 =	vand.u32 $0xFFFF0000, v18;
	v29 =	vshll.u32 v20, $0x10  }
0x17e: {  	[tilespmem:$0x1FDE0] =	vst v31;
	v48 =	vld [tilespmem:s29+$0x0];
	v20 =	vand.u32 $0xFFFF0000, v20;
	v31 =	vshll.u32 v21, $0x10;
	v29 =	vmul.f32 v29, v47  }
0x17f: {  	v21 =	vand.u32 $0xFFFF0000, v21;
	v20 =	vmul.f32 v20, v47;
	v31 =	vmul.f32 v31, v47  }
0x180: {  	[tilespmem:$0x1FE10] =	vst v30;
	v30 =	vshll.u32 v19, $0x10;
	v21 =	vmul.f32 v21, v47;
	v27 =	vmul.f32 v27, v47  }
0x181: {  	v19 =	vand.u32 $0xFFFF0000, v19;
	v18 =	vmul.f32 v18, v47;
	v15 =	vmul.f32 v15, v47  }
0x182: {  	[tilespmem:$0x1FDF0] =	vst v32;
	v32 =	vshll.u32 v23, $0x10;
	v3 =	vmul.f32 v3, v47;
	v14 =	vmul.f32 v14, v47  }
0x183: {  	v23 =	vand.u32 $0xFFFF0000, v23;
	v13 =	vmul.f32 v13, v47;
	v32 =	vmul.f32 v32, v48  }
0x184: {  	v17 =	vand.u32 $0xFFFF0000, v17;
	v23 =	vmul.f32 v23, v48;
	v30 =	vmul.f32 v30, v48  }
0x185: {  	v16 =	vand.u32 $0xFFFF0000, v16;
	v19 =	vmul.f32 v19, v48;
	v17 =	vmul.f32 v17, v48  }
0x186: {  	v16 =	vmul.f32 v16, v48;
	v31 =	vadd.f32 v32, v31;
	v21 =	vadd.f32 v23, v21  }
0x187: {  	v11 =	vmul.f32 v11, v48;
	v23 =	vmul.f32 v28, v48;
	v28 =	vadd.f32 v30, v29  }
0x188: {  	v19 =	vadd.f32 v19, v20;
	v20 =	vshrl.u32 v31, $0x10;
	v29 =	vshrl.u32 v21, $0x10  }
0x189: {  	v30 =	vshrl.u32 v28, $0x10;
	v20 =	vand.u32 $0x1, v20;
	v29 =	vand.u32 $0x1, v29  }
0x18a: {  	v32 =	vshrl.u32 v19, $0x10;
	v20 =	vadd.s32 v20, v31;
	v21 =	vadd.s32 v29, v21  }
0x18b: {  	v29 =	vand.u32 $0x1, v30;
	v20 =	vadd.s32 $0x7FFF, v20;
	v21 =	vadd.s32 $0x7FFF, v21  }
0x18c: {  	v30 =	vand.u32 $0x1, v32;
	v20 =	vshrl.u32 v20, $0x10;
	v21 =	vand.u32 $0xFFFF0000, v21  }
0x18d: {  	v28 =	vadd.s32 v29, v28;
	v19 =	vadd.s32 v30, v19;
	v20 =	vor.u32 v21, v20  }
0x18e: {  	v19 =	vadd.s32 $0x7FFF, v19;
	v21 =	vadd.s32 $0x7FFF, v28;
	[tilespmem:s31+$0x10960] =	vst v20;
	v20 =	vadd.f32 v23, v27  }
0x18f: {  	v17 =	vadd.f32 v17, v18;
	v19 =	vand.u32 $0xFFFF0000, v19;
	v21 =	vshrl.u32 v21, $0x10  }
0x190: {  	v12 =	vmul.f32 v12, v48;
	v18 =	vor.u32 v19, v21;
	v21 =	vshrl.u32 v20, $0x10  }
0x191: {  	v7 =	vmul.f32 v7, v48;
	[tilespmem:s31+$0x10950] =	vst v18;
	v18 =	vand.u32 $0x1, v21;
	v21 =	vshrl.u32 v17, $0x10  }
0x192: {  	v15 =	vadd.f32 v16, v15;
	v18 =	vadd.s32 v18, v20;
	v20 =	vand.u32 $0x1, v21  }
0x193: {  	v23 =	vmul.f32 v25, v47;
	v19 =	vmul.f32 v26, v48;
	v17 =	vadd.s32 v20, v17  }
0x194: {  	v3 =	vadd.f32 v11, v3;
	v16 =	vadd.s32 $0x7FFF, v18;
	v17 =	vadd.s32 $0x7FFF, v17  }
0x195: {  	v19 =	vadd.f32 v19, v23;
	v16 =	vshrl.u32 v16, $0x10;
	v17 =	vand.u32 $0xFFFF0000, v17  }
0x196: {  	v11 =	vmul.f32 v8, v47;
	v8 =	vmul.f32 v10, v48;
	v16 =	vor.u32 v17, v16  }
0x197: {  	v18 =	vshrl.u32 v19, $0x10;
	v17 =	vmul.f32 v22, v47;
	[tilespmem:s31+$0x10940] =	vst v16;
	v16 =	vmul.f32 v24, v48  }
0x198: {  	v12 =	vadd.f32 v12, v14;
	v20 =	vshrl.u32 v15, $0x10;
	v18 =	vand.u32 $0x1, v18  }
0x199: {  	v18 =	vadd.s32 v18, v19;
	v19 =	vand.u32 $0x1, v20;
	v16 =	vadd.f32 v16, v17  }
0x19a: {  	v14 =	vshrl.u32 v3, $0x10;
	v13 =	vadd.f32 v8, v13;
	v15 =	vadd.s32 v19, v15  }
0x19b: {  	v18 =	vadd.s32 $0x7FFF, v18;
	v15 =	vadd.s32 $0x7FFF, v15;
	v10 =	vshrl.u32 v16, $0x10  }
0x19c: {  	v18 =	vshrl.u32 v18, $0x10;
	v15 =	vand.u32 $0xFFFF0000, v15;
	v10 =	vand.u32 $0x1, v10  }
0x19d: {  	v7 =	vadd.f32 v7, v11;
	v15 =	vor.u32 v15, v18;
	v8 =	vadd.s32 v10, v16  }
0x19e: {  	v10 =	vand.u32 $0x1, v14;
	v14 =	vshrl.u32 v12, $0x10;
	v8 =	vadd.s32 $0x7FFF, v8  }
0x19f: {  	v3 =	vadd.s32 v10, v3;
	v10 =	vshrl.u32 v13, $0x10;
	v14 =	vand.u32 $0x1, v14  }
0x1a0: {  	[tilespmem:s31+$0x10930] =	vst v15;
	v15 =	vshrl.u32 v8, $0x10;
	v3 =	vadd.s32 $0x7FFF, v3;
	v10 =	vand.u32 $0x1, v10  }
0x1a1: {  	v12 =	vadd.s32 v14, v12;
	v3 =	vand.u32 $0xFFFF0000, v3;
	v10 =	vadd.s32 v10, v13  }
0x1a2: {  	v12 =	vadd.s32 $0x7FFF, v12;
	v3 =	vor.u32 v3, v15;
	v10 =	vadd.s32 $0x7FFF, v10  }
0x1a3: {  	[tilespmem:s31+$0x10920] =	vst v3;
	v3 =	vmul.f32 v6, v47;
	v6 =	vshrl.u32 v12, $0x10;
	v10 =	vand.u32 $0xFFFF0000, v10  }
0x1a4: {  	v1 =	vmul.f32 v1, v47;
	v9 =	vmul.f32 v9, v48;
	v6 =	vor.u32 v10, v6  }
0x1a5: {  	v5 =	vmul.f32 v5, v48;
	v10 =	vmul.f32 v4, v47;
	[tilespmem:s31+$0x10910] =	vst v6;
	v6 =	vshrl.u32 v7, $0x10  }
0x1a6: {  	v2 =	vmul.f32 v2, v48;
	v3 =	vadd.f32 v9, v3;
	v6 =	vand.u32 $0x1, v6  }
0x1a7: {  	v0 =	vmul.f32 v0, v47;
	v5 =	vadd.f32 v5, v10;
	v6 =	vadd.s32 v6, v7  }
0x1a8: {  	v1 =	vadd.f32 v2, v1;
	v7 =	vshrl.u32 v3, $0x10;
	v2 =	vadd.s32 $0x7FFF, v6  }
0x1a9: {  	v6 =	vand.u32 $0x1, v7;
	v7 =	vshrl.u32 v5, $0x10;
	v2 =	vshrl.u32 v2, $0x10  }
0x1aa: {  	v3 =	vadd.s32 v6, v3;
	v6 =	vand.u32 $0x1, v7;
	v7 =	vshrl.u32 v1, $0x10  }
0x1ab: {  	v3 =	vadd.s32 $0x7FFF, v3;
	v5 =	vadd.s32 v6, v5;
	v6 =	vand.u32 $0x1, v7  }
0x1ac: {  	v7 =	vmul.f32 v60, v47;
	v3 =	vand.u32 $0xFFFF0000, v3;
	v5 =	vadd.s32 $0x7FFF, v5  }
0x1ad: {  	v1 =	vadd.s32 v6, v1;
	v2 =	vor.u32 v3, v2;
	v3 =	vmul.f32 v63, v48  }
0x1ae: {  	v6 =	vmul.f32 v62, v48;
	v5 =	vshrl.u32 v5, $0x10;
	v1 =	vadd.s32 $0x7FFF, v1  }
0x1af: {  	[tilespmem:s31+$0x10900] =	vst v2;
	v2 =	vmul.f32 v61, v47;
	v1 =	vand.u32 $0xFFFF0000, v1;
	v0 =	vadd.f32 v3, v0  }
0x1b0: {  	v1 =	vor.u32 v1, v5;
	v3 =	vmul.f32 v59, v48;
	v5 =	vmul.f32 v58, v47  }
0x1b1: {  	v2 =	vadd.f32 v6, v2;
	[tilespmem:s31+$0x10570] =	vst v1;
	v1 =	vmul.f32 v57, v48;
	v9 =	vshrl.u32 v0, $0x10  }
0x1b2: {  	v6 =	vmul.f32 v56, v47;
	v3 =	vadd.f32 v3, v7;
	v7 =	vand.u32 $0x1, v9  }
0x1b3: {  	v9 =	vshrl.u32 v2, $0x10;
	v5 =	vadd.f32 v1, v5;
	v0 =	vadd.s32 v7, v0  }
0x1b4: {  	v1 =	vand.u32 $0x1, v9;
	v7 =	vshrl.u32 v3, $0x10;
	v0 =	vadd.s32 $0x7FFF, v0  }
0x1b5: {  	v1 =	vadd.s32 v1, v2;
	v2 =	vshrl.u32 v5, $0x10;
	v7 =	vand.u32 $0x1, v7  }
0x1b6: {  	v0 =	vshrl.u32 v0, $0x10;
	v1 =	vadd.s32 $0x7FFF, v1;
	v2 =	vand.u32 $0x1, v2  }
0x1b7: {  	v3 =	vadd.s32 v7, v3;
	v9 =	vand.u32 $0xFFFF0000, v1;
	v2 =	vadd.s32 v2, v5  }
0x1b8: {  	v5 =	vmul.f32 v55, v48;
	v3 =	vadd.s32 $0x7FFF, v3;
	v0 =	vor.u32 v9, v0  }
0x1b9: {  	v7 =	vmul.f32 v54, v47;
	v2 =	vadd.s32 $0x7FFF, v2;
	[tilespmem:s31+$0x10560] =	vst v0;
	v0 =	vshrl.u32 v3, $0x10  }
0x1ba: {  	v2 =	vand.u32 $0xFFFF0000, v2;
	v3 =	vadd.f32 v5, v6;
	v5 =	vmul.f32 v53, v48  }
0x1bb: {  	v6 =	vmul.f32 v52, v48;
	v0 =	vor.u32 v2, v0;
	v2 =	vmul.f32 v51, v47  }
0x1bc: {  	v9 =	vmul.f32 v50, v47;
	v5 =	vadd.f32 v5, v7;
	v7 =	vshrl.u32 v3, $0x10  }
0x1bd: {  	v2 =	vadd.f32 v6, v2;
	v6 =	vmul.f32 v49, v48;
	v7 =	vand.u32 $0x1, v7  }
0x1be: {  	v10 =	vmul.f32 v46, v47;
	v3 =	vadd.s32 v7, v3;
	v7 =	vshrl.u32 v5, $0x10  }
0x1bf: {  	v6 =	vadd.f32 v6, v9;
	v3 =	vadd.s32 $0x7FFF, v3;
	v7 =	vand.u32 $0x1, v7  }
0x1c0: {  	v9 =	vshrl.u32 v2, $0x10;
	v3 =	vshrl.u32 v3, $0x10;
	v5 =	vadd.s32 v7, v5  }
0x1c1: {  	v7 =	vand.u32 $0x1, v9;
	v9 =	vshrl.u32 v6, $0x10;
	v5 =	vadd.s32 $0x7FFF, v5  }
0x1c2: {  	v2 =	vadd.s32 v7, v2;
	v7 =	vand.u32 $0x1, v9;
	v5 =	vand.u32 $0xFFFF0000, v5  }
0x1c3: {  	v2 =	vadd.s32 $0x7FFF, v2;
	v9 =	vmul.f32 v41, v47;
	v6 =	vadd.s32 v7, v6  }
0x1c4: {  	v3 =	vor.u32 v5, v3;
	v5 =	vmul.f32 v45, v48;
	v2 =	vshrl.u32 v2, $0x10  }
0x1c5: {  	v7 =	vmul.f32 v44, v48;
	v6 =	vadd.s32 $0x7FFF, v6;
	[tilespmem:s31+$0x10540] =	vst v3;
	v3 =	vmul.f32 v43, v47  }
0x1c6: {  	v6 =	vand.u32 $0xFFFF0000, v6;
	v5 =	vadd.f32 v5, v10;
	v10 =	vmul.f32 v40, v47  }
0x1c7: {  	v2 =	vor.u32 v6, v2;
	v6 =	vmul.f32 v42, v48;
	v3 =	vadd.f32 v7, v3  }
0x1c8: {  	v7 =	vmul.f32 v39, v48;
	[tilespmem:s31+$0x10530] =	vst v2;
	v2 =	vmul.f32 v38, v47;
	v11 =	vshrl.u32 v5, $0x10  }
0x1c9: {  	v6 =	vadd.f32 v6, v9;
	v9 =	vand.u32 $0x1, v11;
	v11 =	vshrl.u32 v3, $0x10  }
0x1ca: {  	v7 =	vadd.f32 v7, v10;
	v5 =	vadd.s32 v9, v5;
	v9 =	vand.u32 $0x1, v11  }
0x1cb: {  	v10 =	vshrl.u32 v6, $0x10;
	v5 =	vadd.s32 $0x7FFF, v5;
	v3 =	vadd.s32 v9, v3  }
0x1cc: {  	v9 =	vshrl.u32 v7, $0x10;
	v5 =	vshrl.u32 v5, $0x10;
	v3 =	vadd.s32 $0x7FFF, v3  }
0x1cd: {  	v10 =	vand.u32 $0x1, v10;
	v9 =	vand.u32 $0x1, v9;
	v3 =	vand.u32 $0xFFFF0000, v3  }
0x1ce: {  	v6 =	vadd.s32 v10, v6;
	v7 =	vadd.s32 v9, v7;
	v3 =	vor.u32 v3, v5  }
0x1cf: {  	v5 =	vmul.f32 v37, v48;
	v6 =	vadd.s32 $0x7FFF, v6;
	v7 =	vadd.s32 $0x7FFF, v7  }
0x1d0: {  	v6 =	vshrl.u32 v6, $0x10;
	v7 =	vand.u32 $0xFFFF0000, v7  }
0x1d1: {  	v5 =	vadd.f32 v5, v2;
	v2 =	vor.u32 v7, v6;
	v7 =	vld [tilespmem:$0x1FFC0];
	_ =	sdelay $0x4  }
0x1d2: {  	v8 =	vld [tilespmem:s31+$0x4970];
	v6 =	vmul.f32 v34, v47;
	v7 =	vmul.f32 v7, v48;
	_ =	sdelay $0x1  }
0x1d3: {  	v6 =	vadd.f32 v7, v6;
	v7 =	vld [tilespmem:$0x1FDE0];
	_ =	sdelay $0x1  }
0x1d4: {  	v9 =	vmul.f32 v35, v48;
	[tilespmem:s31+$0x10520] =	vst v3;
	v3 =	vmul.f32 v36, v47  }
0x1d5: {  	v4 =	vshll.u32 v8, $0x10  }
0x1d6: {  	[tilespmem:s31+$0x10510] =	vst v2;
	v2 =	vand.u32 $0xFFFF0000, v8;
	v3 =	vadd.f32 v9, v3;
	v9 =	vshrl.u32 v5, $0x10  }
0x1d7: {  	v8 =	vmul.f32 v33, v47;
	v9 =	vand.u32 $0x1, v9;
	v7 =	vmul.f32 v7, v48  }
0x1d8: {  	v5 =	vadd.s32 v9, v5;
	v9 =	vshrl.u32 v3, $0x10  }
0x1d9: {  	v7 =	vadd.f32 v7, v8;
	v8 =	vand.u32 $0x1, v9  }
0x1da: {  	v5 =	vadd.s32 $0x7FFF, v5;
	v3 =	vadd.s32 v8, v3  }
0x1db: {  	v5 =	vshrl.u32 v5, $0x10;
	v9 =	vshrl.u32 v6, $0x10;
	v3 =	vadd.s32 $0x7FFF, v3  }
0x1dc: {  	v10 =	vld [tilespmem:$0x1FF80];
	v8 =	vand.u32 $0x1, v9;
	v9 =	vshrl.u32 v7, $0x10;
	v3 =	vand.u32 $0xFFFF0000, v3  }
0x1dd: {  	v6 =	vadd.s32 v8, v6;
	v8 =	vand.u32 $0x1, v9;
	v3 =	vor.u32 v3, v5;
	v5 =	vld [tilespmem:$0x1FF90]  }
0x1de: {  	v7 =	vadd.s32 v8, v7;
	v8 =	vld [tilespmem:$0x1FFB0]  }
0x1df: {  	[tilespmem:s31+$0x10500] =	vst v3;
	v3 =	vld [tilespmem:$0x1FFA0]  }
0x1e0: {  	v6 =	vadd.s32 $0x7FFF, v6;
	v7 =	vadd.s32 $0x7FFF, v7  }
0x1e1: {  	v9 =	vld [tilespmem:$0x1FF40];
	v6 =	vshrl.u32 v6, $0x10;
	v7 =	vand.u32 $0xFFFF0000, v7  }
0x1e2: {  	v6 =	vor.u32 v7, v6;
	v7 =	vld [tilespmem:$0x1FF50]  }
0x1e3: {  	v10 =	vmul.f32 v10, v47;
	v5 =	vmul.f32 v5, v48  }
0x1e4: {  	v8 =	vmul.f32 v8, v48;
	v3 =	vmul.f32 v3, v47  }
0x1e5: {  	v5 =	vadd.f32 v5, v10;
	v10 =	vld [tilespmem:$0x1FF60]  }
0x1e6: {  	v3 =	vadd.f32 v8, v3;
	v8 =	vld [tilespmem:$0x1FF70]  }
0x1e7: {  	v9 =	vmul.f32 v9, v47;
	v7 =	vmul.f32 v7, v48  }
0x1e8: {  	v11 =	vshrl.u32 v5, $0x10  }
0x1e9: {  	v7 =	vadd.f32 v7, v9;
	v9 =	vand.u32 $0x1, v11;
	v11 =	vshrl.u32 v3, $0x10  }
0x1ea: {  	v5 =	vadd.s32 v9, v5;
	v9 =	vand.u32 $0x1, v11  }
0x1eb: {  	v10 =	vmul.f32 v10, v47;
	v3 =	vadd.s32 v9, v3;
	v8 =	vmul.f32 v8, v48  }
0x1ec: {  	v5 =	vadd.s32 $0x7FFF, v5;
	v3 =	vadd.s32 $0x7FFF, v3  }
0x1ed: {  	[tilespmem:s31+$0x10170] =	vst v6;
	v6 =	vld [tilespmem:$0x1FF00];
	v5 =	vshrl.u32 v5, $0x10;
	v3 =	vand.u32 $0xFFFF0000, v3;
	v8 =	vadd.f32 v8, v10  }
0x1ee: {  	v3 =	vor.u32 v3, v5;
	v5 =	vld [tilespmem:$0x1FF10]  }
0x1ef: {  	v10 =	vshrl.u32 v7, $0x10;
	v9 =	vshrl.u32 v8, $0x10  }
0x1f0: {  	v10 =	vand.u32 $0x1, v10;
	v9 =	vand.u32 $0x1, v9  }
0x1f1: {  	v7 =	vadd.s32 v10, v7;
	v8 =	vadd.s32 v9, v8  }
0x1f2: {  	v6 =	vmul.f32 v6, v47;
	[tilespmem:s31+$0x10160] =	vst v3;
	v3 =	vld [tilespmem:$0x1FF20];
	v7 =	vadd.s32 $0x7FFF, v7;
	v8 =	vadd.s32 $0x7FFF, v8  }
0x1f3: {  	v7 =	vshrl.u32 v7, $0x10;
	v9 =	vld [tilespmem:$0x1FED0];
	v5 =	vmul.f32 v5, v48;
	v8 =	vand.u32 $0xFFFF0000, v8  }
0x1f4: {  	v7 =	vor.u32 v8, v7;
	v8 =	vld [tilespmem:$0x1FEC0]  }
0x1f5: {  	v5 =	vadd.f32 v5, v6;
	v6 =	vld [tilespmem:$0x1FF30];
	_ =	sdelay $0x3  }
0x1f6: {  	v9 =	vmul.f32 v9, v48;
	v8 =	vmul.f32 v8, v47  }
0x1f7: {  	v3 =	vmul.f32 v3, v47;
	[tilespmem:s31+$0x10150] =	vst v7;
	v7 =	vld [tilespmem:$0x1FEE0];
	v6 =	vmul.f32 v6, v48  }
0x1f8: {  	v8 =	vadd.f32 v9, v8;
	v9 =	vld [tilespmem:$0x1FEF0]  }
0x1f9: {  	v3 =	vadd.f32 v6, v3;
	v6 =	vshrl.u32 v5, $0x10  }
0x1fa: {  	v6 =	vand.u32 $0x1, v6  }
0x1fb: {  	v5 =	vadd.s32 v6, v5;
	v6 =	vshrl.u32 v3, $0x10  }
0x1fc: {  	v6 =	vand.u32 $0x1, v6  }
0x1fd: {  	v7 =	vmul.f32 v7, v47;
	v3 =	vadd.s32 v6, v3;
	v9 =	vmul.f32 v9, v48  }
0x1fe: {  	v5 =	vadd.s32 $0x7FFF, v5;
	v3 =	vadd.s32 $0x7FFF, v3  }
0x1ff: {  	v10 =	vld [tilespmem:$0x1FE80];
	v5 =	vshrl.u32 v5, $0x10;
	v3 =	vand.u32 $0xFFFF0000, v3;
	v7 =	vadd.f32 v9, v7  }
0x200: {  	v9 =	vshrl.u32 v8, $0x10;
	v3 =	vor.u32 v3, v5;
	v5 =	vld [tilespmem:$0x1FE90]  }
0x201: {  	v6 =	vand.u32 $0x1, v9;
	v9 =	vshrl.u32 v7, $0x10  }
0x202: {  	[tilespmem:s31+$0x10140] =	vst v3;
	v3 =	vld [tilespmem:$0x1FEA0];
	v6 =	vadd.s32 v6, v8;
	v8 =	vand.u32 $0x1, v9  }
0x203: {  	v7 =	vadd.s32 v8, v7;
	v8 =	vld [tilespmem:$0x1FEB0];
	_ =	sdelay $0x1  }
0x204: {  	v19 =	vld [tilespmem:$0x1FE40];
	v10 =	vmul.f32 v10, v47;
	v5 =	vmul.f32 v5, v48  }
0x205: {  	v11 =	vld [tilespmem:$0x1FDF0]  }
0x206: {  	s12 =	sshrl.u32 s1, $0x3;
	v5 =	vadd.f32 v5, v10;
	v10 =	vld [tilespmem:$0x1FE70]  }
0x207: {  	s0 =	sadd.s32 $0x80, s0;
	s12 =	smul.u32 $0xC00, s12;
	v12 =	vld [tilespmem:$0x1FE00];
	v3 =	vmul.f32 v3, v47;
	v8 =	vmul.f32 v8, v48  }
0x208: {  	s13 =	sand.u32 $0x380, s0;
	v1 =	vld [tilespmem:s31+$0xA970];
	v6 =	vadd.s32 $0x7FFF, v6;
	v7 =	vadd.s32 $0x7FFF, v7  }
0x209: {  	s12 =	sor.u32 s13, s12;
	[tilespmem:s31+$0x10550] =	vst v0;
	v6 =	vshrl.u32 v6, $0x10;
	v7 =	vand.u32 $0xFFFF0000, v7;
	v3 =	vadd.f32 v8, v3;
	v8 =	vld [tilespmem:$0x1FE10]  }
0x20a: {  	v9 =	vld [tilespmem:s12+$0x4100];
	v6 =	vor.u32 v7, v6  }
0x20b: {  	v11 =	vmul.f32 v11, v47;
	v7 =	vld [tilespmem:s12+$0xA100];
	[tilespmem:s31+$0x10130] =	vst v6;
	v10 =	vmul.f32 v10, v48  }
0x20c: {  	v12 =	vmul.f32 v12, v47;
	v6 =	vld [tilespmem:s12+$0x4110];
	v13 =	vshrl.u32 v5, $0x10  }
0x20d: {  	v14 =	vld [tilespmem:s12+$0xA110];
	v10 =	vadd.f32 v10, v11;
	v11 =	vand.u32 $0x1, v13;
	v13 =	vshrl.u32 v3, $0x10  }
0x20e: {  	v15 =	vld [tilespmem:s12+$0x4120];
	v5 =	vadd.s32 v11, v5;
	v11 =	vand.u32 $0x1, v13;
	v8 =	vmul.f32 v8, v48  }
0x20f: {  	v17 =	vld [tilespmem:s12+$0xA130];
	v3 =	vadd.s32 v11, v3  }
0x210: {  	v18 =	vld [tilespmem:s12+$0x4140];
	v5 =	vadd.s32 $0x7FFF, v5;
	v3 =	vadd.s32 $0x7FFF, v3;
	v8 =	vadd.f32 v8, v12  }
0x211: {  	v4 =	vmul.f32 v4, v47;
	v11 =	vld [tilespmem:s12+$0x4130];
	v5 =	vshrl.u32 v5, $0x10;
	v3 =	vand.u32 $0xFFFF0000, v3  }
0x212: {  	v13 =	vshrl.u32 v10, $0x10;
	v12 =	vld [tilespmem:s12+$0xA120];
	v3 =	vor.u32 v3, v5;
	v16 =	vshrl.u32 v8, $0x10  }
0x213: {  	v0 =	vshll.u32 v1, $0x10;
	v13 =	vand.u32 $0x1, v13;
	v5 =	vld [tilespmem:s12+$0xA140];
	[tilespmem:s31+$0x10120] =	vst v3;
	v16 =	vand.u32 $0x1, v16  }
0x214: {  	v1 =	vand.u32 $0xFFFF0000, v1;
	v10 =	vadd.s32 v13, v10;
	v3 =	vld [tilespmem:s12+$0x4150];
	v8 =	vadd.s32 v16, v8  }
0x215: {  	v0 =	vmul.f32 v0, v48;
	v10 =	vadd.s32 $0x7FFF, v10;
	v13 =	vld [tilespmem:s12+$0xA150];
	v8 =	vadd.s32 $0x7FFF, v8  }
0x216: {  	v1 =	vmul.f32 v1, v48;
	v10 =	vshrl.u32 v10, $0x10;
	v16 =	vld [tilespmem:$0x1FE30];
	v8 =	vand.u32 $0xFFFF0000, v8  }
0x217: {  	v0 =	vadd.f32 v0, v4;
	v2 =	vmul.f32 v2, v47;
	v8 =	vor.u32 v8, v10;
	v10 =	vld [tilespmem:$0x1FE20]  }
0x218: {  	v4 =	vld [tilespmem:s12+$0x4160]  }
0x219: {  	v1 =	vadd.f32 v1, v2;
	v2 =	vshrl.u32 v0, $0x10;
	[tilespmem:s31+$0x10110] =	vst v8;
	v8 =	vld [tilespmem:$0x1FE50]  }
0x21a: {  	v2 =	vand.u32 $0x1, v2  }
0x21b: {  	v0 =	vadd.s32 v2, v0;
	v2 =	vshrl.u32 v1, $0x10  }
0x21c: {  	v2 =	vand.u32 $0x1, v2;
	v16 =	vmul.f32 v16, v48;
	v10 =	vmul.f32 v10, v47  }
0x21d: {  	v19 =	vand.u32 $0xFFFF0000, v19;
	v1 =	vadd.s32 v2, v1;
	v25 =	vmov v7;
	v7 =	vld [tilespmem:s12+$0xA160]  }
0x21e: {  	v20 =	vld [tilespmem:s12+$0x4170];
	v8 =	vmul.f32 v8, v47;
	v10 =	vadd.f32 v16, v10;
	v16 =	vmul.f32 v19, v48  }
0x21f: {  	v0 =	vadd.s32 $0x7FFF, v0;
	v1 =	vadd.s32 $0x7FFF, v1;
	v21 =	vld [tilespmem:s12+$0x4500]  }
0x220: {  	v0 =	vshrl.u32 v0, $0x10;
	v1 =	vand.u32 $0xFFFF0000, v1;
	v2 =	vld [tilespmem:s12+$0x4510];
	v8 =	vadd.f32 v16, v8  }
0x221: {  	v0 =	vor.u32 v1, v0;
	v26 =	vshll.u32 v9, $0x10;
	v24 =	vld [tilespmem:s12+$0xA510];
	v22 =	vshrl.u32 v10, $0x10  }
0x222: {  	v27 =	vand.u32 $0xFFFF0000, v9;
	v1 =	vld [tilespmem:s12+$0xA520];
	v22 =	vand.u32 $0x1, v22;
	v23 =	vshrl.u32 v8, $0x10  }
0x223: {  	v9 =	vshll.u32 v14, $0x10;
	v19 =	vld [tilespmem:s12+$0xA170];
	v10 =	vadd.s32 v22, v10;
	v22 =	vand.u32 $0x1, v23  }
0x224: {  	[tilespmem:$0x1FE70] =	vst v9;
	v16 =	vld [tilespmem:s12+$0xA500];
	v8 =	vadd.s32 v22, v8  }
0x225: {  	v9 =	vshll.u32 v15, $0x10;
	v23 =	vld [tilespmem:s12+$0x4520];
	v10 =	vadd.s32 $0x7FFF, v10;
	[tilespmem:s31+$0x10970] =	vst v0;
	v8 =	vadd.s32 $0x7FFF, v8  }
0x226: {  	[tilespmem:$0x1FE80] =	vst v9;
	v9 =	vshll.u32 v12, $0x10;
	v10 =	vshrl.u32 v10, $0x10;
	v0 =	vld [tilespmem:s12+$0x4530];
	v8 =	vand.u32 $0xFFFF0000, v8  }
0x227: {  	v32 =	vshll.u32 v6, $0x10;
	v29 =	vand.u32 $0xFFFF0000, v6;
	[tilespmem:$0x1FE90] =	vst v9;
	v6 =	vld [tilespmem:s12+$0xA530];
	v8 =	vor.u32 v8, v10  }
0x228: {  	v9 =	vld [tilespmem:s12+$0x4540];
	v10 =	vshll.u32 v17, $0x10;
	[tilespmem:s31+$0x10100] =	vst v8  }
0x229: {  	v8 =	vand.u32 $0xFFFF0000, v15;
	[tilespmem:$0x1FED0] =	vst v10  }
0x22a: {  	v10 =	vand.u32 $0xFFFF0000, v11;
	[tilespmem:$0x1FEA0] =	vst v8  }
0x22b: {  	s31 =	smov.u32 s12;
	v8 =	vand.u32 $0xFFFF0000, v12;
	[tilespmem:$0x1FEE0] =	vst v10  }
0x22c: {  	v10 =	vand.u32 $0xFFFF0000, v17;
	v12 =	vld [tilespmem:s31+$0x4550];
	[tilespmem:$0x1FEB0] =	vst v8  }
0x22d: {  	v28 =	vshll.u32 v25, $0x10;
	v30 =	vand.u32 $0xFFFF0000, v14;
	v14 =	vld [tilespmem:s31+$0xA550];
	v8 =	vshll.u32 v11, $0x10;
	[tilespmem:$0x1FEF0] =	vst v10  }
0x22e: {  	v34 =	vshll.u32 v20, $0x10;
	v33 =	vand.u32 $0xFFFF0000, v20;
	v20 =	vld [tilespmem:s31+$0xA570];
	v10 =	vshll.u32 v18, $0x10;
	[tilespmem:$0x1FEC0] =	vst v8  }
0x22f: {  	v38 =	vshll.u32 v21, $0x10;
	v36 =	vand.u32 $0xFFFF0000, v21;
	v47 =	vld [tilespmem:s31+$0xA900];
	[tilespmem:$0x1FF00] =	vst v10;
	v10 =	vshll.u32 v5, $0x10  }
0x230: {  	v41 =	vshll.u32 v2, $0x10;
	v42 =	vshll.u32 v24, $0x10;
	v48 =	vld [tilespmem:s31+$0x4910];
	v5 =	vand.u32 $0xFFFF0000, v5;
	[tilespmem:$0x1FF10] =	vst v10  }
0x231: {  	v40 =	vand.u32 $0xFFFF0000, v2;
	v39 =	vand.u32 $0xFFFF0000, v24;
	v15 =	vld [tilespmem:s31+$0x4930];
	[tilespmem:$0x1FF30] =	vst v5;
	v5 =	vshll.u32 v3, $0x10  }
0x232: {  	v37 =	vshll.u32 v16, $0x10;
	v35 =	vand.u32 $0xFFFF0000, v16;
	v16 =	vld [tilespmem:s31+$0xA930];
	v3 =	vand.u32 $0xFFFF0000, v3;
	[tilespmem:$0x1FF40] =	vst v5  }
0x233: {  	v45 =	vshll.u32 v1, $0x10;
	v44 =	vand.u32 $0xFFFF0000, v1;
	v17 =	vld [tilespmem:s31+$0xA940];
	v5 =	vshll.u32 v13, $0x10;
	[tilespmem:$0x1FF60] =	vst v3  }
0x234: {  	v31 =	vand.u32 $0xFFFF0000, v19;
	v46 =	vshll.u32 v23, $0x10;
	v11 =	vld [tilespmem:s31+$0xA920];
	v3 =	vand.u32 $0xFFFF0000, v13;
	[tilespmem:$0x1FF50] =	vst v5  }
0x235: {  	v43 =	vand.u32 $0xFFFF0000, v23;
	v51 =	vshll.u32 v0, $0x10;
	v8 =	vld [tilespmem:s31+$0xA540];
	[tilespmem:$0x1FF70] =	vst v3;
	v3 =	vshll.u32 v4, $0x10  }
0x236: {  	v52 =	vshll.u32 v6, $0x10;
	v50 =	vand.u32 $0xFFFF0000, v0;
	v13 =	vld [tilespmem:s31+$0xA560];
	[tilespmem:$0x1FF80] =	vst v3;
	v3 =	vshll.u32 v7, $0x10  }
0x237: {  	v49 =	vand.u32 $0xFFFF0000, v6;
	v56 =	vshll.u32 v9, $0x10;
	v5 =	vld [tilespmem:s31+$0x4560];
	[tilespmem:$0x1FF90] =	vst v3;
	v3 =	vand.u32 $0xFFFF0000, v4  }
0x238: {  	v54 =	vand.u32 $0xFFFF0000, v9;
	v10 =	vand.u32 $0xFFFF0000, v18;
	[tilespmem:$0x1FFA0] =	vst v3;
	v3 =	vand.u32 $0xFFFF0000, v7;
	v7 =	vld [tilespmem:s31+$0x4570]  }
0x239: {  	p0 =	sne.s32 s1, $0x3F;
	v60 =	vshll.u32 v12, $0x10;
	v59 =	vshll.u32 v14, $0x10;
	[tilespmem:$0x1FFB0] =	vst v3;
	v3 =	vshll.u32 v19, $0x10;
	v19 =	vld [tilespmem:s31+$0x4900]  }
.Ltmp0:
0x23a: {  	v18 =	vld [tilespmem:s31+$0x4940];
	v58 =	vand.u32 $0xFFFF0000, v12;
	v57 =	vand.u32 $0xFFFF0000, v14;
	v2 =	vand.u32 $0xFFFF0000, v20;
	(pc) =	sbr.rel @p0 .LBB2_2-.Ltmp0, $4  }
0x23b: {  	[tilespmem:$0x1FF20] =	vst v10;
	v10 =	vld [tilespmem:s31+$0xA910];
	v55 =	vshll.u32 v8, $0x10;
	v53 =	vand.u32 $0xFFFF0000, v8;
	v63 =	vshll.u32 v13, $0x10  }
0x23c: {  	v62 =	vand.u32 $0xFFFF0000, v13;
	[tilespmem:$0x1FFC0] =	vst v3;
	v3 =	vld [tilespmem:s31+$0x4920];
	v0 =	vshll.u32 v5, $0x10;
	v61 =	vand.u32 $0xFFFF0000, v5  }
0x23d: {  	v5 =	vshll.u32 v20, $0x10;
	v20 =	vld [tilespmem:s31+$0x4950];
	v4 =	vshll.u32 v7, $0x10;
	v1 =	vand.u32 $0xFFFF0000, v7  }
0x23e: {  	s1 =	sadd.s32 $0x1, s1;
	v7 =	vshll.u32 v47, $0x10;
	v8 =	vshll.u32 v19, $0x10;
	v6 =	vand.u32 $0xFFFF0000, v19;
	v19 =	vld [tilespmem:s31+$0xA950]  }
0x23f: {  	v23 =	vld [tilespmem:s31+$0x4960]  }
0x240: {  	s0 =	sadd.s32 $0x80, s28;
	v13 =	vld [tilespmem:s31+$0xA960]  }
0x241: {  	s1 =	sadd.s32 $0x80, s29;
	v9 =	vld [tilespmem:s0+$0x0]  }
0x242: {  	v12 =	vld [tilespmem:s1+$0x0];
	_ =	sdelay $0x1  }
0x243: {  	v14 =	vshll.u32 v20, $0x10;
	v20 =	vand.u32 $0xFFFF0000, v20  }
0x244: {  	v21 =	vshll.u32 v23, $0x10;
	v22 =	vshll.u32 v13, $0x10;
	v23 =	vand.u32 $0xFFFF0000, v23  }
0x245: {  	v13 =	vand.u32 $0xFFFF0000, v13;
	v14 =	vmul.f32 v14, v9;
	v21 =	vmul.f32 v21, v9  }
0x246: {  	v22 =	vmul.f32 v22, v12;
	v24 =	vmul.f32 v23, v9;
	v23 =	vshll.u32 v19, $0x10  }
0x247: {  	v19 =	vand.u32 $0xFFFF0000, v19;
	v13 =	vmul.f32 v13, v12;
	v23 =	vmul.f32 v23, v12  }
0x248: {  	v20 =	vmul.f32 v20, v9;
	v19 =	vmul.f32 v19, v12;
	v21 =	vadd.f32 v22, v21  }
0x249: {  	v24 =	vadd.f32 v13, v24;
	v13 =	vadd.f32 v23, v14  }
0x24a: {  	v8 =	vmul.f32 v8, v9;
	v0 =	vmul.f32 v0, v9;
	v14 =	vadd.f32 v19, v20  }
0x24b: {  	v19 =	vshrl.u32 v21, $0x10;
	v20 =	vshrl.u32 v24, $0x10;
	v22 =	vshrl.u32 v13, $0x10  }
0x24c: {  	v19 =	vand.u32 $0x1, v19;
	v20 =	vand.u32 $0x1, v20;
	v22 =	vand.u32 $0x1, v22  }
0x24d: {  	v19 =	vadd.s32 v19, v21;
	v23 =	vadd.s32 v20, v24;
	v24 =	vand.u32 $0xFFFF0000, v18  }
0x24e: {  	v20 =	vshll.u32 v18, $0x10;
	v13 =	vadd.s32 v22, v13;
	v18 =	vmul.f32 v24, v9  }
0x24f: {  	v24 =	vshrl.u32 v14, $0x10;
	[tilespmem:$0x1FDB0] =	vst v13;
	v13 =	vshll.u32 v17, $0x10;
	v17 =	vand.u32 $0xFFFF0000, v17  }
0x250: {  	v22 =	vand.u32 $0x1, v24;
	v24 =	vshll.u32 v16, $0x10;
	v21 =	vmul.f32 v13, v12  }
0x251: {  	v13 =	vadd.s32 $0x7FFF, v23;
	v17 =	vmul.f32 v17, v12;
	v23 =	vshll.u32 v15, $0x10  }
0x252: {  	v24 =	vmul.f32 v24, v12;
	v23 =	vmul.f32 v23, v9  }
0x253: {  	v29 =	vmul.f32 v29, v9;
	v20 =	vmul.f32 v20, v9  }
0x254: {  	v19 =	vadd.s32 $0x7FFF, v19;
	v17 =	vadd.f32 v17, v18;
	v18 =	vadd.f32 v24, v23;
	v23 =	vld [tilespmem:$0x1FDB0]  }
0x255: {  	v19 =	vshrl.u32 v19, $0x10;
	v14 =	vadd.s32 v22, v14;
	v22 =	vand.u32 $0xFFFF0000, v16  }
0x256: {  	v13 =	vand.u32 $0xFFFF0000, v13;
	v14 =	vadd.s32 $0x7FFF, v14;
	v20 =	vadd.f32 v21, v20  }
0x257: {  	v16 =	vmul.f32 v22, v12;
	v13 =	vor.u32 v13, v19;
	v21 =	vand.u32 $0xFFFF0000, v15  }
0x258: {  	v14 =	vand.u32 $0xFFFF0000, v14;
	v15 =	vmul.f32 v21, v9;
	v24 =	vshrl.u32 v20, $0x10  }
0x259: {  	[tilespmem:$0x1FDC0] =	vst v13;
	v19 =	vand.u32 $0x1, v24;
	v22 =	vshrl.u32 v18, $0x10;
	v13 =	vadd.s32 $0x7FFF, v23  }
0x25a: {  	v24 =	vshll.u32 v3, $0x10;
	v21 =	vadd.s32 v19, v20;
	v13 =	vshrl.u32 v13, $0x10  }
0x25b: {  	v20 =	vshrl.u32 v17, $0x10;
	v23 =	vor.u32 v14, v13;
	v14 =	vadd.f32 v16, v15  }
0x25c: {  	v13 =	vand.u32 $0x1, v20;
	v15 =	vand.u32 $0x1, v22;
	v22 =	vshll.u32 v11, $0x10  }
0x25d: {  	v16 =	vmul.f32 v24, v9;
	v20 =	vand.u32 $0xFFFF0000, v3;
	v19 =	vmul.f32 v22, v12  }
0x25e: {  	v13 =	vadd.s32 v13, v17;
	v15 =	vadd.s32 v15, v18;
	v17 =	vshll.u32 v48, $0x10  }
0x25f: {  	v18 =	vand.u32 $0xFFFF0000, v48;
	v22 =	vand.u32 $0xFFFF0000, v11;
	v3 =	vmul.f32 v20, v9  }
0x260: {  	v48 =	vand.u32 $0xFFFF0000, v10;
	v24 =	vshrl.u32 v14, $0x10;
	v11 =	vmul.f32 v22, v12  }
0x261: {  	v17 =	vmul.f32 v17, v9;
	v22 =	vmul.f32 v18, v9;
	v13 =	vadd.s32 $0x7FFF, v13  }
0x262: {  	v20 =	vadd.s32 $0x7FFF, v15;
	v24 =	vand.u32 $0x1, v24;
	v16 =	vadd.f32 v19, v16  }
0x263: {  	v14 =	vadd.s32 v24, v14;
	v24 =	vshll.u32 v10, $0x10;
	v3 =	vadd.f32 v11, v3  }
0x264: {  	v10 =	vmul.f32 v48, v12;
	v48 =	vmovc v12;
	v19 =	vmul.f32 v24, v12;
	v24 =	vadd.s32 $0x7FFF, v21  }
0x265: {  	v14 =	vadd.s32 $0x7FFF, v14;
	v21 =	vshrl.u32 v16, $0x10;
	v7 =	vmul.f32 v7, v48  }
0x266: {  	v2 =	vmul.f32 v2, v48;
	v30 =	vmul.f32 v30, v48;
	v10 =	vadd.f32 v10, v22  }
0x267: {  	v18 =	vshrl.u32 v24, $0x10;
	v14 =	vand.u32 $0xFFFF0000, v14;
	v15 =	vand.u32 $0x1, v21  }
0x268: {  	v21 =	vand.u32 $0xFFFF0000, v47;
	v47 =	vmul.f32 v4, v9;
	v17 =	vadd.f32 v19, v17  }
0x269: {  	v19 =	vand.u32 $0xFFFF0000, v13;
	v13 =	vshrl.u32 v20, $0x10;
	v22 =	vadd.s32 v15, v16  }
0x26a: {  	v16 =	vshrl.u32 v3, $0x10;
	v15 =	vmul.f32 v5, v48;
	v11 =	vor.u32 v19, v18  }
0x26b: {  	v24 =	vor.u32 v14, v13;
	v19 =	vshrl.u32 v10, $0x10;
	v12 =	vand.u32 $0x1, v16  }
0x26c: {  	v16 =	vadd.f32 v7, v8;
	v18 =	vshrl.u32 v17, $0x10;
	v14 =	vand.u32 $0x1, v19  }
0x26d: {  	[tilespmem:$0x1FDD0] =	vst v11;
	v3 =	vadd.s32 v12, v3;
	v11 =	vadd.s32 $0x7FFF, v22;
	v22 =	vmul.f32 v6, v9  }
0x26e: {  	v13 =	vand.u32 $0x1, v18;
	v10 =	vadd.s32 v14, v10;
	v3 =	vadd.s32 $0x7FFF, v3  }
0x26f: {  	v11 =	vshrl.u32 v11, $0x10;
	v20 =	vadd.s32 v13, v17;
	v3 =	vand.u32 $0xFFFF0000, v3  }
0x270: {  	v13 =	vmul.f32 v21, v48;
	v19 =	vadd.s32 $0x7FFF, v10;
	v21 =	vshrl.u32 v16, $0x10  }
0x271: {  	v6 =	vor.u32 v3, v11;
	v18 =	vadd.s32 $0x7FFF, v20;
	v3 =	vadd.f32 v15, v47  }
0x272: {  	v4 =	vand.u32 $0xFFFF0000, v19;
	v20 =	vmul.f32 v1, v9;
	v17 =	vadd.f32 v13, v22  }
0x273: {  	v8 =	vshrl.u32 v18, $0x10;
	v22 =	vand.u32 $0x1, v21;
	v18 =	vmul.f32 v62, v48  }
0x274: {  	v21 =	vmul.f32 v59, v48;
	v62 =	vmul.f32 v58, v9;
	v1 =	vor.u32 v4, v8  }
0x275: {  	v4 =	vadd.s32 v22, v16;
	v2 =	vadd.f32 v2, v20;
	v16 =	vmul.f32 v63, v48  }
0x276: {  	v15 =	vshrl.u32 v3, $0x10;
	v20 =	vmul.f32 v60, v9;
	v63 =	vmul.f32 v57, v48  }
0x277: {  	v57 =	vmul.f32 v53, v48;
	v53 =	vmul.f32 v44, v48;
	v47 =	vshrl.u32 v17, $0x10  }
0x278: {  	v7 =	vand.u32 $0x1, v15;
	v60 =	vadd.s32 $0x7FFF, v4;
	v14 =	vand.u32 $0x1, v47  }
0x279: {  	v19 =	vshrl.u32 v2, $0x10;
	v3 =	vadd.s32 v7, v3;
	v22 =	vadd.f32 v16, v0  }
0x27a: {  	v59 =	vadd.f32 v21, v20;
	v0 =	vshrl.u32 v60, $0x10;
	v60 =	vmul.f32 v52, v48  }
0x27b: {  	v52 =	vmul.f32 v43, v9;
	v43 =	vmul.f32 v34, v9;
	v5 =	vadd.s32 v14, v17  }
0x27c: {  	v17 =	vmul.f32 v61, v9;
	v12 =	vand.u32 $0x1, v19;
	v3 =	vadd.s32 $0x7FFF, v3  }
0x27d: {  	v2 =	vadd.s32 v12, v2;
	v61 =	vadd.s32 $0x7FFF, v5;
	v3 =	vshrl.u32 v3, $0x10  }
0x27e: {  	v20 =	vshrl.u32 v59, $0x10;
	v47 =	vadd.f32 v18, v17;
	v2 =	vadd.s32 $0x7FFF, v2  }
0x27f: {  	v4 =	vand.u32 $0xFFFF0000, v61;
	v17 =	vadd.f32 v63, v62;
	v18 =	vshrl.u32 v22, $0x10  }
0x280: {  	v11 =	vand.u32 $0x1, v20;
	v61 =	vmul.f32 v50, v9;
	v62 =	vmul.f32 v49, v48  }
0x281: {  	v16 =	vand.u32 $0xFFFF0000, v2;
	v2 =	vor.u32 v4, v0;
	v4 =	vand.u32 $0x1, v18  }
0x282: {  	v21 =	vadd.s32 v11, v59;
	v59 =	vmul.f32 v51, v9;
	v51 =	vmul.f32 v45, v48  }
0x283: {  	v0 =	vor.u32 v16, v3;
	v19 =	vshrl.u32 v47, $0x10;
	v4 =	vadd.s32 v4, v22  }
0x284: {  	v22 =	vmul.f32 v56, v9;
	v56 =	vmul.f32 v54, v9;
	v7 =	vadd.s32 $0x7FFF, v21  }
0x285: {  	v21 =	vadd.f32 v62, v61;
	v61 =	vmul.f32 v39, v48;
	v39 =	vmul.f32 v38, v9  }
0x286: {  	[tilespmem:s31+$0x10900] =	vst v2;
	v2 =	vadd.f32 v30, v29;
	v5 =	vand.u32 $0x1, v19;
	v4 =	vadd.s32 $0x7FFF, v4  }
0x287: {  	v7 =	vshrl.u32 v7, $0x10;
	v63 =	vadd.f32 v60, v59;
	v60 =	vmul.f32 v40, v9  }
0x288: {  	v40 =	vmul.f32 v37, v48;
	v5 =	vadd.s32 v5, v47;
	v47 =	vmul.f32 v55, v48  }
0x289: {  	v55 =	vshrl.u32 v17, $0x10;
	v58 =	vadd.f32 v57, v56;
	v4 =	vshrl.u32 v4, $0x10  }
0x28a: {  	v50 =	vshrl.u32 v21, $0x10;
	v56 =	vadd.f32 v53, v52;
	v57 =	vmul.f32 v41, v9  }
0x28b: {  	v41 =	vmul.f32 v36, v9;
	v11 =	vand.u32 $0x1, v55;
	v5 =	vadd.s32 $0x7FFF, v5  }
0x28c: {  	v49 =	vshrl.u32 v63, $0x10;
	v19 =	vadd.f32 v61, v60;
	v3 =	vadd.s32 v11, v17  }
0x28d: {  	v8 =	vadd.f32 v47, v22;
	v5 =	vand.u32 $0xFFFF0000, v5;
	v22 =	vshrl.u32 v58, $0x10  }
0x28e: {  	v47 =	vmul.f32 v46, v9;
	v18 =	vshrl.u32 v56, $0x10;
	v46 =	vmul.f32 v33, v9  }
0x28f: {  	v3 =	vadd.s32 $0x7FFF, v3;
	v5 =	vor.u32 v5, v4;
	v12 =	vand.u32 $0x1, v22  }
0x290: {  	v22 =	vshrl.u32 v19, $0x10;
	v3 =	vand.u32 $0xFFFF0000, v3;
	v20 =	vshrl.u32 v8, $0x10  }
0x291: {  	v10 =	vadd.s32 v12, v58;
	v12 =	vand.u32 $0x1, v50;
	v58 =	vmul.f32 v42, v48  }
0x292: {  	v55 =	vadd.f32 v51, v47;
	v42 =	vmul.f32 v35, v48;
	v47 =	vmul.f32 v31, v48  }
0x293: {  	v4 =	vor.u32 v3, v7;
	v7 =	vand.u32 $0x1, v20;
	v54 =	vadd.s32 v12, v21  }
0x294: {  	v10 =	vadd.s32 $0x7FFF, v10;
	v12 =	vand.u32 $0x1, v22;
	v7 =	vadd.s32 v7, v8  }
0x295: {  	v8 =	vand.u32 $0x1, v49;
	v10 =	vand.u32 $0xFFFF0000, v10;
	v13 =	vadd.f32 v58, v57  }
0x296: {  	v62 =	vshrl.u32 v55, $0x10;
	v12 =	vadd.s32 v12, v19;
	v14 =	vadd.f32 v42, v41  }
0x297: {  	v16 =	vadd.f32 v47, v46;
	v3 =	vadd.s32 v8, v63;
	v7 =	vadd.s32 $0x7FFF, v7  }
0x298: {  	v8 =	vadd.s32 $0x7FFF, v54;
	v63 =	vand.u32 $0x1, v62;
	v12 =	vadd.s32 $0x7FFF, v12  }
0x299: {  	v7 =	vshrl.u32 v7, $0x10;
	v3 =	vadd.s32 $0x7FFF, v3;
	v59 =	vand.u32 $0xFFFF0000, v8  }
0x29a: {  	v61 =	vld [tilespmem:$0x1FF50];
	v20 =	vshrl.u32 v13, $0x10;
	v12 =	vand.u32 $0xFFFF0000, v12;
	v50 =	vshrl.u32 v14, $0x10  }
0x29b: {  	v60 =	vld [tilespmem:$0x1FF40];
	v53 =	vshrl.u32 v16, $0x10;
	v3 =	vshrl.u32 v3, $0x10;
	v8 =	vor.u32 v10, v7  }
0x29c: {  	v10 =	vand.u32 $0x1, v18;
	v21 =	vand.u32 $0x1, v20;
	v17 =	vand.u32 $0x1, v53  }
0x29d: {  	v54 =	vld [tilespmem:$0x1FF90];
	v7 =	vor.u32 v59, v3;
	v3 =	vadd.s32 v63, v55;
	v10 =	vadd.s32 v10, v56  }
0x29e: {  	v44 =	vld [tilespmem:$0x1FFC0];
	v11 =	vadd.s32 v21, v13;
	v13 =	vadd.f32 v40, v39;
	v16 =	vadd.s32 v17, v16  }
0x29f: {  	v49 =	vld [tilespmem:$0x1FF80];
	v17 =	vmul.f32 v61, v48;
	v3 =	vadd.s32 $0x7FFF, v3;
	v10 =	vadd.s32 $0x7FFF, v10  }
0x2a0: {  	v55 =	vld [tilespmem:$0x1FFA0];
	v11 =	vadd.s32 $0x7FFF, v11;
	v59 =	vadd.s32 $0x7FFF, v16;
	v16 =	vmul.f32 v60, v9  }
0x2a1: {  	v56 =	vld [tilespmem:$0x1FFB0];
	v3 =	vshrl.u32 v3, $0x10;
	v10 =	vand.u32 $0xFFFF0000, v10;
	v11 =	vshrl.u32 v11, $0x10  }
0x2a2: {  	v45 =	vshrl.u32 v13, $0x10;
	v18 =	vmul.f32 v54, v48;
	v10 =	vor.u32 v10, v3  }
0x2a3: {  	v42 =	vld [tilespmem:$0x1FED0];
	v3 =	vor.u32 v12, v11;
	v12 =	vmul.f32 v44, v48;
	v15 =	vand.u32 $0x1, v45  }
0x2a4: {  	v62 =	vld [tilespmem:$0x1FF60];
	v16 =	vadd.f32 v17, v16;
	v13 =	vadd.s32 v15, v13;
	v15 =	vand.u32 $0x1, v50  }
0x2a5: {  	v63 =	vld [tilespmem:$0x1FF70];
	v11 =	vadd.f32 v12, v43;
	v12 =	vmul.f32 v49, v9;
	v13 =	vadd.s32 $0x7FFF, v13  }
0x2a6: {  	v14 =	vadd.s32 v15, v14;
	v19 =	vmul.f32 v55, v9;
	v20 =	vmul.f32 v56, v48  }
0x2a7: {  	v37 =	vld [tilespmem:$0x1FF10];
	v33 =	vshrl.u32 v16, $0x10;
	v13 =	vshrl.u32 v13, $0x10;
	v14 =	vadd.s32 $0x7FFF, v14  }
0x2a8: {  	v34 =	vand.u32 $0x1, v33;
	v51 =	vshrl.u32 v11, $0x10;
	v14 =	vand.u32 $0xFFFF0000, v14  }
0x2a9: {  	v43 =	vld [tilespmem:$0x1FEE0];
	v12 =	vadd.f32 v18, v12;
	v57 =	vadd.f32 v20, v19;
	v18 =	vmul.f32 v62, v9  }
0x2aa: {  	v35 =	vld [tilespmem:$0x1FF00];
	v19 =	vmul.f32 v63, v48;
	v20 =	vmul.f32 v42, v48;
	v52 =	vand.u32 $0x1, v51  }
0x2ab: {  	v45 =	vld [tilespmem:$0x1FEF0];
	v15 =	vadd.s32 v52, v11;
	v11 =	vor.u32 v14, v13;
	v21 =	vshrl.u32 v12, $0x10  }
0x2ac: {  	v31 =	vshrl.u32 v57, $0x10;
	v18 =	vadd.f32 v19, v18;
	v19 =	vmul.f32 v37, v48  }
0x2ad: {  	v58 =	vadd.s32 $0x7FFF, v15;
	v15 =	vand.u32 $0xFFFF0000, v59;
	v22 =	vand.u32 $0x1, v21  }
0x2ae: {  	v41 =	vld [tilespmem:$0x1FEC0];
	v17 =	vand.u32 $0x1, v31;
	v21 =	vmul.f32 v43, v9;
	v14 =	vshrl.u32 v58, $0x10  }
0x2af: {  	v39 =	vld [tilespmem:$0x1FF20];
	v12 =	vadd.s32 v22, v12;
	v13 =	vadd.s32 v17, v57;
	v17 =	vmul.f32 v35, v9  }
0x2b0: {  	v40 =	vld [tilespmem:$0x1FF30];
	v36 =	vshrl.u32 v18, $0x10;
	v22 =	vmul.f32 v45, v48;
	v45 =	vmul.f32 v26, v9  }
0x2b1: {  	v56 =	vld [tilespmem:$0x1FE90];
	v14 =	vor.u32 v15, v14;
	v12 =	vadd.s32 $0x7FFF, v12;
	v15 =	vadd.s32 v34, v16  }
0x2b2: {  	v13 =	vadd.s32 $0x7FFF, v13;
	v16 =	vand.u32 $0x1, v36;
	v36 =	vshrl.u32 v2, $0x10  }
0x2b3: {  	v51 =	vld [tilespmem:$0x1FE80];
	v12 =	vshrl.u32 v12, $0x10;
	v13 =	vand.u32 $0xFFFF0000, v13;
	v16 =	vadd.s32 v16, v18  }
0x2b4: {  	v59 =	vld [tilespmem:$0x1FEB0];
	v38 =	vadd.f32 v19, v17;
	v15 =	vadd.s32 $0x7FFF, v15;
	v17 =	vmul.f32 v39, v9  }
0x2b5: {  	v58 =	vld [tilespmem:$0x1FEA0];
	v18 =	vmul.f32 v40, v48;
	v19 =	vmul.f32 v41, v9;
	v47 =	vadd.f32 v22, v21  }
0x2b6: {  	v57 =	vld [tilespmem:s31+$0x4970];
	v21 =	vmul.f32 v56, v48;
	v12 =	vor.u32 v13, v12;
	v16 =	vadd.s32 $0x7FFF, v16  }
0x2b7: {  	v15 =	vshrl.u32 v15, $0x10;
	v16 =	vand.u32 $0xFFFF0000, v16;
	v17 =	vadd.f32 v18, v17  }
0x2b8: {  	v31 =	vld [tilespmem:s31+$0xA970];
	v44 =	vshrl.u32 v38, $0x10;
	v46 =	vadd.f32 v20, v19;
	v20 =	vmul.f32 v51, v9  }
0x2b9: {  	[tilespmem:s31+$0x10930] =	vst v24;
	v54 =	vshrl.u32 v47, $0x10;
	v24 =	vmul.f32 v59, v48;
	v15 =	vor.u32 v16, v15  }
0x2ba: {  	[tilespmem:s31+$0x10950] =	vst v23;
	v18 =	vand.u32 $0x1, v44;
	v55 =	vand.u32 $0x1, v54;
	v23 =	vmul.f32 v58, v9  }
0x2bb: {  	v37 =	vshll.u32 v57, $0x10;
	v39 =	vand.u32 $0xFFFF0000, v57;
	v13 =	vadd.s32 v18, v38  }
0x2bc: {  	v49 =	vshrl.u32 v17, $0x10;
	v52 =	vshrl.u32 v46, $0x10;
	v60 =	vadd.s32 v55, v47  }
0x2bd: {  	v50 =	vld [tilespmem:$0x1FDC0];
	v61 =	vadd.f32 v21, v20;
	v21 =	vmul.f32 v32, v9;
	v38 =	vshll.u32 v31, $0x10  }
0x2be: {  	v43 =	vmul.f32 v39, v9;
	v47 =	vmul.f32 v28, v48;
	v13 =	vadd.s32 $0x7FFF, v13  }
0x2bf: {  	v19 =	vand.u32 $0x1, v49;
	v62 =	vadd.f32 v24, v23;
	v63 =	vadd.s32 $0x7FFF, v60  }
0x2c0: {  	v41 =	vmul.f32 v38, v48;
	v49 =	vand.u32 $0xFFFF0000, v25;
	v17 =	vadd.s32 v19, v17  }
0x2c1: {  	v13 =	vshrl.u32 v13, $0x10;
	v19 =	vand.u32 $0x1, v52;
	v24 =	vand.u32 $0xFFFF0000, v63  }
0x2c2: {  	[tilespmem:s31+$0x10960] =	vst v50;
	v23 =	vld [tilespmem:$0x1FE70];
	v32 =	vshrl.u32 v61, $0x10;
	v50 =	vmul.f32 v49, v48;
	v51 =	vadd.f32 v47, v45  }
0x2c3: {  	v17 =	vadd.s32 $0x7FFF, v17;
	v16 =	vadd.s32 v19, v46;
	v33 =	vshrl.u32 v62, $0x10  }
0x2c4: {  	[tilespmem:s31+$0x10920] =	vst v6;
	v46 =	vmul.f32 v27, v9;
	v17 =	vand.u32 $0xFFFF0000, v17;
	v16 =	vadd.s32 $0x7FFF, v16  }
0x2c5: {  	[tilespmem:s31+$0x10910] =	vst v1;
	v34 =	vand.u32 $0x1, v33;
	v54 =	vshrl.u32 v51, $0x10;
	v13 =	vor.u32 v17, v13  }
0x2c6: {  	[tilespmem:s31+$0x10510] =	vst v3;
	v16 =	vshrl.u32 v16, $0x10;
	v17 =	vadd.s32 v34, v62;
	v3 =	vadd.f32 v50, v46  }
0x2c7: {  	[tilespmem:s31+$0x10570] =	vst v0;
	v53 =	vld [tilespmem:$0x1FDD0];
	v18 =	vmul.f32 v23, v48;
	v0 =	vor.u32 v24, v16;
	v16 =	vand.u32 $0xFFFF0000, v31  }
0x2c8: {  	[tilespmem:s31+$0x10560] =	vst v5;
	v55 =	vand.u32 $0x1, v54;
	v40 =	vadd.s32 $0x7FFF, v17;
	v16 =	vmul.f32 v16, v48  }
0x2c9: {  	[tilespmem:s31+$0x10550] =	vst v4;
	v56 =	vshrl.u32 v3, $0x10;
	v6 =	vadd.f32 v18, v21;
	v18 =	vand.u32 $0x1, v32  }
0x2ca: {  	[tilespmem:s31+$0x10540] =	vst v8;
	v42 =	vand.u32 $0xFFFF0000, v40;
	v57 =	vand.u32 $0x1, v56;
	v1 =	vadd.s32 v18, v61  }
0x2cb: {  	[tilespmem:s31+$0x10530] =	vst v7;
	v18 =	vand.u32 $0x1, v36;
	v5 =	vadd.f32 v16, v43;
	v35 =	vshrl.u32 v6, $0x10  }
0x2cc: {  	[tilespmem:s31+$0x10940] =	vst v53;
	v58 =	vadd.s32 v57, v3;
	v2 =	vadd.s32 v18, v2;
	v19 =	vand.u32 $0x1, v35  }
0x2cd: {  	[tilespmem:s31+$0x10520] =	vst v10;
	v1 =	vadd.s32 $0x7FFF, v1;
	v6 =	vadd.s32 v19, v6;
	v19 =	vmul.f32 v37, v9  }
0x2ce: {  	[tilespmem:s31+$0x10130] =	vst v0;
	v0 =	vadd.s32 $0x7FFF, v58;
	v1 =	vshrl.u32 v1, $0x10;
	v2 =	vadd.s32 $0x7FFF, v2  }
0x2cf: {  	[tilespmem:s31+$0x10500] =	vst v11;
	v53 =	vshrl.u32 v5, $0x10;
	v0 =	vand.u32 $0xFFFF0000, v0;
	v44 =	vadd.f32 v41, v19  }
0x2d0: {  	[tilespmem:s31+$0x10170] =	vst v14;
	v1 =	vor.u32 v42, v1;
	v2 =	vand.u32 $0xFFFF0000, v2;
	v6 =	vadd.s32 $0x7FFF, v6  }
0x2d1: {  	[tilespmem:s31+$0x10160] =	vst v12;
	v7 =	vand.u32 $0x1, v53;
	v6 =	vshrl.u32 v6, $0x10;
	v52 =	vshrl.u32 v44, $0x10  }
0x2d2: {  	[tilespmem:s31+$0x10150] =	vst v15;
	v2 =	vor.u32 v2, v6;
	v6 =	vadd.s32 v55, v51;
	v8 =	vand.u32 $0x1, v52  }
0x2d3: {  	[tilespmem:s31+$0x10140] =	vst v13;
	v5 =	vadd.s32 v7, v5;
	v62 =	vadd.s32 $0x7FFF, v6;
	v4 =	vadd.s32 v8, v44  }
0x2d4: {  	[tilespmem:s31+$0x10120] =	vst v1;
	v60 =	vadd.s32 $0x7FFF, v5;
	v63 =	vshrl.u32 v62, $0x10;
	v4 =	vadd.s32 $0x7FFF, v4  }
0x2d5: {  	s26 =	sadd.s32 $0x1, s26;
	v61 =	vand.u32 $0xFFFF0000, v60;
	[tilespmem:s31+$0x10110] =	vst v2;
	v0 =	vor.u32 v0, v63;
	v59 =	vshrl.u32 v4, $0x10  }
0x2d6: {  	p0 =	sne.s32 s26, s10;
	[tilespmem:s31+$0x10100] =	vst v0;
	v1 =	vor.u32 v61, v59  }
.Ltmp1:
0x2d7: {  	[tilespmem:s31+$0x10970] =	vst v1;
	(pc) =	sbr.rel @p0 .LBB2_1-.Ltmp1, $4  }
0x2d8: {  	[hbm4b:s9+s2] =	stream.linear.scatter [tilespmem:s25], [sflag:$0x2], $0x6000, $0x38;
	[tilespmem:$0x16100] =	vst v63  }
0x2d9: {  	_ =	swait.ge [sflag:s11], $0x6000  }
0x2da: {  	[sflag:s11] =	ssyncset.done $0x0  }
0x2db: {  	[sflag:s11] =	ssyncadd.s32 $0xFFFFA000  }
0x2dc: {  	_ =	sfence.sel $0x180000  }
0x2dd: {  	[bflag:$0x0] =	sbarrier.arrive $0xFFFF  }
0x2de: {  	_ =	strace $0x9000004A  }
0x2df: {  	s0 =	stileid.u32;
	[bflag:$0x2] =	sbarrier.arrive $0xFFFF  }
0x2e0: {  	p0 =	sne.s32 s0, $0x0;
	s0 =	rddreg [dreg:$0x2]  }
0x2e1: {  	s0 =	sadd.s32 @!p0 $0x100000, s0  }
0x2e2: {  	[sflag:s0] =	ssyncadd.tile.s32 @!p0 $0x1;
	_ =	shalt  }
.Lfunc_end2:
_tile_overlayer_lowered:
.L_overlay_start_2:
0x2e3: {  	(tag) =	ssettag $0x2  }
0x2e4: {  	s0 =	rddreg [dreg:$0x0];
	s2 =	stileid.u32  }
0x2e5: {  	s1 =	rddreg [dreg:$0x1];
	p0 =	sne.s32 s2, $0x0  }
0x2e6: {  	s3 =	rddreg [dreg:$0x2];
	[bflag:$0x3] =	sbarrier.arrive $0xFFFF;
	s2 =	simm.s32 @!p0 $0x1C02  }
0x2e7: {  	[timem:s3], [sflag:s2] =	dma.local @!p0 [hbm:s0], s1  }
0x2e8: {  	s0 =	simm.s32 @!p0 $0x2  }
0x2e9: {  	_ =	swait.ge @!p0 [sflag:s0], s1  }
0x2ea: {  	s1 =	ssub.s32 @!p0 $0x0, s1;
	[sflag:s0] =	ssyncset.done @!p0 $0x0  }
0x2eb: {  	[sflag:s0] =	ssyncadd.s32 @!p0 s1  }
0x2ec: {  	[bflag:$0x3] =	sbarrier.arrive $0xFFFF  }
0x2ed: {  	_ =	shalt  }

</sc_bundles>
